<compile_context>
chip_gen: v7x
topology: tpu7x:2x2x1
jax: 0.10.2.dev20260603
libtpu: 0.0.44.dev20260713+nightly
codegen_flags: <defaults>
</compile_context>

<pallas_src>
import functools

import jax
import jax.numpy as jnp
from jax import lax
from jax.experimental import pallas as pl
from jax.experimental.pallas import tpu as pltpu
from jax.experimental.pallas import tpu_sc as plsc

B = 16384
UNIFIED = 64
DIM_MID = 32
DIM_TAIL = 16
NC = 2
NS = 16
NW = NC * NS
RPW = B // NW
GCH = 128
NCH = RPW // GCH


def _body(xr_hbm, gr_hbm, head_hbm, mid_hbm, tail_hbm, wtm_hbm, bm_hbm,
          wtt_hbm, bt_hbm, out_hbm,
          xidx, gv, bufh, bufm, buft, outb, wtmv, bmv, wttv, btv, sem):
    wid = lax.axis_index("s") * NC + lax.axis_index("c")

    pltpu.sync_copy(xr_hbm.at[wid], xidx)
    pltpu.sync_copy(gr_hbm.at[wid], gv.at[pl.ds(0, RPW)])
    pltpu.sync_copy(wtm_hbm, wtmv)
    pltpu.sync_copy(bm_hbm, bmv)
    pltpu.sync_copy(wtt_hbm, wttv)
    pltpu.sync_copy(bt_hbm, btv)

    cps = []
    for j in range(NCH):
        cps.append(pltpu.async_copy(
            head_hbm.at[xidx.at[j]], bufh.at[pl.ds(j * GCH, GCH)], sem))
        cps.append(pltpu.async_copy(
            mid_hbm.at[xidx.at[j]], bufm.at[pl.ds(j * GCH, GCH)], sem))
        cps.append(pltpu.async_copy(
            tail_hbm.at[xidx.at[j]], buft.at[pl.ds(j * GCH, GCH)], sem))
    for c in cps:
        c.wait()

    def row(r, carry):
        g = gv[pl.ds(r, 16)][0]

        @pl.when(g == 0)
        def _():
            for j in range(4):
                outb[r, pl.ds(j * 16, 16)] = bufh[r, pl.ds(j * 16, 16)]

        @pl.when(g == 1)
        def _():
            ev = [bufm[r, pl.ds(h * 16, 16)] for h in range(DIM_MID // 16)]
            acc = [bmv[pl.ds(j * 16, 16)] for j in range(4)]
            for k in range(DIM_MID):
                e = ev[k // 16][k % 16]
                for j in range(4):
                    acc[j] = acc[j] + e * wtmv[k, pl.ds(j * 16, 16)]
            for j in range(4):
                outb[r, pl.ds(j * 16, 16)] = acc[j]

        @pl.when(g == 2)
        def _():
            ev = [buft[r, pl.ds(h * 16, 16)] for h in range(DIM_TAIL // 16)]
            acc = [btv[pl.ds(j * 16, 16)] for j in range(4)]
            for k in range(DIM_TAIL):
                e = ev[k // 16][k % 16]
                for j in range(4):
                    acc[j] = acc[j] + e * wttv[k, pl.ds(j * 16, 16)]
            for j in range(4):
                outb[r, pl.ds(j * 16, 16)] = acc[j]

        return carry

    lax.fori_loop(0, RPW, row, 0)
    pltpu.sync_copy(outb, out_hbm.at[wid])


@jax.jit
def _run(xr, gr, head_table, mid_table, tail_table, wtm, b_mid, wtt, b_tail):
    mesh = plsc.VectorSubcoreMesh(core_axis_name="c", subcore_axis_name="s")
    f = functools.partial(
        pl.kernel,
        mesh=mesh,
        compiler_params=pltpu.CompilerParams(use_tc_tiling_on_sc=False),
        out_type=jax.ShapeDtypeStruct((NW, RPW, UNIFIED), jnp.float32),
        scratch_types=[
            pltpu.VMEM((NCH, GCH), jnp.int32),
            pltpu.VMEM((RPW + 16,), jnp.int32),
            pltpu.VMEM((RPW, UNIFIED), jnp.float32),
            pltpu.VMEM((RPW, DIM_MID), jnp.float32),
            pltpu.VMEM((RPW, DIM_TAIL), jnp.float32),
            pltpu.VMEM((RPW, UNIFIED), jnp.float32),
            pltpu.VMEM((DIM_MID, UNIFIED), jnp.float32),
            pltpu.VMEM((UNIFIED,), jnp.float32),
            pltpu.VMEM((DIM_TAIL, UNIFIED), jnp.float32),
            pltpu.VMEM((UNIFIED,), jnp.float32),
            pltpu.SemaphoreType.DMA,
        ],
    )(_body)
    return f(xr, gr, head_table, mid_table, tail_table, wtm, b_mid, wtt,
             b_tail)


def kernel(x, frequency_groups, head_table, mid_table, tail_table, W_mid,
           b_mid, W_tail, b_tail):
    xr = x.reshape(NW, NCH, GCH)
    gr = frequency_groups.reshape(NW, RPW)
    wtm = W_mid.T
    wtt = W_tail.T
    out = _run(xr, gr, head_table, mid_table, tail_table, wtm, b_mid, wtt,
               b_tail)
    return out.reshape(B, UNIFIED)

# --- scband reference (transcript-rebuilt; emitter-appended) ---
"""Pipeline reference for scband-mixed-dim-linear-embedding-43705587204389 (READ-ONLY COPY).

The authoritative reference and input builder live on the scoring server;
editing this copy changes nothing except your own understanding.
"""

import jax, jax.numpy as jnp
import numpy as np

B = 16384
NUM_HEAD = 100000
NUM_MID = 1000000
NUM_TAIL = 1000000
DIM_HEAD = 64
DIM_MID = 32
DIM_TAIL = 16
UNIFIED = 64


def setup_inputs(seed: int = 0) -> dict:
    key = jax.random.key(seed)
    ks = jax.random.split(key, 9)
    x = jax.random.randint(ks[0], (B,), 0, NUM_HEAD, dtype=jnp.int32)
    frequency_groups = jax.random.randint(ks[1], (B,), 0, 3, dtype=jnp.int32)
    head_table = jax.random.normal(ks[2], (NUM_HEAD, DIM_HEAD), dtype=jnp.float32)
    mid_table = jax.random.normal(ks[3], (NUM_MID, DIM_MID), dtype=jnp.float32)
    tail_table = jax.random.normal(ks[4], (NUM_TAIL, DIM_TAIL), dtype=jnp.float32)
    W_mid = jax.random.normal(ks[5], (UNIFIED, DIM_MID), dtype=jnp.float32) * (1.0 / np.sqrt(DIM_MID))
    b_mid = jax.random.normal(ks[6], (UNIFIED,), dtype=jnp.float32) * 0.01
    W_tail = jax.random.normal(ks[7], (UNIFIED, DIM_TAIL), dtype=jnp.float32) * (1.0 / np.sqrt(DIM_TAIL))
    b_tail = jax.random.normal(ks[8], (UNIFIED,), dtype=jnp.float32) * 0.01
    return {
        "x": x,
        "frequency_groups": frequency_groups,
        "head_table": head_table,
        "mid_table": mid_table,
        "tail_table": tail_table,
        "W_mid": W_mid,
        "b_mid": b_mid,
        "W_tail": W_tail,
        "b_tail": b_tail,
    }


def reference(x, frequency_groups, head_table, mid_table, tail_table, W_mid, b_mid, W_tail, b_tail):
    # head branch: direct gather at unified dim
    head_out = jnp.take(head_table, x, axis=0)
    # mid branch: gather then linear projection to unified dim
    mid_embs = jnp.take(mid_table, x, axis=0)
    mid_out = mid_embs @ W_mid.T + b_mid
    # tail branch: gather then linear projection to unified dim
    tail_embs = jnp.take(tail_table, x, axis=0)
    tail_out = tail_embs @ W_tail.T + b_tail
    out = jnp.zeros((x.shape[0], UNIFIED), dtype=jnp.float32)
    out = jnp.where((frequency_groups == 0)[:, None], head_out, out)
    out = jnp.where((frequency_groups == 1)[:, None], mid_out, out)
    out = jnp.where((frequency_groups == 2)[:, None], tail_out, out)
    return out

if __name__ == "__main__":
    import jax
    _d = setup_inputs()
    print(jax.jit(kernel)(*tuple(_d.values())))

</pallas_src>

<mosaic_0001>
#map = affine_map<(d0, d1) -> (0, 0, 0)>
#map1 = affine_map<(d0, d1) -> (0, 0)>
#map2 = affine_map<(d0, d1) -> (0)>
module attributes {stable_mosaic.version = 14 : i64} {
  func.func @_body(%arg0: i32, %arg1: i32, %arg2: memref<32x4x128xi32, #tpu.memory_space<hbm>>, %arg3: memref<32x512xi32, #tpu.memory_space<hbm>>, %arg4: memref<100000x64xf32, #tpu.memory_space<hbm>>, %arg5: memref<1000000x32xf32, #tpu.memory_space<hbm>>, %arg6: memref<1000000x16xf32, #tpu.memory_space<hbm>>, %arg7: memref<32x64xf32, #tpu.memory_space<hbm>>, %arg8: memref<64xf32, #tpu.memory_space<hbm>>, %arg9: memref<16x64xf32, #tpu.memory_space<hbm>>, %arg10: memref<64xf32, #tpu.memory_space<hbm>>, %arg11: memref<32x512x64xf32, #tpu.memory_space<hbm>>, %arg12: memref<4x128xi32, #tpu.memory_space<vmem>>, %arg13: memref<528xi32, #tpu.memory_space<vmem>>, %arg14: memref<512x64xf32, #tpu.memory_space<vmem>>, %arg15: memref<512x32xf32, #tpu.memory_space<vmem>>, %arg16: memref<512x16xf32, #tpu.memory_space<vmem>>, %arg17: memref<512x64xf32, #tpu.memory_space<vmem>>, %arg18: memref<32x64xf32, #tpu.memory_space<vmem>>, %arg19: memref<64xf32, #tpu.memory_space<vmem>>, %arg20: memref<16x64xf32, #tpu.memory_space<vmem>>, %arg21: memref<64xf32, #tpu.memory_space<vmem>>, %arg22: memref<!tpu.dma_semaphore, #tpu.memory_space<semaphore_mem>>) attributes {dimension_semantics = [#tpu.dimension_semantics<core_parallel>, #tpu.dimension_semantics<subcore_parallel>], iteration_bounds = array<i64: 2, 16>, scalar_prefetch = 0 : i64, scratch_operands = 11 : i64, tpu.core_type = #tpu.core_type<sc_vector_subcore>, window_params = [{transform_indices = #map}, {transform_indices = #map1}, {transform_indices = #map1}, {transform_indices = #map1}, {transform_indices = #map1}, {transform_indices = #map1}, {transform_indices = #map2}, {transform_indices = #map1}, {transform_indices = #map2}, {transform_indices = #map}]} {
    %mul3A = arith.constant 2 : i32
    %mul3A_0 = arith.muli %arg1, %mul3A : i32
    %add3A = arith.addi %mul3A_0, %arg0 : i32
    "tpu.region"() ({
      %run_scoped3A = tpu.sem_alloc : memref<!tpu.dma_semaphore, #tpu.memory_space<semaphore_mem>>
      %dma_start3A_244 = arith.constant 0 : i32
      %dma_start3A_245 = arith.constant 0 : i32
      %dma_start3A_246 = tpu.memref_slice %arg2[%add3A, %dma_start3A_244, %dma_start3A_245] : memref<32x4x128xi32, #tpu.memory_space<hbm>> -> memref<1x4x128xi32, #tpu.memory_space<hbm>>
      %dma_start3A_247 = tpu.memref_squeeze %dma_start3A_246 : memref<1x4x128xi32, #tpu.memory_space<hbm>> -> memref<4x128xi32, #tpu.memory_space<hbm>>
      %dma_start3A_248 = arith.constant 0 : i32
      %dma_start3A_249 = arith.constant 0 : i32
      %dma_start3A_250 = tpu.memref_slice %arg2[%add3A, %dma_start3A_248, %dma_start3A_249] : memref<32x4x128xi32, #tpu.memory_space<hbm>> -> memref<1x4x128xi32, #tpu.memory_space<hbm>>
      %dma_start3A_251 = tpu.memref_squeeze %dma_start3A_250 : memref<1x4x128xi32, #tpu.memory_space<hbm>> -> memref<4x128xi32, #tpu.memory_space<hbm>>
      tpu.enqueue_dma source(%dma_start3A_251 : memref<4x128xi32, #tpu.memory_space<hbm>>) target(%arg12 : memref<4x128xi32, #tpu.memory_space<vmem>>) target_semaphore(%run_scoped3A : memref<!tpu.dma_semaphore, #tpu.memory_space<semaphore_mem>>)
      %dma_wait3A_252 = arith.constant 0 : i32
      %dma_wait3A_253 = arith.constant 0 : i32
      %dma_wait3A_254 = tpu.memref_slice %arg2[%add3A, %dma_wait3A_252, %dma_wait3A_253] : memref<32x4x128xi32, #tpu.memory_space<hbm>> -> memref<1x4x128xi32, #tpu.memory_space<hbm>>
      %dma_wait3A_255 = tpu.memref_squeeze %dma_wait3A_254 : memref<1x4x128xi32, #tpu.memory_space<hbm>> -> memref<4x128xi32, #tpu.memory_space<hbm>>
      %dma_wait3A_256 = arith.constant 0 : i32
      %dma_wait3A_257 = arith.constant 0 : i32
      %dma_wait3A_258 = tpu.memref_slice %arg2[%add3A, %dma_wait3A_256, %dma_wait3A_257] : memref<32x4x128xi32, #tpu.memory_space<hbm>> -> memref<1x4x128xi32, #tpu.memory_space<hbm>>
      %dma_wait3A_259 = tpu.memref_squeeze %dma_wait3A_258 : memref<1x4x128xi32, #tpu.memory_space<hbm>> -> memref<4x128xi32, #tpu.memory_space<hbm>>
      tpu.wait_dma2 semaphore(%run_scoped3A : memref<!tpu.dma_semaphore, #tpu.memory_space<semaphore_mem>>) src(%dma_wait3A_259 : memref<4x128xi32, #tpu.memory_space<hbm>>) dst(%arg12 : memref<4x128xi32, #tpu.memory_space<vmem>>)
      tpu.yield
    }) : () -> ()
    "tpu.region"() ({
      %run_scoped3A = tpu.sem_alloc : memref<!tpu.dma_semaphore, #tpu.memory_space<semaphore_mem>>
      %dma_start3A_244 = arith.constant 0 : i32
      %dma_start3A_245 = tpu.memref_slice %arg13[%dma_start3A_244] : memref<528xi32, #tpu.memory_space<vmem>> -> memref<512xi32, #tpu.memory_space<vmem>>
      %dma_start3A_246 = arith.constant 0 : i32
      %dma_start3A_247 = tpu.memref_slice %arg3[%add3A, %dma_start3A_246] : memref<32x512xi32, #tpu.memory_space<hbm>> -> memref<1x512xi32, #tpu.memory_space<hbm>>
      %dma_start3A_248 = tpu.memref_squeeze %dma_start3A_247 : memref<1x512xi32, #tpu.memory_space<hbm>> -> memref<512xi32, #tpu.memory_space<hbm>>
      %dma_start3A_249 = arith.constant 0 : i32
      %dma_start3A_250 = tpu.memref_slice %arg13[%dma_start3A_249] : memref<528xi32, #tpu.memory_space<vmem>> -> memref<512xi32, #tpu.memory_space<vmem>>
      %dma_start3A_251 = arith.constant 0 : i32
      %dma_start3A_252 = tpu.memref_slice %arg3[%add3A, %dma_start3A_251] : memref<32x512xi32, #tpu.memory_space<hbm>> -> memref<1x512xi32, #tpu.memory_space<hbm>>
      %dma_start3A_253 = tpu.memref_squeeze %dma_start3A_252 : memref<1x512xi32, #tpu.memory_space<hbm>> -> memref<512xi32, #tpu.memory_space<hbm>>
      tpu.enqueue_dma source(%dma_start3A_253 : memref<512xi32, #tpu.memory_space<hbm>>) target(%dma_start3A_250 : memref<512xi32, #tpu.memory_space<vmem>>) target_semaphore(%run_scoped3A : memref<!tpu.dma_semaphore, #tpu.memory_space<semaphore_mem>>)
      %dma_wait3A_254 = arith.constant 0 : i32
      %dma_wait3A_255 = tpu.memref_slice %arg13[%dma_wait3A_254] : memref<528xi32, #tpu.memory_space<vmem>> -> memref<512xi32, #tpu.memory_space<vmem>>
      %dma_wait3A_256 = arith.constant 0 : i32
      %dma_wait3A_257 = tpu.memref_slice %arg3[%add3A, %dma_wait3A_256] : memref<32x512xi32, #tpu.memory_space<hbm>> -> memref<1x512xi32, #tpu.memory_space<hbm>>
      %dma_wait3A_258 = tpu.memref_squeeze %dma_wait3A_257 : memref<1x512xi32, #tpu.memory_space<hbm>> -> memref<512xi32, #tpu.memory_space<hbm>>
      %dma_wait3A_259 = arith.constant 0 : i32
      %dma_wait3A_260 = tpu.memref_slice %arg13[%dma_wait3A_259] : memref<528xi32, #tpu.memory_space<vmem>> -> memref<512xi32, #tpu.memory_space<vmem>>
      %dma_wait3A_261 = arith.constant 0 : i32
      %dma_wait3A_262 = tpu.memref_slice %arg3[%add3A, %dma_wait3A_261] : memref<32x512xi32, #tpu.memory_space<hbm>> -> memref<1x512xi32, #tpu.memory_space<hbm>>
      %dma_wait3A_263 = tpu.memref_squeeze %dma_wait3A_262 : memref<1x512xi32, #tpu.memory_space<hbm>> -> memref<512xi32, #tpu.memory_space<hbm>>
      tpu.wait_dma2 semaphore(%run_scoped3A : memref<!tpu.dma_semaphore, #tpu.memory_space<semaphore_mem>>) src(%dma_wait3A_263 : memref<512xi32, #tpu.memory_space<hbm>>) dst(%dma_wait3A_260 : memref<512xi32, #tpu.memory_space<vmem>>)
      tpu.yield
    }) : () -> ()
    "tpu.region"() ({
      %run_scoped3A = tpu.sem_alloc : memref<!tpu.dma_semaphore, #tpu.memory_space<semaphore_mem>>
      tpu.enqueue_dma source(%arg7 : memref<32x64xf32, #tpu.memory_space<hbm>>) target(%arg18 : memref<32x64xf32, #tpu.memory_space<vmem>>) target_semaphore(%run_scoped3A : memref<!tpu.dma_semaphore, #tpu.memory_space<semaphore_mem>>)
      tpu.wait_dma2 semaphore(%run_scoped3A : memref<!tpu.dma_semaphore, #tpu.memory_space<semaphore_mem>>) src(%arg7 : memref<32x64xf32, #tpu.memory_space<hbm>>) dst(%arg18 : memref<32x64xf32, #tpu.memory_space<vmem>>)
      tpu.yield
    }) : () -> ()
    "tpu.region"() ({
      %run_scoped3A = tpu.sem_alloc : memref<!tpu.dma_semaphore, #tpu.memory_space<semaphore_mem>>
      tpu.enqueue_dma source(%arg8 : memref<64xf32, #tpu.memory_space<hbm>>) target(%arg19 : memref<64xf32, #tpu.memory_space<vmem>>) target_semaphore(%run_scoped3A : memref<!tpu.dma_semaphore, #tpu.memory_space<semaphore_mem>>)
      tpu.wait_dma2 semaphore(%run_scoped3A : memref<!tpu.dma_semaphore, #tpu.memory_space<semaphore_mem>>) src(%arg8 : memref<64xf32, #tpu.memory_space<hbm>>) dst(%arg19 : memref<64xf32, #tpu.memory_space<vmem>>)
      tpu.yield
    }) : () -> ()
    "tpu.region"() ({
      %run_scoped3A = tpu.sem_alloc : memref<!tpu.dma_semaphore, #tpu.memory_space<semaphore_mem>>
      tpu.enqueue_dma source(%arg9 : memref<16x64xf32, #tpu.memory_space<hbm>>) target(%arg20 : memref<16x64xf32, #tpu.memory_space<vmem>>) target_semaphore(%run_scoped3A : memref<!tpu.dma_semaphore, #tpu.memory_space<semaphore_mem>>)
      tpu.wait_dma2 semaphore(%run_scoped3A : memref<!tpu.dma_semaphore, #tpu.memory_space<semaphore_mem>>) src(%arg9 : memref<16x64xf32, #tpu.memory_space<hbm>>) dst(%arg20 : memref<16x64xf32, #tpu.memory_space<vmem>>)
      tpu.yield
    }) : () -> ()
    "tpu.region"() ({
      %run_scoped3A = tpu.sem_alloc : memref<!tpu.dma_semaphore, #tpu.memory_space<semaphore_mem>>
      tpu.enqueue_dma source(%arg10 : memref<64xf32, #tpu.memory_space<hbm>>) target(%arg21 : memref<64xf32, #tpu.memory_space<vmem>>) target_semaphore(%run_scoped3A : memref<!tpu.dma_semaphore, #tpu.memory_space<semaphore_mem>>)
      tpu.wait_dma2 semaphore(%run_scoped3A : memref<!tpu.dma_semaphore, #tpu.memory_space<semaphore_mem>>) src(%arg10 : memref<64xf32, #tpu.memory_space<hbm>>) dst(%arg21 : memref<64xf32, #tpu.memory_space<vmem>>)
      tpu.yield
    }) : () -> ()
    %dma_start3A = arith.constant 0 : i32
    %dma_start3A_1 = arith.constant 0 : i32
    %dma_start3A_2 = arith.constant 0 : i32
    %dma_start3A_3 = tpu.memref_slice %arg14[%dma_start3A_1, %dma_start3A_2] : memref<512x64xf32, #tpu.memory_space<vmem>> -> memref<128x64xf32, #tpu.memory_space<vmem>>
    %dma_start3A_4 = arith.constant 0 : i32
    %dma_start3A_5 = tpu.memref_slice %arg12[%dma_start3A, %dma_start3A_4] : memref<4x128xi32, #tpu.memory_space<vmem>> -> memref<1x128xi32, #tpu.memory_space<vmem>>
    %dma_start3A_6 = tpu.memref_squeeze %dma_start3A_5 : memref<1x128xi32, #tpu.memory_space<vmem>> -> memref<128xi32, #tpu.memory_space<vmem>>
    %dma_start3A_7 = arith.constant 0 : i32
    %dma_start3A_8 = arith.constant 0 : i32
    %dma_start3A_9 = tpu.memref_slice %arg4[%dma_start3A_7, %dma_start3A_8] : memref<100000x64xf32, #tpu.memory_space<hbm>> -> memref<100000x64xf32, #tpu.memory_space<hbm>>
    tpu.enqueue_indirect_dma source(%dma_start3A_9 : memref<100000x64xf32, #tpu.memory_space<hbm>>) target(%dma_start3A_3 : memref<128x64xf32, #tpu.memory_space<vmem>>) offsets(%dma_start3A_6 : memref<128xi32, #tpu.memory_space<vmem>>) semaphore(%arg22 : memref<!tpu.dma_semaphore, #tpu.memory_space<semaphore_mem>>)
    %dma_start3A_10 = arith.constant 0 : i32
    %dma_start3A_11 = arith.constant 0 : i32
    %dma_start3A_12 = arith.constant 0 : i32
    %dma_start3A_13 = tpu.memref_slice %arg15[%dma_start3A_11, %dma_start3A_12] : memref<512x32xf32, #tpu.memory_space<vmem>> -> memref<128x32xf32, #tpu.memory_space<vmem>>
    %dma_start3A_14 = arith.constant 0 : i32
    %dma_start3A_15 = tpu.memref_slice %arg12[%dma_start3A_10, %dma_start3A_14] : memref<4x128xi32, #tpu.memory_space<vmem>> -> memref<1x128xi32, #tpu.memory_space<vmem>>
    %dma_start3A_16 = tpu.memref_squeeze %dma_start3A_15 : memref<1x128xi32, #tpu.memory_space<vmem>> -> memref<128xi32, #tpu.memory_space<vmem>>
    %dma_start3A_17 = arith.constant 0 : i32
    %dma_start3A_18 = arith.constant 0 : i32
    %dma_start3A_19 = tpu.memref_slice %arg5[%dma_start3A_17, %dma_start3A_18] : memref<1000000x32xf32, #tpu.memory_space<hbm>> -> memref<1000000x32xf32, #tpu.memory_space<hbm>>
    tpu.enqueue_indirect_dma source(%dma_start3A_19 : memref<1000000x32xf32, #tpu.memory_space<hbm>>) target(%dma_start3A_13 : memref<128x32xf32, #tpu.memory_space<vmem>>) offsets(%dma_start3A_16 : memref<128xi32, #tpu.memory_space<vmem>>) semaphore(%arg22 : memref<!tpu.dma_semaphore, #tpu.memory_space<semaphore_mem>>)
    %dma_start3A_20 = arith.constant 0 : i32
    %dma_start3A_21 = arith.constant 0 : i32
    %dma_start3A_22 = arith.constant 0 : i32
    %dma_start3A_23 = tpu.memref_slice %arg16[%dma_start3A_21, %dma_start3A_22] : memref<512x16xf32, #tpu.memory_space<vmem>> -> memref<128x16xf32, #tpu.memory_space<vmem>>
    %dma_start3A_24 = arith.constant 0 : i32
    %dma_start3A_25 = tpu.memref_slice %arg12[%dma_start3A_20, %dma_start3A_24] : memref<4x128xi32, #tpu.memory_space<vmem>> -> memref<1x128xi32, #tpu.memory_space<vmem>>
    %dma_start3A_26 = tpu.memref_squeeze %dma_start3A_25 : memref<1x128xi32, #tpu.memory_space<vmem>> -> memref<128xi32, #tpu.memory_space<vmem>>
    %dma_start3A_27 = arith.constant 0 : i32
    %dma_start3A_28 = arith.constant 0 : i32
    %dma_start3A_29 = tpu.memref_slice %arg6[%dma_start3A_27, %dma_start3A_28] : memref<1000000x16xf32, #tpu.memory_space<hbm>> -> memref<1000000x16xf32, #tpu.memory_space<hbm>>
    tpu.enqueue_indirect_dma source(%dma_start3A_29 : memref<1000000x16xf32, #tpu.memory_space<hbm>>) target(%dma_start3A_23 : memref<128x16xf32, #tpu.memory_space<vmem>>) offsets(%dma_start3A_26 : memref<128xi32, #tpu.memory_space<vmem>>) semaphore(%arg22 : memref<!tpu.dma_semaphore, #tpu.memory_space<semaphore_mem>>)
    %dma_start3A_30 = arith.constant 1 : i32
    %dma_start3A_31 = arith.constant 128 : i32
    %dma_start3A_32 = arith.constant 0 : i32
    %dma_start3A_33 = tpu.memref_slice %arg14[%dma_start3A_31, %dma_start3A_32] : memref<512x64xf32, #tpu.memory_space<vmem>> -> memref<128x64xf32, #tpu.memory_space<vmem>>
    %dma_start3A_34 = arith.constant 0 : i32
    %dma_start3A_35 = tpu.memref_slice %arg12[%dma_start3A_30, %dma_start3A_34] : memref<4x128xi32, #tpu.memory_space<vmem>> -> memref<1x128xi32, #tpu.memory_space<vmem>>
    %dma_start3A_36 = tpu.memref_squeeze %dma_start3A_35 : memref<1x128xi32, #tpu.memory_space<vmem>> -> memref<128xi32, #tpu.memory_space<vmem>>
    %dma_start3A_37 = arith.constant 0 : i32
    %dma_start3A_38 = arith.constant 0 : i32
    %dma_start3A_39 = tpu.memref_slice %arg4[%dma_start3A_37, %dma_start3A_38] : memref<100000x64xf32, #tpu.memory_space<hbm>> -> memref<100000x64xf32, #tpu.memory_space<hbm>>
    tpu.enqueue_indirect_dma source(%dma_start3A_39 : memref<100000x64xf32, #tpu.memory_space<hbm>>) target(%dma_start3A_33 : memref<128x64xf32, #tpu.memory_space<vmem>>) offsets(%dma_start3A_36 : memref<128xi32, #tpu.memory_space<vmem>>) semaphore(%arg22 : memref<!tpu.dma_semaphore, #tpu.memory_space<semaphore_mem>>)
    %dma_start3A_40 = arith.constant 1 : i32
    %dma_start3A_41 = arith.constant 128 : i32
    %dma_start3A_42 = arith.constant 0 : i32
    %dma_start3A_43 = tpu.memref_slice %arg15[%dma_start3A_41, %dma_start3A_42] : memref<512x32xf32, #tpu.memory_space<vmem>> -> memref<128x32xf32, #tpu.memory_space<vmem>>
    %dma_start3A_44 = arith.constant 0 : i32
    %dma_start3A_45 = tpu.memref_slice %arg12[%dma_start3A_40, %dma_start3A_44] : memref<4x128xi32, #tpu.memory_space<vmem>> -> memref<1x128xi32, #tpu.memory_space<vmem>>
    %dma_start3A_46 = tpu.memref_squeeze %dma_start3A_45 : memref<1x128xi32, #tpu.memory_space<vmem>> -> memref<128xi32, #tpu.memory_space<vmem>>
    %dma_start3A_47 = arith.constant 0 : i32
    %dma_start3A_48 = arith.constant 0 : i32
    %dma_start3A_49 = tpu.memref_slice %arg5[%dma_start3A_47, %dma_start3A_48] : memref<1000000x32xf32, #tpu.memory_space<hbm>> -> memref<1000000x32xf32, #tpu.memory_space<hbm>>
    tpu.enqueue_indirect_dma source(%dma_start3A_49 : memref<1000000x32xf32, #tpu.memory_space<hbm>>) target(%dma_start3A_43 : memref<128x32xf32, #tpu.memory_space<vmem>>) offsets(%dma_start3A_46 : memref<128xi32, #tpu.memory_space<vmem>>) semaphore(%arg22 : memref<!tpu.dma_semaphore, #tpu.memory_space<semaphore_mem>>)
    %dma_start3A_50 = arith.constant 1 : i32
    %dma_start3A_51 = arith.constant 128 : i32
    %dma_start3A_52 = arith.constant 0 : i32
    %dma_start3A_53 = tpu.memref_slice %arg16[%dma_start3A_51, %dma_start3A_52] : memref<512x16xf32, #tpu.memory_space<vmem>> -> memref<128x16xf32, #tpu.memory_space<vmem>>
    %dma_start3A_54 = arith.constant 0 : i32
    %dma_start3A_55 = tpu.memref_slice %arg12[%dma_start3A_50, %dma_start3A_54] : memref<4x128xi32, #tpu.memory_space<vmem>> -> memref<1x128xi32, #tpu.memory_space<vmem>>
    %dma_start3A_56 = tpu.memref_squeeze %dma_start3A_55 : memref<1x128xi32, #tpu.memory_space<vmem>> -> memref<128xi32, #tpu.memory_space<vmem>>
    %dma_start3A_57 = arith.constant 0 : i32
    %dma_start3A_58 = arith.constant 0 : i32
    %dma_start3A_59 = tpu.memref_slice %arg6[%dma_start3A_57, %dma_start3A_58] : memref<1000000x16xf32, #tpu.memory_space<hbm>> -> memref<1000000x16xf32, #tpu.memory_space<hbm>>
    tpu.enqueue_indirect_dma source(%dma_start3A_59 : memref<1000000x16xf32, #tpu.memory_space<hbm>>) target(%dma_start3A_53 : memref<128x16xf32, #tpu.memory_space<vmem>>) offsets(%dma_start3A_56 : memref<128xi32, #tpu.memory_space<vmem>>) semaphore(%arg22 : memref<!tpu.dma_semaphore, #tpu.memory_space<semaphore_mem>>)
    %dma_start3A_60 = arith.constant 2 : i32
    %dma_start3A_61 = arith.constant 256 : i32
    %dma_start3A_62 = arith.constant 0 : i32
    %dma_start3A_63 = tpu.memref_slice %arg14[%dma_start3A_61, %dma_start3A_62] : memref<512x64xf32, #tpu.memory_space<vmem>> -> memref<128x64xf32, #tpu.memory_space<vmem>>
    %dma_start3A_64 = arith.constant 0 : i32
    %dma_start3A_65 = tpu.memref_slice %arg12[%dma_start3A_60, %dma_start3A_64] : memref<4x128xi32, #tpu.memory_space<vmem>> -> memref<1x128xi32, #tpu.memory_space<vmem>>
    %dma_start3A_66 = tpu.memref_squeeze %dma_start3A_65 : memref<1x128xi32, #tpu.memory_space<vmem>> -> memref<128xi32, #tpu.memory_space<vmem>>
    %dma_start3A_67 = arith.constant 0 : i32
    %dma_start3A_68 = arith.constant 0 : i32
    %dma_start3A_69 = tpu.memref_slice %arg4[%dma_start3A_67, %dma_start3A_68] : memref<100000x64xf32, #tpu.memory_space<hbm>> -> memref<100000x64xf32, #tpu.memory_space<hbm>>
    tpu.enqueue_indirect_dma source(%dma_start3A_69 : memref<100000x64xf32, #tpu.memory_space<hbm>>) target(%dma_start3A_63 : memref<128x64xf32, #tpu.memory_space<vmem>>) offsets(%dma_start3A_66 : memref<128xi32, #tpu.memory_space<vmem>>) semaphore(%arg22 : memref<!tpu.dma_semaphore, #tpu.memory_space<semaphore_mem>>)
    %dma_start3A_70 = arith.constant 2 : i32
    %dma_start3A_71 = arith.constant 256 : i32
    %dma_start3A_72 = arith.constant 0 : i32
    %dma_start3A_73 = tpu.memref_slice %arg15[%dma_start3A_71, %dma_start3A_72] : memref<512x32xf32, #tpu.memory_space<vmem>> -> memref<128x32xf32, #tpu.memory_space<vmem>>
    %dma_start3A_74 = arith.constant 0 : i32
    %dma_start3A_75 = tpu.memref_slice %arg12[%dma_start3A_70, %dma_start3A_74] : memref<4x128xi32, #tpu.memory_space<vmem>> -> memref<1x128xi32, #tpu.memory_space<vmem>>
    %dma_start3A_76 = tpu.memref_squeeze %dma_start3A_75 : memref<1x128xi32, #tpu.memory_space<vmem>> -> memref<128xi32, #tpu.memory_space<vmem>>
    %dma_start3A_77 = arith.constant 0 : i32
    %dma_start3A_78 = arith.constant 0 : i32
    %dma_start3A_79 = tpu.memref_slice %arg5[%dma_start3A_77, %dma_start3A_78] : memref<1000000x32xf32, #tpu.memory_space<hbm>> -> memref<1000000x32xf32, #tpu.memory_space<hbm>>
    tpu.enqueue_indirect_dma source(%dma_start3A_79 : memref<1000000x32xf32, #tpu.memory_space<hbm>>) target(%dma_start3A_73 : memref<128x32xf32, #tpu.memory_space<vmem>>) offsets(%dma_start3A_76 : memref<128xi32, #tpu.memory_space<vmem>>) semaphore(%arg22 : memref<!tpu.dma_semaphore, #tpu.memory_space<semaphore_mem>>)
    %dma_start3A_80 = arith.constant 2 : i32
    %dma_start3A_81 = arith.constant 256 : i32
    %dma_start3A_82 = arith.constant 0 : i32
    %dma_start3A_83 = tpu.memref_slice %arg16[%dma_start3A_81, %dma_start3A_82] : memref<512x16xf32, #tpu.memory_space<vmem>> -> memref<128x16xf32, #tpu.memory_space<vmem>>
    %dma_start3A_84 = arith.constant 0 : i32
    %dma_start3A_85 = tpu.memref_slice %arg12[%dma_start3A_80, %dma_start3A_84] : memref<4x128xi32, #tpu.memory_space<vmem>> -> memref<1x128xi32, #tpu.memory_space<vmem>>
    %dma_start3A_86 = tpu.memref_squeeze %dma_start3A_85 : memref<1x128xi32, #tpu.memory_space<vmem>> -> memref<128xi32, #tpu.memory_space<vmem>>
    %dma_start3A_87 = arith.constant 0 : i32
    %dma_start3A_88 = arith.constant 0 : i32
    %dma_start3A_89 = tpu.memref_slice %arg6[%dma_start3A_87, %dma_start3A_88] : memref<1000000x16xf32, #tpu.memory_space<hbm>> -> memref<1000000x16xf32, #tpu.memory_space<hbm>>
    tpu.enqueue_indirect_dma source(%dma_start3A_89 : memref<1000000x16xf32, #tpu.memory_space<hbm>>) target(%dma_start3A_83 : memref<128x16xf32, #tpu.memory_space<vmem>>) offsets(%dma_start3A_86 : memref<128xi32, #tpu.memory_space<vmem>>) semaphore(%arg22 : memref<!tpu.dma_semaphore, #tpu.memory_space<semaphore_mem>>)
    %dma_start3A_90 = arith.constant 3 : i32
    %dma_start3A_91 = arith.constant 384 : i32
    %dma_start3A_92 = arith.constant 0 : i32
    %dma_start3A_93 = tpu.memref_slice %arg14[%dma_start3A_91, %dma_start3A_92] : memref<512x64xf32, #tpu.memory_space<vmem>> -> memref<128x64xf32, #tpu.memory_space<vmem>>
    %dma_start3A_94 = arith.constant 0 : i32
    %dma_start3A_95 = tpu.memref_slice %arg12[%dma_start3A_90, %dma_start3A_94] : memref<4x128xi32, #tpu.memory_space<vmem>> -> memref<1x128xi32, #tpu.memory_space<vmem>>
    %dma_start3A_96 = tpu.memref_squeeze %dma_start3A_95 : memref<1x128xi32, #tpu.memory_space<vmem>> -> memref<128xi32, #tpu.memory_space<vmem>>
    %dma_start3A_97 = arith.constant 0 : i32
    %dma_start3A_98 = arith.constant 0 : i32
    %dma_start3A_99 = tpu.memref_slice %arg4[%dma_start3A_97, %dma_start3A_98] : memref<100000x64xf32, #tpu.memory_space<hbm>> -> memref<100000x64xf32, #tpu.memory_space<hbm>>
    tpu.enqueue_indirect_dma source(%dma_start3A_99 : memref<100000x64xf32, #tpu.memory_space<hbm>>) target(%dma_start3A_93 : memref<128x64xf32, #tpu.memory_space<vmem>>) offsets(%dma_start3A_96 : memref<128xi32, #tpu.memory_space<vmem>>) semaphore(%arg22 : memref<!tpu.dma_semaphore, #tpu.memory_space<semaphore_mem>>)
    %dma_start3A_100 = arith.constant 3 : i32
    %dma_start3A_101 = arith.constant 384 : i32
    %dma_start3A_102 = arith.constant 0 : i32
    %dma_start3A_103 = tpu.memref_slice %arg15[%dma_start3A_101, %dma_start3A_102] : memref<512x32xf32, #tpu.memory_space<vmem>> -> memref<128x32xf32, #tpu.memory_space<vmem>>
    %dma_start3A_104 = arith.constant 0 : i32
    %dma_start3A_105 = tpu.memref_slice %arg12[%dma_start3A_100, %dma_start3A_104] : memref<4x128xi32, #tpu.memory_space<vmem>> -> memref<1x128xi32, #tpu.memory_space<vmem>>
    %dma_start3A_106 = tpu.memref_squeeze %dma_start3A_105 : memref<1x128xi32, #tpu.memory_space<vmem>> -> memref<128xi32, #tpu.memory_space<vmem>>
    %dma_start3A_107 = arith.constant 0 : i32
    %dma_start3A_108 = arith.constant 0 : i32
    %dma_start3A_109 = tpu.memref_slice %arg5[%dma_start3A_107, %dma_start3A_108] : memref<1000000x32xf32, #tpu.memory_space<hbm>> -> memref<1000000x32xf32, #tpu.memory_space<hbm>>
    tpu.enqueue_indirect_dma source(%dma_start3A_109 : memref<1000000x32xf32, #tpu.memory_space<hbm>>) target(%dma_start3A_103 : memref<128x32xf32, #tpu.memory_space<vmem>>) offsets(%dma_start3A_106 : memref<128xi32, #tpu.memory_space<vmem>>) semaphore(%arg22 : memref<!tpu.dma_semaphore, #tpu.memory_space<semaphore_mem>>)
    %dma_start3A_110 = arith.constant 3 : i32
    %dma_start3A_111 = arith.constant 384 : i32
    %dma_start3A_112 = arith.constant 0 : i32
    %dma_start3A_113 = tpu.memref_slice %arg16[%dma_start3A_111, %dma_start3A_112] : memref<512x16xf32, #tpu.memory_space<vmem>> -> memref<128x16xf32, #tpu.memory_space<vmem>>
    %dma_start3A_114 = arith.constant 0 : i32
    %dma_start3A_115 = tpu.memref_slice %arg12[%dma_start3A_110, %dma_start3A_114] : memref<4x128xi32, #tpu.memory_space<vmem>> -> memref<1x128xi32, #tpu.memory_space<vmem>>
    %dma_start3A_116 = tpu.memref_squeeze %dma_start3A_115 : memref<1x128xi32, #tpu.memory_space<vmem>> -> memref<128xi32, #tpu.memory_space<vmem>>
    %dma_start3A_117 = arith.constant 0 : i32
    %dma_start3A_118 = arith.constant 0 : i32
    %dma_start3A_119 = tpu.memref_slice %arg6[%dma_start3A_117, %dma_start3A_118] : memref<1000000x16xf32, #tpu.memory_space<hbm>> -> memref<1000000x16xf32, #tpu.memory_space<hbm>>
    tpu.enqueue_indirect_dma source(%dma_start3A_119 : memref<1000000x16xf32, #tpu.memory_space<hbm>>) target(%dma_start3A_113 : memref<128x16xf32, #tpu.memory_space<vmem>>) offsets(%dma_start3A_116 : memref<128xi32, #tpu.memory_space<vmem>>) semaphore(%arg22 : memref<!tpu.dma_semaphore, #tpu.memory_space<semaphore_mem>>)
    %dma_wait3A = arith.constant 0 : i32
    %dma_wait3A_120 = arith.constant 0 : i32
    %dma_wait3A_121 = arith.constant 0 : i32
    %dma_wait3A_122 = tpu.memref_slice %arg14[%dma_wait3A_120, %dma_wait3A_121] : memref<512x64xf32, #tpu.memory_space<vmem>> -> memref<128x64xf32, #tpu.memory_space<vmem>>
    %dma_wait3A_123 = arith.constant 0 : i32
    %dma_wait3A_124 = tpu.memref_slice %arg12[%dma_wait3A, %dma_wait3A_123] : memref<4x128xi32, #tpu.memory_space<vmem>> -> memref<1x128xi32, #tpu.memory_space<vmem>>
    %dma_wait3A_125 = tpu.memref_squeeze %dma_wait3A_124 : memref<1x128xi32, #tpu.memory_space<vmem>> -> memref<128xi32, #tpu.memory_space<vmem>>
    %dma_wait3A_126 = arith.constant 0 : i32
    %dma_wait3A_127 = arith.constant 0 : i32
    %dma_wait3A_128 = tpu.memref_slice %arg4[%dma_wait3A_126, %dma_wait3A_127] : memref<100000x64xf32, #tpu.memory_space<hbm>> -> memref<100000x64xf32, #tpu.memory_space<hbm>>
    tpu.wait_indirect_dma semaphore(%arg22 : memref<!tpu.dma_semaphore, #tpu.memory_space<semaphore_mem>>) src(%dma_wait3A_128 : memref<100000x64xf32, #tpu.memory_space<hbm>>) dst(%dma_wait3A_122 : memref<128x64xf32, #tpu.memory_space<vmem>>)
    %dma_wait3A_129 = arith.constant 0 : i32
    %dma_wait3A_130 = arith.constant 0 : i32
    %dma_wait3A_131 = arith.constant 0 : i32
    %dma_wait3A_132 = tpu.memref_slice %arg15[%dma_wait3A_130, %dma_wait3A_131] : memref<512x32xf32, #tpu.memory_space<vmem>> -> memref<128x32xf32, #tpu.memory_space<vmem>>
    %dma_wait3A_133 = arith.constant 0 : i32
    %dma_wait3A_134 = tpu.memref_slice %arg12[%dma_wait3A_129, %dma_wait3A_133] : memref<4x128xi32, #tpu.memory_space<vmem>> -> memref<1x128xi32, #tpu.memory_space<vmem>>
    %dma_wait3A_135 = tpu.memref_squeeze %dma_wait3A_134 : memref<1x128xi32, #tpu.memory_space<vmem>> -> memref<128xi32, #tpu.memory_space<vmem>>
    %dma_wait3A_136 = arith.constant 0 : i32
    %dma_wait3A_137 = arith.constant 0 : i32
    %dma_wait3A_138 = tpu.memref_slice %arg5[%dma_wait3A_136, %dma_wait3A_137] : memref<1000000x32xf32, #tpu.memory_space<hbm>> -> memref<1000000x32xf32, #tpu.memory_space<hbm>>
    tpu.wait_indirect_dma semaphore(%arg22 : memref<!tpu.dma_semaphore, #tpu.memory_space<semaphore_mem>>) src(%dma_wait3A_138 : memref<1000000x32xf32, #tpu.memory_space<hbm>>) dst(%dma_wait3A_132 : memref<128x32xf32, #tpu.memory_space<vmem>>)
    %dma_wait3A_139 = arith.constant 0 : i32
    %dma_wait3A_140 = arith.constant 0 : i32
    %dma_wait3A_141 = arith.constant 0 : i32
    %dma_wait3A_142 = tpu.memref_slice %arg16[%dma_wait3A_140, %dma_wait3A_141] : memref<512x16xf32, #tpu.memory_space<vmem>> -> memref<128x16xf32, #tpu.memory_space<vmem>>
    %dma_wait3A_143 = arith.constant 0 : i32
    %dma_wait3A_144 = tpu.memref_slice %arg12[%dma_wait3A_139, %dma_wait3A_143] : memref<4x128xi32, #tpu.memory_space<vmem>> -> memref<1x128xi32, #tpu.memory_space<vmem>>
    %dma_wait3A_145 = tpu.memref_squeeze %dma_wait3A_144 : memref<1x128xi32, #tpu.memory_space<vmem>> -> memref<128xi32, #tpu.memory_space<vmem>>
    %dma_wait3A_146 = arith.constant 0 : i32
    %dma_wait3A_147 = arith.constant 0 : i32
    %dma_wait3A_148 = tpu.memref_slice %arg6[%dma_wait3A_146, %dma_wait3A_147] : memref<1000000x16xf32, #tpu.memory_space<hbm>> -> memref<1000000x16xf32, #tpu.memory_space<hbm>>
    tpu.wait_indirect_dma semaphore(%arg22 : memref<!tpu.dma_semaphore, #tpu.memory_space<semaphore_mem>>) src(%dma_wait3A_148 : memref<1000000x16xf32, #tpu.memory_space<hbm>>) dst(%dma_wait3A_142 : memref<128x16xf32, #tpu.memory_space<vmem>>)
    %dma_wait3A_149 = arith.constant 1 : i32
    %dma_wait3A_150 = arith.constant 128 : i32
    %dma_wait3A_151 = arith.constant 0 : i32
    %dma_wait3A_152 = tpu.memref_slice %arg14[%dma_wait3A_150, %dma_wait3A_151] : memref<512x64xf32, #tpu.memory_space<vmem>> -> memref<128x64xf32, #tpu.memory_space<vmem>>
    %dma_wait3A_153 = arith.constant 0 : i32
    %dma_wait3A_154 = tpu.memref_slice %arg12[%dma_wait3A_149, %dma_wait3A_153] : memref<4x128xi32, #tpu.memory_space<vmem>> -> memref<1x128xi32, #tpu.memory_space<vmem>>
    %dma_wait3A_155 = tpu.memref_squeeze %dma_wait3A_154 : memref<1x128xi32, #tpu.memory_space<vmem>> -> memref<128xi32, #tpu.memory_space<vmem>>
    %dma_wait3A_156 = arith.constant 0 : i32
    %dma_wait3A_157 = arith.constant 0 : i32
    %dma_wait3A_158 = tpu.memref_slice %arg4[%dma_wait3A_156, %dma_wait3A_157] : memref<100000x64xf32, #tpu.memory_space<hbm>> -> memref<100000x64xf32, #tpu.memory_space<hbm>>
    tpu.wait_indirect_dma semaphore(%arg22 : memref<!tpu.dma_semaphore, #tpu.memory_space<semaphore_mem>>) src(%dma_wait3A_158 : memref<100000x64xf32, #tpu.memory_space<hbm>>) dst(%dma_wait3A_152 : memref<128x64xf32, #tpu.memory_space<vmem>>)
    %dma_wait3A_159 = arith.constant 1 : i32
    %dma_wait3A_160 = arith.constant 128 : i32
    %dma_wait3A_161 = arith.constant 0 : i32
    %dma_wait3A_162 = tpu.memref_slice %arg15[%dma_wait3A_160, %dma_wait3A_161] : memref<512x32xf32, #tpu.memory_space<vmem>> -> memref<128x32xf32, #tpu.memory_space<vmem>>
    %dma_wait3A_163 = arith.constant 0 : i32
    %dma_wait3A_164 = tpu.memref_slice %arg12[%dma_wait3A_159, %dma_wait3A_163] : memref<4x128xi32, #tpu.memory_space<vmem>> -> memref<1x128xi32, #tpu.memory_space<vmem>>
    %dma_wait3A_165 = tpu.memref_squeeze %dma_wait3A_164 : memref<1x128xi32, #tpu.memory_space<vmem>> -> memref<128xi32, #tpu.memory_space<vmem>>
    %dma_wait3A_166 = arith.constant 0 : i32
    %dma_wait3A_167 = arith.constant 0 : i32
    %dma_wait3A_168 = tpu.memref_slice %arg5[%dma_wait3A_166, %dma_wait3A_167] : memref<1000000x32xf32, #tpu.memory_space<hbm>> -> memref<1000000x32xf32, #tpu.memory_space<hbm>>
    tpu.wait_indirect_dma semaphore(%arg22 : memref<!tpu.dma_semaphore, #tpu.memory_space<semaphore_mem>>) src(%dma_wait3A_168 : memref<1000000x32xf32, #tpu.memory_space<hbm>>) dst(%dma_wait3A_162 : memref<128x32xf32, #tpu.memory_space<vmem>>)
    %dma_wait3A_169 = arith.constant 1 : i32
    %dma_wait3A_170 = arith.constant 128 : i32
    %dma_wait3A_171 = arith.constant 0 : i32
    %dma_wait3A_172 = tpu.memref_slice %arg16[%dma_wait3A_170, %dma_wait3A_171] : memref<512x16xf32, #tpu.memory_space<vmem>> -> memref<128x16xf32, #tpu.memory_space<vmem>>
    %dma_wait3A_173 = arith.constant 0 : i32
    %dma_wait3A_174 = tpu.memref_slice %arg12[%dma_wait3A_169, %dma_wait3A_173] : memref<4x128xi32, #tpu.memory_space<vmem>> -> memref<1x128xi32, #tpu.memory_space<vmem>>
    %dma_wait3A_175 = tpu.memref_squeeze %dma_wait3A_174 : memref<1x128xi32, #tpu.memory_space<vmem>> -> memref<128xi32, #tpu.memory_space<vmem>>
    %dma_wait3A_176 = arith.constant 0 : i32
    %dma_wait3A_177 = arith.constant 0 : i32
    %dma_wait3A_178 = tpu.memref_slice %arg6[%dma_wait3A_176, %dma_wait3A_177] : memref<1000000x16xf32, #tpu.memory_space<hbm>> -> memref<1000000x16xf32, #tpu.memory_space<hbm>>
    tpu.wait_indirect_dma semaphore(%arg22 : memref<!tpu.dma_semaphore, #tpu.memory_space<semaphore_mem>>) src(%dma_wait3A_178 : memref<1000000x16xf32, #tpu.memory_space<hbm>>) dst(%dma_wait3A_172 : memref<128x16xf32, #tpu.memory_space<vmem>>)
    %dma_wait3A_179 = arith.constant 2 : i32
    %dma_wait3A_180 = arith.constant 256 : i32
    %dma_wait3A_181 = arith.constant 0 : i32
    %dma_wait3A_182 = tpu.memref_slice %arg14[%dma_wait3A_180, %dma_wait3A_181] : memref<512x64xf32, #tpu.memory_space<vmem>> -> memref<128x64xf32, #tpu.memory_space<vmem>>
    %dma_wait3A_183 = arith.constant 0 : i32
    %dma_wait3A_184 = tpu.memref_slice %arg12[%dma_wait3A_179, %dma_wait3A_183] : memref<4x128xi32, #tpu.memory_space<vmem>> -> memref<1x128xi32, #tpu.memory_space<vmem>>
    %dma_wait3A_185 = tpu.memref_squeeze %dma_wait3A_184 : memref<1x128xi32, #tpu.memory_space<vmem>> -> memref<128xi32, #tpu.memory_space<vmem>>
    %dma_wait3A_186 = arith.constant 0 : i32
    %dma_wait3A_187 = arith.constant 0 : i32
    %dma_wait3A_188 = tpu.memref_slice %arg4[%dma_wait3A_186, %dma_wait3A_187] : memref<100000x64xf32, #tpu.memory_space<hbm>> -> memref<100000x64xf32, #tpu.memory_space<hbm>>
    tpu.wait_indirect_dma semaphore(%arg22 : memref<!tpu.dma_semaphore, #tpu.memory_space<semaphore_mem>>) src(%dma_wait3A_188 : memref<100000x64xf32, #tpu.memory_space<hbm>>) dst(%dma_wait3A_182 : memref<128x64xf32, #tpu.memory_space<vmem>>)
    %dma_wait3A_189 = arith.constant 2 : i32
    %dma_wait3A_190 = arith.constant 256 : i32
    %dma_wait3A_191 = arith.constant 0 : i32
    %dma_wait3A_192 = tpu.memref_slice %arg15[%dma_wait3A_190, %dma_wait3A_191] : memref<512x32xf32, #tpu.memory_space<vmem>> -> memref<128x32xf32, #tpu.memory_space<vmem>>
    %dma_wait3A_193 = arith.constant 0 : i32
    %dma_wait3A_194 = tpu.memref_slice %arg12[%dma_wait3A_189, %dma_wait3A_193] : memref<4x128xi32, #tpu.memory_space<vmem>> -> memref<1x128xi32, #tpu.memory_space<vmem>>
    %dma_wait3A_195 = tpu.memref_squeeze %dma_wait3A_194 : memref<1x128xi32, #tpu.memory_space<vmem>> -> memref<128xi32, #tpu.memory_space<vmem>>
    %dma_wait3A_196 = arith.constant 0 : i32
    %dma_wait3A_197 = arith.constant 0 : i32
    %dma_wait3A_198 = tpu.memref_slice %arg5[%dma_wait3A_196, %dma_wait3A_197] : memref<1000000x32xf32, #tpu.memory_space<hbm>> -> memref<1000000x32xf32, #tpu.memory_space<hbm>>
    tpu.wait_indirect_dma semaphore(%arg22 : memref<!tpu.dma_semaphore, #tpu.memory_space<semaphore_mem>>) src(%dma_wait3A_198 : memref<1000000x32xf32, #tpu.memory_space<hbm>>) dst(%dma_wait3A_192 : memref<128x32xf32, #tpu.memory_space<vmem>>)
    %dma_wait3A_199 = arith.constant 2 : i32
    %dma_wait3A_200 = arith.constant 256 : i32
    %dma_wait3A_201 = arith.constant 0 : i32
    %dma_wait3A_202 = tpu.memref_slice %arg16[%dma_wait3A_200, %dma_wait3A_201] : memref<512x16xf32, #tpu.memory_space<vmem>> -> memref<128x16xf32, #tpu.memory_space<vmem>>
    %dma_wait3A_203 = arith.constant 0 : i32
    %dma_wait3A_204 = tpu.memref_slice %arg12[%dma_wait3A_199, %dma_wait3A_203] : memref<4x128xi32, #tpu.memory_space<vmem>> -> memref<1x128xi32, #tpu.memory_space<vmem>>
    %dma_wait3A_205 = tpu.memref_squeeze %dma_wait3A_204 : memref<1x128xi32, #tpu.memory_space<vmem>> -> memref<128xi32, #tpu.memory_space<vmem>>
    %dma_wait3A_206 = arith.constant 0 : i32
    %dma_wait3A_207 = arith.constant 0 : i32
    %dma_wait3A_208 = tpu.memref_slice %arg6[%dma_wait3A_206, %dma_wait3A_207] : memref<1000000x16xf32, #tpu.memory_space<hbm>> -> memref<1000000x16xf32, #tpu.memory_space<hbm>>
    tpu.wait_indirect_dma semaphore(%arg22 : memref<!tpu.dma_semaphore, #tpu.memory_space<semaphore_mem>>) src(%dma_wait3A_208 : memref<1000000x16xf32, #tpu.memory_space<hbm>>) dst(%dma_wait3A_202 : memref<128x16xf32, #tpu.memory_space<vmem>>)
    %dma_wait3A_209 = arith.constant 3 : i32
    %dma_wait3A_210 = arith.constant 384 : i32
    %dma_wait3A_211 = arith.constant 0 : i32
    %dma_wait3A_212 = tpu.memref_slice %arg14[%dma_wait3A_210, %dma_wait3A_211] : memref<512x64xf32, #tpu.memory_space<vmem>> -> memref<128x64xf32, #tpu.memory_space<vmem>>
    %dma_wait3A_213 = arith.constant 0 : i32
    %dma_wait3A_214 = tpu.memref_slice %arg12[%dma_wait3A_209, %dma_wait3A_213] : memref<4x128xi32, #tpu.memory_space<vmem>> -> memref<1x128xi32, #tpu.memory_space<vmem>>
    %dma_wait3A_215 = tpu.memref_squeeze %dma_wait3A_214 : memref<1x128xi32, #tpu.memory_space<vmem>> -> memref<128xi32, #tpu.memory_space<vmem>>
    %dma_wait3A_216 = arith.constant 0 : i32
    %dma_wait3A_217 = arith.constant 0 : i32
    %dma_wait3A_218 = tpu.memref_slice %arg4[%dma_wait3A_216, %dma_wait3A_217] : memref<100000x64xf32, #tpu.memory_space<hbm>> -> memref<100000x64xf32, #tpu.memory_space<hbm>>
    tpu.wait_indirect_dma semaphore(%arg22 : memref<!tpu.dma_semaphore, #tpu.memory_space<semaphore_mem>>) src(%dma_wait3A_218 : memref<100000x64xf32, #tpu.memory_space<hbm>>) dst(%dma_wait3A_212 : memref<128x64xf32, #tpu.memory_space<vmem>>)
    %dma_wait3A_219 = arith.constant 3 : i32
    %dma_wait3A_220 = arith.constant 384 : i32
    %dma_wait3A_221 = arith.constant 0 : i32
    %dma_wait3A_222 = tpu.memref_slice %arg15[%dma_wait3A_220, %dma_wait3A_221] : memref<512x32xf32, #tpu.memory_space<vmem>> -> memref<128x32xf32, #tpu.memory_space<vmem>>
    %dma_wait3A_223 = arith.constant 0 : i32
    %dma_wait3A_224 = tpu.memref_slice %arg12[%dma_wait3A_219, %dma_wait3A_223] : memref<4x128xi32, #tpu.memory_space<vmem>> -> memref<1x128xi32, #tpu.memory_space<vmem>>
    %dma_wait3A_225 = tpu.memref_squeeze %dma_wait3A_224 : memref<1x128xi32, #tpu.memory_space<vmem>> -> memref<128xi32, #tpu.memory_space<vmem>>
    %dma_wait3A_226 = arith.constant 0 : i32
    %dma_wait3A_227 = arith.constant 0 : i32
    %dma_wait3A_228 = tpu.memref_slice %arg5[%dma_wait3A_226, %dma_wait3A_227] : memref<1000000x32xf32, #tpu.memory_space<hbm>> -> memref<1000000x32xf32, #tpu.memory_space<hbm>>
    tpu.wait_indirect_dma semaphore(%arg22 : memref<!tpu.dma_semaphore, #tpu.memory_space<semaphore_mem>>) src(%dma_wait3A_228 : memref<1000000x32xf32, #tpu.memory_space<hbm>>) dst(%dma_wait3A_222 : memref<128x32xf32, #tpu.memory_space<vmem>>)
    %dma_wait3A_229 = arith.constant 3 : i32
    %dma_wait3A_230 = arith.constant 384 : i32
    %dma_wait3A_231 = arith.constant 0 : i32
    %dma_wait3A_232 = tpu.memref_slice %arg16[%dma_wait3A_230, %dma_wait3A_231] : memref<512x16xf32, #tpu.memory_space<vmem>> -> memref<128x16xf32, #tpu.memory_space<vmem>>
    %dma_wait3A_233 = arith.constant 0 : i32
    %dma_wait3A_234 = tpu.memref_slice %arg12[%dma_wait3A_229, %dma_wait3A_233] : memref<4x128xi32, #tpu.memory_space<vmem>> -> memref<1x128xi32, #tpu.memory_space<vmem>>
    %dma_wait3A_235 = tpu.memref_squeeze %dma_wait3A_234 : memref<1x128xi32, #tpu.memory_space<vmem>> -> memref<128xi32, #tpu.memory_space<vmem>>
    %dma_wait3A_236 = arith.constant 0 : i32
    %dma_wait3A_237 = arith.constant 0 : i32
    %dma_wait3A_238 = tpu.memref_slice %arg6[%dma_wait3A_236, %dma_wait3A_237] : memref<1000000x16xf32, #tpu.memory_space<hbm>> -> memref<1000000x16xf32, #tpu.memory_space<hbm>>
    tpu.wait_indirect_dma semaphore(%arg22 : memref<!tpu.dma_semaphore, #tpu.memory_space<semaphore_mem>>) src(%dma_wait3A_238 : memref<1000000x16xf32, #tpu.memory_space<hbm>>) dst(%dma_wait3A_232 : memref<128x16xf32, #tpu.memory_space<vmem>>)
    %scan3A = arith.constant 0 : i32
    %scan3A_239 = arith.constant 0 : i32
    %scan3A_240 = arith.constant 512 : i32
    %scan3A_241 = arith.addi %scan3A_239, %scan3A_240 : i32
    %scan3A_242 = arith.constant 1 : i32
    scf.for %scan3A_244 = %scan3A_239 to %scan3A_241 step %scan3A_242  : i32 {
      %get3A = arith.index_cast %scan3A_244 : i32 to index
      %get3A_245 = tpu.vector_load %arg13[%get3A] {strides = array<i32>} : memref<528xi32, #tpu.memory_space<vmem>>, vector<16xi32>,
      %get3A_246 = vector.shape_cast %get3A_245 : vector<16xi32> to vector<16xi32>
      %slice3A = vector.extract_strided_slice %get3A_246 {offsets = [0], sizes = [1], strides = [1]} : vector<16xi32> to vector<1xi32>
      %squeeze3A = vector.extract %slice3A[0] : i32 from vector<1xi32>
      %eq3A = arith.constant 0 : i32
      %eq3A_247 = arith.cmpi eq, %squeeze3A, %eq3A : i32
      %convert_element_type3A = arith.extui %eq3A_247 : i1 to i32
      %cond3A = arith.constant 0 : i32
      %cond3A_248 = arith.cmpi ne, %convert_element_type3A, %cond3A : i32
      scf.if %cond3A_248 {
        %get3A_259 = arith.index_cast %scan3A_244 : i32 to index
        %get3A_260 = arith.constant 0 : index
        %get3A_261 = tpu.vector_load %arg14[%get3A_259, %get3A_260] {strides = array<i32>} : memref<512x64xf32, #tpu.memory_space<vmem>>, vector<1x16xf32>,
        %get3A_262 = vector.shape_cast %get3A_261 : vector<1x16xf32> to vector<16xf32>
        %swap3A = arith.index_cast %scan3A_244 : i32 to index
        %swap3A_263 = arith.constant 0 : index
        %swap3A_264 = tpu.vector_load %arg17[%swap3A, %swap3A_263] {strides = array<i32>} : memref<512x64xf32, #tpu.memory_space<vmem>>, vector<1x16xf32>,
        %swap3A_265 = vector.shape_cast %swap3A_264 : vector<1x16xf32> to vector<16xf32>
        %swap3A_266 = vector.shape_cast %get3A_262 : vector<16xf32> to vector<1x16xf32>
        tpu.vector_store %arg17[%swap3A, %swap3A_263], %swap3A_266 {strides = array<i32>} : memref<512x64xf32, #tpu.memory_space<vmem>>, vector<1x16xf32>,
        %get3A_267 = arith.index_cast %scan3A_244 : i32 to index
        %get3A_268 = arith.constant 16 : index
        %get3A_269 = tpu.vector_load %arg14[%get3A_267, %get3A_268] {strides = array<i32>} : memref<512x64xf32, #tpu.memory_space<vmem>>, vector<1x16xf32>,
        %get3A_270 = vector.shape_cast %get3A_269 : vector<1x16xf32> to vector<16xf32>
        %swap3A_271 = arith.index_cast %scan3A_244 : i32 to index
        %swap3A_272 = arith.constant 16 : index
        %swap3A_273 = tpu.vector_load %arg17[%swap3A_271, %swap3A_272] {strides = array<i32>} : memref<512x64xf32, #tpu.memory_space<vmem>>, vector<1x16xf32>,
        %swap3A_274 = vector.shape_cast %swap3A_273 : vector<1x16xf32> to vector<16xf32>
        %swap3A_275 = vector.shape_cast %get3A_270 : vector<16xf32> to vector<1x16xf32>
        tpu.vector_store %arg17[%swap3A_271, %swap3A_272], %swap3A_275 {strides = array<i32>} : memref<512x64xf32, #tpu.memory_space<vmem>>, vector<1x16xf32>,
        %get3A_276 = arith.index_cast %scan3A_244 : i32 to index
        %get3A_277 = arith.constant 32 : index
        %get3A_278 = tpu.vector_load %arg14[%get3A_276, %get3A_277] {strides = array<i32>} : memref<512x64xf32, #tpu.memory_space<vmem>>, vector<1x16xf32>,
        %get3A_279 = vector.shape_cast %get3A_278 : vector<1x16xf32> to vector<16xf32>
        %swap3A_280 = arith.index_cast %scan3A_244 : i32 to index
        %swap3A_281 = arith.constant 32 : index
        %swap3A_282 = tpu.vector_load %arg17[%swap3A_280, %swap3A_281] {strides = array<i32>} : memref<512x64xf32, #tpu.memory_space<vmem>>, vector<1x16xf32>,
        %swap3A_283 = vector.shape_cast %swap3A_282 : vector<1x16xf32> to vector<16xf32>
        %swap3A_284 = vector.shape_cast %get3A_279 : vector<16xf32> to vector<1x16xf32>
        tpu.vector_store %arg17[%swap3A_280, %swap3A_281], %swap3A_284 {strides = array<i32>} : memref<512x64xf32, #tpu.memory_space<vmem>>, vector<1x16xf32>,
        %get3A_285 = arith.index_cast %scan3A_244 : i32 to index
        %get3A_286 = arith.constant 48 : index
        %get3A_287 = tpu.vector_load %arg14[%get3A_285, %get3A_286] {strides = array<i32>} : memref<512x64xf32, #tpu.memory_space<vmem>>, vector<1x16xf32>,
        %get3A_288 = vector.shape_cast %get3A_287 : vector<1x16xf32> to vector<16xf32>
        %swap3A_289 = arith.index_cast %scan3A_244 : i32 to index
        %swap3A_290 = arith.constant 48 : index
        %swap3A_291 = tpu.vector_load %arg17[%swap3A_289, %swap3A_290] {strides = array<i32>} : memref<512x64xf32, #tpu.memory_space<vmem>>, vector<1x16xf32>,
        %swap3A_292 = vector.shape_cast %swap3A_291 : vector<1x16xf32> to vector<16xf32>
        %swap3A_293 = vector.shape_cast %get3A_288 : vector<16xf32> to vector<1x16xf32>
        tpu.vector_store %arg17[%swap3A_289, %swap3A_290], %swap3A_293 {strides = array<i32>} : memref<512x64xf32, #tpu.memory_space<vmem>>, vector<1x16xf32>,
      } else {
      }
      %eq3A_249 = arith.constant 1 : i32
      %eq3A_250 = arith.cmpi eq, %squeeze3A, %eq3A_249 : i32
      %convert_element_type3A_251 = arith.extui %eq3A_250 : i1 to i32
      %cond3A_252 = arith.constant 0 : i32
      %cond3A_253 = arith.cmpi ne, %convert_element_type3A_251, %cond3A_252 : i32
      scf.if %cond3A_253 {
        %get3A_259 = arith.index_cast %scan3A_244 : i32 to index
        %get3A_260 = arith.constant 0 : index
        %get3A_261 = tpu.vector_load %arg15[%get3A_259, %get3A_260] {strides = array<i32>} : memref<512x32xf32, #tpu.memory_space<vmem>>, vector<1x16xf32>,
        %get3A_262 = vector.shape_cast %get3A_261 : vector<1x16xf32> to vector<16xf32>
        %get3A_263 = arith.index_cast %scan3A_244 : i32 to index
        %get3A_264 = arith.constant 16 : index
        %get3A_265 = tpu.vector_load %arg15[%get3A_263, %get3A_264] {strides = array<i32>} : memref<512x32xf32, #tpu.memory_space<vmem>>, vector<1x16xf32>,
        %get3A_266 = vector.shape_cast %get3A_265 : vector<1x16xf32> to vector<16xf32>
        %get3A_267 = arith.constant 0 : index
        %get3A_268 = tpu.vector_load %arg19[%get3A_267] {strides = array<i32>} : memref<64xf32, #tpu.memory_space<vmem>>, vector<16xf32>,
        %get3A_269 = vector.shape_cast %get3A_268 : vector<16xf32> to vector<16xf32>
        %get3A_270 = arith.constant 16 : index
        %get3A_271 = tpu.vector_load %arg19[%get3A_270] {strides = array<i32>} : memref<64xf32, #tpu.memory_space<vmem>>, vector<16xf32>,
        %get3A_272 = vector.shape_cast %get3A_271 : vector<16xf32> to vector<16xf32>
        %get3A_273 = arith.constant 32 : index
        %get3A_274 = tpu.vector_load %arg19[%get3A_273] {strides = array<i32>} : memref<64xf32, #tpu.memory_space<vmem>>, vector<16xf32>,
        %get3A_275 = vector.shape_cast %get3A_274 : vector<16xf32> to vector<16xf32>
        %get3A_276 = arith.constant 48 : index
        %get3A_277 = tpu.vector_load %arg19[%get3A_276] {strides = array<i32>} : memref<64xf32, #tpu.memory_space<vmem>>, vector<16xf32>,
        %get3A_278 = vector.shape_cast %get3A_277 : vector<16xf32> to vector<16xf32>
        %slice3A_279 = vector.extract_strided_slice %get3A_262 {offsets = [0], sizes = [1], strides = [1]} : vector<16xf32> to vector<1xf32>
        %squeeze3A_280 = vector.extract %slice3A_279[0] : f32 from vector<1xf32>
        %get3A_281 = arith.constant 0 : i32
        %get3A_282 = arith.index_cast %get3A_281 : i32 to index
        %get3A_283 = arith.constant 0 : index
        %get3A_284 = tpu.vector_load %arg18[%get3A_282, %get3A_283] {strides = array<i32>} : memref<32x64xf32, #tpu.memory_space<vmem>>, vector<1x16xf32>,
        %get3A_285 = vector.shape_cast %get3A_284 : vector<1x16xf32> to vector<16xf32>
        %mul3A_286 = vector.broadcast %squeeze3A_280 : f32 to vector<16xf32>
        %mul3A_287 = arith.mulf %mul3A_286, %get3A_285 : vector<16xf32>
        %add3A_288 = arith.addf %get3A_269, %mul3A_287 : vector<16xf32>
        %get3A_289 = arith.constant 0 : i32
        %get3A_290 = arith.index_cast %get3A_289 : i32 to index
        %get3A_291 = arith.constant 16 : index
        %get3A_292 = tpu.vector_load %arg18[%get3A_290, %get3A_291] {strides = array<i32>} : memref<32x64xf32, #tpu.memory_space<vmem>>, vector<1x16xf32>,
        %get3A_293 = vector.shape_cast %get3A_292 : vector<1x16xf32> to vector<16xf32>
        %mul3A_294 = vector.broadcast %squeeze3A_280 : f32 to vector<16xf32>
        %mul3A_295 = arith.mulf %mul3A_294, %get3A_293 : vector<16xf32>
        %add3A_296 = arith.addf %get3A_272, %mul3A_295 : vector<16xf32>
        %get3A_297 = arith.constant 0 : i32
        %get3A_298 = arith.index_cast %get3A_297 : i32 to index
        %get3A_299 = arith.constant 32 : index
        %get3A_300 = tpu.vector_load %arg18[%get3A_298, %get3A_299] {strides = array<i32>} : memref<32x64xf32, #tpu.memory_space<vmem>>, vector<1x16xf32>,
        %get3A_301 = vector.shape_cast %get3A_300 : vector<1x16xf32> to vector<16xf32>
        %mul3A_302 = vector.broadcast %squeeze3A_280 : f32 to vector<16xf32>
        %mul3A_303 = arith.mulf %mul3A_302, %get3A_301 : vector<16xf32>
        %add3A_304 = arith.addf %get3A_275, %mul3A_303 : vector<16xf32>
        %get3A_305 = arith.constant 0 : i32
        %get3A_306 = arith.index_cast %get3A_305 : i32 to index
        %get3A_307 = arith.constant 48 : index
        %get3A_308 = tpu.vector_load %arg18[%get3A_306, %get3A_307] {strides = array<i32>} : memref<32x64xf32, #tpu.memory_space<vmem>>, vector<1x16xf32>,
        %get3A_309 = vector.shape_cast %get3A_308 : vector<1x16xf32> to vector<16xf32>
        %mul3A_310 = vector.broadcast %squeeze3A_280 : f32 to vector<16xf32>
        %mul3A_311 = arith.mulf %mul3A_310, %get3A_309 : vector<16xf32>
        %add3A_312 = arith.addf %get3A_278, %mul3A_311 : vector<16xf32>
        %slice3A_313 = vector.extract_strided_slice %get3A_262 {offsets = [1], sizes = [1], strides = [1]} : vector<16xf32> to vector<1xf32>
        %squeeze3A_314 = vector.extract %slice3A_313[0] : f32 from vector<1xf32>
        %get3A_315 = arith.constant 1 : i32
        %get3A_316 = arith.index_cast %get3A_315 : i32 to index
        %get3A_317 = arith.constant 0 : index
        %get3A_318 = tpu.vector_load %arg18[%get3A_316, %get3A_317] {strides = array<i32>} : memref<32x64xf32, #tpu.memory_space<vmem>>, vector<1x16xf32>,
        %get3A_319 = vector.shape_cast %get3A_318 : vector<1x16xf32> to vector<16xf32>
        %mul3A_320 = vector.broadcast %squeeze3A_314 : f32 to vector<16xf32>
        %mul3A_321 = arith.mulf %mul3A_320, %get3A_319 : vector<16xf32>
        %add3A_322 = arith.addf %add3A_288, %mul3A_321 : vector<16xf32>
        %get3A_323 = arith.constant 1 : i32
        %get3A_324 = arith.index_cast %get3A_323 : i32 to index
        %get3A_325 = arith.constant 16 : index
        %get3A_326 = tpu.vector_load %arg18[%get3A_324, %get3A_325] {strides = array<i32>} : memref<32x64xf32, #tpu.memory_space<vmem>>, vector<1x16xf32>,
        %get3A_327 = vector.shape_cast %get3A_326 : vector<1x16xf32> to vector<16xf32>
        %mul3A_328 = vector.broadcast %squeeze3A_314 : f32 to vector<16xf32>
        %mul3A_329 = arith.mulf %mul3A_328, %get3A_327 : vector<16xf32>
        %add3A_330 = arith.addf %add3A_296, %mul3A_329 : vector<16xf32>
        %get3A_331 = arith.constant 1 : i32
        %get3A_332 = arith.index_cast %get3A_331 : i32 to index
        %get3A_333 = arith.constant 32 : index
        %get3A_334 = tpu.vector_load %arg18[%get3A_332, %get3A_333] {strides = array<i32>} : memref<32x64xf32, #tpu.memory_space<vmem>>, vector<1x16xf32>,
        %get3A_335 = vector.shape_cast %get3A_334 : vector<1x16xf32> to vector<16xf32>
        %mul3A_336 = vector.broadcast %squeeze3A_314 : f32 to vector<16xf32>
        %mul3A_337 = arith.mulf %mul3A_336, %get3A_335 : vector<16xf32>
        %add3A_338 = arith.addf %add3A_304, %mul3A_337 : vector<16xf32>
        %get3A_339 = arith.constant 1 : i32
        %get3A_340 = arith.index_cast %get3A_339 : i32 to index
        %get3A_341 = arith.constant 48 : index
        %get3A_342 = tpu.vector_load %arg18[%get3A_340, %get3A_341] {strides = array<i32>} : memref<32x64xf32, #tpu.memory_space<vmem>>, vector<1x16xf32>,
        %get3A_343 = vector.shape_cast %get3A_342 : vector<1x16xf32> to vector<16xf32>
        %mul3A_344 = vector.broadcast %squeeze3A_314 : f32 to vector<16xf32>
        %mul3A_345 = arith.mulf %mul3A_344, %get3A_343 : vector<16xf32>
        %add3A_346 = arith.addf %add3A_312, %mul3A_345 : vector<16xf32>
        %slice3A_347 = vector.extract_strided_slice %get3A_262 {offsets = [2], sizes = [1], strides = [1]} : vector<16xf32> to vector<1xf32>
        %squeeze3A_348 = vector.extract %slice3A_347[0] : f32 from vector<1xf32>
        %get3A_349 = arith.constant 2 : i32
        %get3A_350 = arith.index_cast %get3A_349 : i32 to index
        %get3A_351 = arith.constant 0 : index
        %get3A_352 = tpu.vector_load %arg18[%get3A_350, %get3A_351] {strides = array<i32>} : memref<32x64xf32, #tpu.memory_space<vmem>>, vector<1x16xf32>,
        %get3A_353 = vector.shape_cast %get3A_352 : vector<1x16xf32> to vector<16xf32>
        %mul3A_354 = vector.broadcast %squeeze3A_348 : f32 to vector<16xf32>
        %mul3A_355 = arith.mulf %mul3A_354, %get3A_353 : vector<16xf32>
        %add3A_356 = arith.addf %add3A_322, %mul3A_355 : vector<16xf32>
        %get3A_357 = arith.constant 2 : i32
        %get3A_358 = arith.index_cast %get3A_357 : i32 to index
        %get3A_359 = arith.constant 16 : index
        %get3A_360 = tpu.vector_load %arg18[%get3A_358, %get3A_359] {strides = array<i32>} : memref<32x64xf32, #tpu.memory_space<vmem>>, vector<1x16xf32>,
        %get3A_361 = vector.shape_cast %get3A_360 : vector<1x16xf32> to vector<16xf32>
        %mul3A_362 = vector.broadcast %squeeze3A_348 : f32 to vector<16xf32>
        %mul3A_363 = arith.mulf %mul3A_362, %get3A_361 : vector<16xf32>
        %add3A_364 = arith.addf %add3A_330, %mul3A_363 : vector<16xf32>
        %get3A_365 = arith.constant 2 : i32
        %get3A_366 = arith.index_cast %get3A_365 : i32 to index
        %get3A_367 = arith.constant 32 : index
        %get3A_368 = tpu.vector_load %arg18[%get3A_366, %get3A_367] {strides = array<i32>} : memref<32x64xf32, #tpu.memory_space<vmem>>, vector<1x16xf32>,
        %get3A_369 = vector.shape_cast %get3A_368 : vector<1x16xf32> to vector<16xf32>
        %mul3A_370 = vector.broadcast %squeeze3A_348 : f32 to vector<16xf32>
        %mul3A_371 = arith.mulf %mul3A_370, %get3A_369 : vector<16xf32>
        %add3A_372 = arith.addf %add3A_338, %mul3A_371 : vector<16xf32>
        %get3A_373 = arith.constant 2 : i32
        %get3A_374 = arith.index_cast %get3A_373 : i32 to index
        %get3A_375 = arith.constant 48 : index
        %get3A_376 = tpu.vector_load %arg18[%get3A_374, %get3A_375] {strides = array<i32>} : memref<32x64xf32, #tpu.memory_space<vmem>>, vector<1x16xf32>,
        %get3A_377 = vector.shape_cast %get3A_376 : vector<1x16xf32> to vector<16xf32>
        %mul3A_378 = vector.broadcast %squeeze3A_348 : f32 to vector<16xf32>
        %mul3A_379 = arith.mulf %mul3A_378, %get3A_377 : vector<16xf32>
        %add3A_380 = arith.addf %add3A_346, %mul3A_379 : vector<16xf32>
        %slice3A_381 = vector.extract_strided_slice %get3A_262 {offsets = [3], sizes = [1], strides = [1]} : vector<16xf32> to vector<1xf32>
        %squeeze3A_382 = vector.extract %slice3A_381[0] : f32 from vector<1xf32>
        %get3A_383 = arith.constant 3 : i32
        %get3A_384 = arith.index_cast %get3A_383 : i32 to index
        %get3A_385 = arith.constant 0 : index
        %get3A_386 = tpu.vector_load %arg18[%get3A_384, %get3A_385] {strides = array<i32>} : memref<32x64xf32, #tpu.memory_space<vmem>>, vector<1x16xf32>,
        %get3A_387 = vector.shape_cast %get3A_386 : vector<1x16xf32> to vector<16xf32>
        %mul3A_388 = vector.broadcast %squeeze3A_382 : f32 to vector<16xf32>
        %mul3A_389 = arith.mulf %mul3A_388, %get3A_387 : vector<16xf32>
        %add3A_390 = arith.addf %add3A_356, %mul3A_389 : vector<16xf32>
        %get3A_391 = arith.constant 3 : i32
        %get3A_392 = arith.index_cast %get3A_391 : i32 to index
        %get3A_393 = arith.constant 16 : index
        %get3A_394 = tpu.vector_load %arg18[%get3A_392, %get3A_393] {strides = array<i32>} : memref<32x64xf32, #tpu.memory_space<vmem>>, vector<1x16xf32>,
        %get3A_395 = vector.shape_cast %get3A_394 : vector<1x16xf32> to vector<16xf32>
        %mul3A_396 = vector.broadcast %squeeze3A_382 : f32 to vector<16xf32>
        %mul3A_397 = arith.mulf %mul3A_396, %get3A_395 : vector<16xf32>
        %add3A_398 = arith.addf %add3A_364, %mul3A_397 : vector<16xf32>
        %get3A_399 = arith.constant 3 : i32
        %get3A_400 = arith.index_cast %get3A_399 : i32 to index
        %get3A_401 = arith.constant 32 : index
        %get3A_402 = tpu.vector_load %arg18[%get3A_400, %get3A_401] {strides = array<i32>} : memref<32x64xf32, #tpu.memory_space<vmem>>, vector<1x16xf32>,
        %get3A_403 = vector.shape_cast %get3A_402 : vector<1x16xf32> to vector<16xf32>
        %mul3A_404 = vector.broadcast %squeeze3A_382 : f32 to vector<16xf32>
        %mul3A_405 = arith.mulf %mul3A_404, %get3A_403 : vector<16xf32>
        %add3A_406 = arith.addf %add3A_372, %mul3A_405 : vector<16xf32>
        %get3A_407 = arith.constant 3 : i32
        %get3A_408 = arith.index_cast %get3A_407 : i32 to index
        %get3A_409 = arith.constant 48 : index
        %get3A_410 = tpu.vector_load %arg18[%get3A_408, %get3A_409] {strides = array<i32>} : memref<32x64xf32, #tpu.memory_space<vmem>>, vector<1x16xf32>,
        %get3A_411 = vector.shape_cast %get3A_410 : vector<1x16xf32> to vector<16xf32>
        %mul3A_412 = vector.broadcast %squeeze3A_382 : f32 to vector<16xf32>
        %mul3A_413 = arith.mulf %mul3A_412, %get3A_411 : vector<16xf32>
        %add3A_414 = arith.addf %add3A_380, %mul3A_413 : vector<16xf32>
        %slice3A_415 = vector.extract_strided_slice %get3A_262 {offsets = [4], sizes = [1], strides = [1]} : vector<16xf32> to vector<1xf32>
        %squeeze3A_416 = vector.extract %slice3A_415[0] : f32 from vector<1xf32>
        %get3A_417 = arith.constant 4 : i32
        %get3A_418 = arith.index_cast %get3A_417 : i32 to index
        %get3A_419 = arith.constant 0 : index
        %get3A_420 = tpu.vector_load %arg18[%get3A_418, %get3A_419] {strides = array<i32>} : memref<32x64xf32, #tpu.memory_space<vmem>>, vector<1x16xf32>,
        %get3A_421 = vector.shape_cast %get3A_420 : vector<1x16xf32> to vector<16xf32>
        %mul3A_422 = vector.broadcast %squeeze3A_416 : f32 to vector<16xf32>
        %mul3A_423 = arith.mulf %mul3A_422, %get3A_421 : vector<16xf32>
        %add3A_424 = arith.addf %add3A_390, %mul3A_423 : vector<16xf32>
        %get3A_425 = arith.constant 4 : i32
        %get3A_426 = arith.index_cast %get3A_425 : i32 to index
        %get3A_427 = arith.constant 16 : index
        %get3A_428 = tpu.vector_load %arg18[%get3A_426, %get3A_427] {strides = array<i32>} : memref<32x64xf32, #tpu.memory_space<vmem>>, vector<1x16xf32>,
        %get3A_429 = vector.shape_cast %get3A_428 : vector<1x16xf32> to vector<16xf32>
        %mul3A_430 = vector.broadcast %squeeze3A_416 : f32 to vector<16xf32>
        %mul3A_431 = arith.mulf %mul3A_430, %get3A_429 : vector<16xf32>
        %add3A_432 = arith.addf %add3A_398, %mul3A_431 : vector<16xf32>
        %get3A_433 = arith.constant 4 : i32
        %get3A_434 = arith.index_cast %get3A_433 : i32 to index
        %get3A_435 = arith.constant 32 : index
        %get3A_436 = tpu.vector_load %arg18[%get3A_434, %get3A_435] {strides = array<i32>} : memref<32x64xf32, #tpu.memory_space<vmem>>, vector<1x16xf32>,
        %get3A_437 = vector.shape_cast %get3A_436 : vector<1x16xf32> to vector<16xf32>
        %mul3A_438 = vector.broadcast %squeeze3A_416 : f32 to vector<16xf32>
        %mul3A_439 = arith.mulf %mul3A_438, %get3A_437 : vector<16xf32>
        %add3A_440 = arith.addf %add3A_406, %mul3A_439 : vector<16xf32>
        %get3A_441 = arith.constant 4 : i32
        %get3A_442 = arith.index_cast %get3A_441 : i32 to index
        %get3A_443 = arith.constant 48 : index
        %get3A_444 = tpu.vector_load %arg18[%get3A_442, %get3A_443] {strides = array<i32>} : memref<32x64xf32, #tpu.memory_space<vmem>>, vector<1x16xf32>,
        %get3A_445 = vector.shape_cast %get3A_444 : vector<1x16xf32> to vector<16xf32>
        %mul3A_446 = vector.broadcast %squeeze3A_416 : f32 to vector<16xf32>
        %mul3A_447 = arith.mulf %mul3A_446, %get3A_445 : vector<16xf32>
        %add3A_448 = arith.addf %add3A_414, %mul3A_447 : vector<16xf32>
        %slice3A_449 = vector.extract_strided_slice %get3A_262 {offsets = [5], sizes = [1], strides = [1]} : vector<16xf32> to vector<1xf32>
        %squeeze3A_450 = vector.extract %slice3A_449[0] : f32 from vector<1xf32>
        %get3A_451 = arith.constant 5 : i32
        %get3A_452 = arith.index_cast %get3A_451 : i32 to index
        %get3A_453 = arith.constant 0 : index
        %get3A_454 = tpu.vector_load %arg18[%get3A_452, %get3A_453] {strides = array<i32>} : memref<32x64xf32, #tpu.memory_space<vmem>>, vector<1x16xf32>,
        %get3A_455 = vector.shape_cast %get3A_454 : vector<1x16xf32> to vector<16xf32>
        %mul3A_456 = vector.broadcast %squeeze3A_450 : f32 to vector<16xf32>
        %mul3A_457 = arith.mulf %mul3A_456, %get3A_455 : vector<16xf32>
        %add3A_458 = arith.addf %add3A_424, %mul3A_457 : vector<16xf32>
        %get3A_459 = arith.constant 5 : i32
        %get3A_460 = arith.index_cast %get3A_459 : i32 to index
        %get3A_461 = arith.constant 16 : index
        %get3A_462 = tpu.vector_load %arg18[%get3A_460, %get3A_461] {strides = array<i32>} : memref<32x64xf32, #tpu.memory_space<vmem>>, vector<1x16xf32>,
        %get3A_463 = vector.shape_cast %get3A_462 : vector<1x16xf32> to vector<16xf32>
        %mul3A_464 = vector.broadcast %squeeze3A_450 : f32 to vector<16xf32>
        %mul3A_465 = arith.mulf %mul3A_464, %get3A_463 : vector<16xf32>
        %add3A_466 = arith.addf %add3A_432, %mul3A_465 : vector<16xf32>
        %get3A_467 = arith.constant 5 : i32
        %get3A_468 = arith.index_cast %get3A_467 : i32 to index
        %get3A_469 = arith.constant 32 : index
        %get3A_470 = tpu.vector_load %arg18[%get3A_468, %get3A_469] {strides = array<i32>} : memref<32x64xf32, #tpu.memory_space<vmem>>, vector<1x16xf32>,
        %get3A_471 = vector.shape_cast %get3A_470 : vector<1x16xf32> to vector<16xf32>
        %mul3A_472 = vector.broadcast %squeeze3A_450 : f32 to vector<16xf32>
        %mul3A_473 = arith.mulf %mul3A_472, %get3A_471 : vector<16xf32>
        %add3A_474 = arith.addf %add3A_440, %mul3A_473 : vector<16xf32>
        %get3A_475 = arith.constant 5 : i32
        %get3A_476 = arith.index_cast %get3A_475 : i32 to index
        %get3A_477 = arith.constant 48 : index
        %get3A_478 = tpu.vector_load %arg18[%get3A_476, %get3A_477] {strides = array<i32>} : memref<32x64xf32, #tpu.memory_space<vmem>>, vector<1x16xf32>,
        %get3A_479 = vector.shape_cast %get3A_478 : vector<1x16xf32> to vector<16xf32>
        %mul3A_480 = vector.broadcast %squeeze3A_450 : f32 to vector<16xf32>
        %mul3A_481 = arith.mulf %mul3A_480, %get3A_479 : vector<16xf32>
        %add3A_482 = arith.addf %add3A_448, %mul3A_481 : vector<16xf32>
        %slice3A_483 = vector.extract_strided_slice %get3A_262 {offsets = [6], sizes = [1], strides = [1]} : vector<16xf32> to vector<1xf32>
        %squeeze3A_484 = vector.extract %slice3A_483[0] : f32 from vector<1xf32>
        %get3A_485 = arith.constant 6 : i32
        %get3A_486 = arith.index_cast %get3A_485 : i32 to index
        %get3A_487 = arith.constant 0 : index
        %get3A_488 = tpu.vector_load %arg18[%get3A_486, %get3A_487] {strides = array<i32>} : memref<32x64xf32, #tpu.memory_space<vmem>>, vector<1x16xf32>,
        %get3A_489 = vector.shape_cast %get3A_488 : vector<1x16xf32> to vector<16xf32>
        %mul3A_490 = vector.broadcast %squeeze3A_484 : f32 to vector<16xf32>
        %mul3A_491 = arith.mulf %mul3A_490, %get3A_489 : vector<16xf32>
        %add3A_492 = arith.addf %add3A_458, %mul3A_491 : vector<16xf32>
        %get3A_493 = arith.constant 6 : i32
        %get3A_494 = arith.index_cast %get3A_493 : i32 to index
        %get3A_495 = arith.constant 16 : index
        %get3A_496 = tpu.vector_load %arg18[%get3A_494, %get3A_495] {strides = array<i32>} : memref<32x64xf32, #tpu.memory_space<vmem>>, vector<1x16xf32>,
        %get3A_497 = vector.shape_cast %get3A_496 : vector<1x16xf32> to vector<16xf32>
        %mul3A_498 = vector.broadcast %squeeze3A_484 : f32 to vector<16xf32>
        %mul3A_499 = arith.mulf %mul3A_498, %get3A_497 : vector<16xf32>
        %add3A_500 = arith.addf %add3A_466, %mul3A_499 : vector<16xf32>
        %get3A_501 = arith.constant 6 : i32
        %get3A_502 = arith.index_cast %get3A_501 : i32 to index
        %get3A_503 = arith.constant 32 : index
        %get3A_504 = tpu.vector_load %arg18[%get3A_502, %get3A_503] {strides = array<i32>} : memref<32x64xf32, #tpu.memory_space<vmem>>, vector<1x16xf32>,
        %get3A_505 = vector.shape_cast %get3A_504 : vector<1x16xf32> to vector<16xf32>
        %mul3A_506 = vector.broadcast %squeeze3A_484 : f32 to vector<16xf32>
        %mul3A_507 = arith.mulf %mul3A_506, %get3A_505 : vector<16xf32>
        %add3A_508 = arith.addf %add3A_474, %mul3A_507 : vector<16xf32>
        %get3A_509 = arith.constant 6 : i32
        %get3A_510 = arith.index_cast %get3A_509 : i32 to index
        %get3A_511 = arith.constant 48 : index
        %get3A_512 = tpu.vector_load %arg18[%get3A_510, %get3A_511] {strides = array<i32>} : memref<32x64xf32, #tpu.memory_space<vmem>>, vector<1x16xf32>,
        %get3A_513 = vector.shape_cast %get3A_512 : vector<1x16xf32> to vector<16xf32>
        %mul3A_514 = vector.broadcast %squeeze3A_484 : f32 to vector<16xf32>
        %mul3A_515 = arith.mulf %mul3A_514, %get3A_513 : vector<16xf32>
        %add3A_516 = arith.addf %add3A_482, %mul3A_515 : vector<16xf32>
        %slice3A_517 = vector.extract_strided_slice %get3A_262 {offsets = [7], sizes = [1], strides = [1]} : vector<16xf32> to vector<1xf32>
        %squeeze3A_518 = vector.extract %slice3A_517[0] : f32 from vector<1xf32>
        %get3A_519 = arith.constant 7 : i32
        %get3A_520 = arith.index_cast %get3A_519 : i32 to index
        %get3A_521 = arith.constant 0 : index
        %get3A_522 = tpu.vector_load %arg18[%get3A_520, %get3A_521] {strides = array<i32>} : memref<32x64xf32, #tpu.memory_space<vmem>>, vector<1x16xf32>,
        %get3A_523 = vector.shape_cast %get3A_522 : vector<1x16xf32> to vector<16xf32>
        %mul3A_524 = vector.broadcast %squeeze3A_518 : f32 to vector<16xf32>
        %mul3A_525 = arith.mulf %mul3A_524, %get3A_523 : vector<16xf32>
        %add3A_526 = arith.addf %add3A_492, %mul3A_525 : vector<16xf32>
        %get3A_527 = arith.constant 7 : i32
        %get3A_528 = arith.index_cast %get3A_527 : i32 to index
        %get3A_529 = arith.constant 16 : index
        %get3A_530 = tpu.vector_load %arg18[%get3A_528, %get3A_529] {strides = array<i32>} : memref<32x64xf32, #tpu.memory_space<vmem>>, vector<1x16xf32>,
        %get3A_531 = vector.shape_cast %get3A_530 : vector<1x16xf32> to vector<16xf32>
        %mul3A_532 = vector.broadcast %squeeze3A_518 : f32 to vector<16xf32>
        %mul3A_533 = arith.mulf %mul3A_532, %get3A_531 : vector<16xf32>
        %add3A_534 = arith.addf %add3A_500, %mul3A_533 : vector<16xf32>
        %get3A_535 = arith.constant 7 : i32
        %get3A_536 = arith.index_cast %get3A_535 : i32 to index
        %get3A_537 = arith.constant 32 : index
        %get3A_538 = tpu.vector_load %arg18[%get3A_536, %get3A_537] {strides = array<i32>} : memref<32x64xf32, #tpu.memory_space<vmem>>, vector<1x16xf32>,
        %get3A_539 = vector.shape_cast %get3A_538 : vector<1x16xf32> to vector<16xf32>
        %mul3A_540 = vector.broadcast %squeeze3A_518 : f32 to vector<16xf32>
        %mul3A_541 = arith.mulf %mul3A_540, %get3A_539 : vector<16xf32>
        %add3A_542 = arith.addf %add3A_508, %mul3A_541 : vector<16xf32>
        %get3A_543 = arith.constant 7 : i32
        %get3A_544 = arith.index_cast %get3A_543 : i32 to index
        %get3A_545 = arith.constant 48 : index
        %get3A_546 = tpu.vector_load %arg18[%get3A_544, %get3A_545] {strides = array<i32>} : memref<32x64xf32, #tpu.memory_space<vmem>>, vector<1x16xf32>,
        %get3A_547 = vector.shape_cast %get3A_546 : vector<1x16xf32> to vector<16xf32>
        %mul3A_548 = vector.broadcast %squeeze3A_518 : f32 to vector<16xf32>
        %mul3A_549 = arith.mulf %mul3A_548, %get3A_547 : vector<16xf32>
        %add3A_550 = arith.addf %add3A_516, %mul3A_549 : vector<16xf32>
        %slice3A_551 = vector.extract_strided_slice %get3A_262 {offsets = [8], sizes = [1], strides = [1]} : vector<16xf32> to vector<1xf32>
        %squeeze3A_552 = vector.extract %slice3A_551[0] : f32 from vector<1xf32>
        %get3A_553 = arith.constant 8 : i32
        %get3A_554 = arith.index_cast %get3A_553 : i32 to index
        %get3A_555 = arith.constant 0 : index
        %get3A_556 = tpu.vector_load %arg18[%get3A_554, %get3A_555] {strides = array<i32>} : memref<32x64xf32, #tpu.memory_space<vmem>>, vector<1x16xf32>,
        %get3A_557 = vector.shape_cast %get3A_556 : vector<1x16xf32> to vector<16xf32>
        %mul3A_558 = vector.broadcast %squeeze3A_552 : f32 to vector<16xf32>
        %mul3A_559 = arith.mulf %mul3A_558, %get3A_557 : vector<16xf32>
        %add3A_560 = arith.addf %add3A_526, %mul3A_559 : vector<16xf32>
        %get3A_561 = arith.constant 8 : i32
        %get3A_562 = arith.index_cast %get3A_561 : i32 to index
        %get3A_563 = arith.constant 16 : index
        %get3A_564 = tpu.vector_load %arg18[%get3A_562, %get3A_563] {strides = array<i32>} : memref<32x64xf32, #tpu.memory_space<vmem>>, vector<1x16xf32>,
        %get3A_565 = vector.shape_cast %get3A_564 : vector<1x16xf32> to vector<16xf32>
        %mul3A_566 = vector.broadcast %squeeze3A_552 : f32 to vector<16xf32>
        %mul3A_567 = arith.mulf %mul3A_566, %get3A_565 : vector<16xf32>
        %add3A_568 = arith.addf %add3A_534, %mul3A_567 : vector<16xf32>
        %get3A_569 = arith.constant 8 : i32
        %get3A_570 = arith.index_cast %get3A_569 : i32 to index
        %get3A_571 = arith.constant 32 : index
        %get3A_572 = tpu.vector_load %arg18[%get3A_570, %get3A_571] {strides = array<i32>} : memref<32x64xf32, #tpu.memory_space<vmem>>, vector<1x16xf32>,
        %get3A_573 = vector.shape_cast %get3A_572 : vector<1x16xf32> to vector<16xf32>
        %mul3A_574 = vector.broadcast %squeeze3A_552 : f32 to vector<16xf32>
        %mul3A_575 = arith.mulf %mul3A_574, %get3A_573 : vector<16xf32>
        %add3A_576 = arith.addf %add3A_542, %mul3A_575 : vector<16xf32>
        %get3A_577 = arith.constant 8 : i32
        %get3A_578 = arith.index_cast %get3A_577 : i32 to index
        %get3A_579 = arith.constant 48 : index
        %get3A_580 = tpu.vector_load %arg18[%get3A_578, %get3A_579] {strides = array<i32>} : memref<32x64xf32, #tpu.memory_space<vmem>>, vector<1x16xf32>,
        %get3A_581 = vector.shape_cast %get3A_580 : vector<1x16xf32> to vector<16xf32>
        %mul3A_582 = vector.broadcast %squeeze3A_552 : f32 to vector<16xf32>
        %mul3A_583 = arith.mulf %mul3A_582, %get3A_581 : vector<16xf32>
        %add3A_584 = arith.addf %add3A_550, %mul3A_583 : vector<16xf32>
        %slice3A_585 = vector.extract_strided_slice %get3A_262 {offsets = [9], sizes = [1], strides = [1]} : vector<16xf32> to vector<1xf32>
        %squeeze3A_586 = vector.extract %slice3A_585[0] : f32 from vector<1xf32>
        %get3A_587 = arith.constant 9 : i32
        %get3A_588 = arith.index_cast %get3A_587 : i32 to index
        %get3A_589 = arith.constant 0 : index
        %get3A_590 = tpu.vector_load %arg18[%get3A_588, %get3A_589] {strides = array<i32>} : memref<32x64xf32, #tpu.memory_space<vmem>>, vector<1x16xf32>,
        %get3A_591 = vector.shape_cast %get3A_590 : vector<1x16xf32> to vector<16xf32>
        %mul3A_592 = vector.broadcast %squeeze3A_586 : f32 to vector<16xf32>
        %mul3A_593 = arith.mulf %mul3A_592, %get3A_591 : vector<16xf32>
        %add3A_594 = arith.addf %add3A_560, %mul3A_593 : vector<16xf32>
        %get3A_595 = arith.constant 9 : i32
        %get3A_596 = arith.index_cast %get3A_595 : i32 to index
        %get3A_597 = arith.constant 16 : index
        %get3A_598 = tpu.vector_load %arg18[%get3A_596, %get3A_597] {strides = array<i32>} : memref<32x64xf32, #tpu.memory_space<vmem>>, vector<1x16xf32>,
        %get3A_599 = vector.shape_cast %get3A_598 : vector<1x16xf32> to vector<16xf32>
        %mul3A_600 = vector.broadcast %squeeze3A_586 : f32 to vector<16xf32>
        %mul3A_601 = arith.mulf %mul3A_600, %get3A_599 : vector<16xf32>
        %add3A_602 = arith.addf %add3A_568, %mul3A_601 : vector<16xf32>
        %get3A_603 = arith.constant 9 : i32
        %get3A_604 = arith.index_cast %get3A_603 : i32 to index
        %get3A_605 = arith.constant 32 : index
        %get3A_606 = tpu.vector_load %arg18[%get3A_604, %get3A_605] {strides = array<i32>} : memref<32x64xf32, #tpu.memory_space<vmem>>, vector<1x16xf32>,
        %get3A_607 = vector.shape_cast %get3A_606 : vector<1x16xf32> to vector<16xf32>
        %mul3A_608 = vector.broadcast %squeeze3A_586 : f32 to vector<16xf32>
        %mul3A_609 = arith.mulf %mul3A_608, %get3A_607 : vector<16xf32>
        %add3A_610 = arith.addf %add3A_576, %mul3A_609 : vector<16xf32>
        %get3A_611 = arith.constant 9 : i32
        %get3A_612 = arith.index_cast %get3A_611 : i32 to index
        %get3A_613 = arith.constant 48 : index
        %get3A_614 = tpu.vector_load %arg18[%get3A_612, %get3A_613] {strides = array<i32>} : memref<32x64xf32, #tpu.memory_space<vmem>>, vector<1x16xf32>,
        %get3A_615 = vector.shape_cast %get3A_614 : vector<1x16xf32> to vector<16xf32>
        %mul3A_616 = vector.broadcast %squeeze3A_586 : f32 to vector<16xf32>
        %mul3A_617 = arith.mulf %mul3A_616, %get3A_615 : vector<16xf32>
        %add3A_618 = arith.addf %add3A_584, %mul3A_617 : vector<16xf32>
        %slice3A_619 = vector.extract_strided_slice %get3A_262 {offsets = [10], sizes = [1], strides = [1]} : vector<16xf32> to vector<1xf32>
        %squeeze3A_620 = vector.extract %slice3A_619[0] : f32 from vector<1xf32>
        %get3A_621 = arith.constant 10 : i32
        %get3A_622 = arith.index_cast %get3A_621 : i32 to index
        %get3A_623 = arith.constant 0 : index
        %get3A_624 = tpu.vector_load %arg18[%get3A_622, %get3A_623] {strides = array<i32>} : memref<32x64xf32, #tpu.memory_space<vmem>>, vector<1x16xf32>,
        %get3A_625 = vector.shape_cast %get3A_624 : vector<1x16xf32> to vector<16xf32>
        %mul3A_626 = vector.broadcast %squeeze3A_620 : f32 to vector<16xf32>
        %mul3A_627 = arith.mulf %mul3A_626, %get3A_625 : vector<16xf32>
        %add3A_628 = arith.addf %add3A_594, %mul3A_627 : vector<16xf32>
        %get3A_629 = arith.constant 10 : i32
        %get3A_630 = arith.index_cast %get3A_629 : i32 to index
        %get3A_631 = arith.constant 16 : index
        %get3A_632 = tpu.vector_load %arg18[%get3A_630, %get3A_631] {strides = array<i32>} : memref<32x64xf32, #tpu.memory_space<vmem>>, vector<1x16xf32>,
        %get3A_633 = vector.shape_cast %get3A_632 : vector<1x16xf32> to vector<16xf32>
        %mul3A_634 = vector.broadcast %squeeze3A_620 : f32 to vector<16xf32>
        %mul3A_635 = arith.mulf %mul3A_634, %get3A_633 : vector<16xf32>
        %add3A_636 = arith.addf %add3A_602, %mul3A_635 : vector<16xf32>
        %get3A_637 = arith.constant 10 : i32
        %get3A_638 = arith.index_cast %get3A_637 : i32 to index
        %get3A_639 = arith.constant 32 : index
        %get3A_640 = tpu.vector_load %arg18[%get3A_638, %get3A_639] {strides = array<i32>} : memref<32x64xf32, #tpu.memory_space<vmem>>, vector<1x16xf32>,
        %get3A_641 = vector.shape_cast %get3A_640 : vector<1x16xf32> to vector<16xf32>
        %mul3A_642 = vector.broadcast %squeeze3A_620 : f32 to vector<16xf32>
        %mul3A_643 = arith.mulf %mul3A_642, %get3A_641 : vector<16xf32>
        %add3A_644 = arith.addf %add3A_610, %mul3A_643 : vector<16xf32>
        %get3A_645 = arith.constant 10 : i32
        %get3A_646 = arith.index_cast %get3A_645 : i32 to index
        %get3A_647 = arith.constant 48 : index
        %get3A_648 = tpu.vector_load %arg18[%get3A_646, %get3A_647] {strides = array<i32>} : memref<32x64xf32, #tpu.memory_space<vmem>>, vector<1x16xf32>,
        %get3A_649 = vector.shape_cast %get3A_648 : vector<1x16xf32> to vector<16xf32>
        %mul3A_650 = vector.broadcast %squeeze3A_620 : f32 to vector<16xf32>
        %mul3A_651 = arith.mulf %mul3A_650, %get3A_649 : vector<16xf32>
        %add3A_652 = arith.addf %add3A_618, %mul3A_651 : vector<16xf32>
        %slice3A_653 = vector.extract_strided_slice %get3A_262 {offsets = [11], sizes = [1], strides = [1]} : vector<16xf32> to vector<1xf32>
        %squeeze3A_654 = vector.extract %slice3A_653[0] : f32 from vector<1xf32>
        %get3A_655 = arith.constant 11 : i32
        %get3A_656 = arith.index_cast %get3A_655 : i32 to index
        %get3A_657 = arith.constant 0 : index
        %get3A_658 = tpu.vector_load %arg18[%get3A_656, %get3A_657] {strides = array<i32>} : memref<32x64xf32, #tpu.memory_space<vmem>>, vector<1x16xf32>,
        %get3A_659 = vector.shape_cast %get3A_658 : vector<1x16xf32> to vector<16xf32>
        %mul3A_660 = vector.broadcast %squeeze3A_654 : f32 to vector<16xf32>
        %mul3A_661 = arith.mulf %mul3A_660, %get3A_659 : vector<16xf32>
        %add3A_662 = arith.addf %add3A_628, %mul3A_661 : vector<16xf32>
        %get3A_663 = arith.constant 11 : i32
        %get3A_664 = arith.index_cast %get3A_663 : i32 to index
        %get3A_665 = arith.constant 16 : index
        %get3A_666 = tpu.vector_load %arg18[%get3A_664, %get3A_665] {strides = array<i32>} : memref<32x64xf32, #tpu.memory_space<vmem>>, vector<1x16xf32>,
        %get3A_667 = vector.shape_cast %get3A_666 : vector<1x16xf32> to vector<16xf32>
        %mul3A_668 = vector.broadcast %squeeze3A_654 : f32 to vector<16xf32>
        %mul3A_669 = arith.mulf %mul3A_668, %get3A_667 : vector<16xf32>
        %add3A_670 = arith.addf %add3A_636, %mul3A_669 : vector<16xf32>
        %get3A_671 = arith.constant 11 : i32
        %get3A_672 = arith.index_cast %get3A_671 : i32 to index
        %get3A_673 = arith.constant 32 : index
        %get3A_674 = tpu.vector_load %arg18[%get3A_672, %get3A_673] {strides = array<i32>} : memref<32x64xf32, #tpu.memory_space<vmem>>, vector<1x16xf32>,
        %get3A_675 = vector.shape_cast %get3A_674 : vector<1x16xf32> to vector<16xf32>
        %mul3A_676 = vector.broadcast %squeeze3A_654 : f32 to vector<16xf32>
        %mul3A_677 = arith.mulf %mul3A_676, %get3A_675 : vector<16xf32>
        %add3A_678 = arith.addf %add3A_644, %mul3A_677 : vector<16xf32>
        %get3A_679 = arith.constant 11 : i32
        %get3A_680 = arith.index_cast %get3A_679 : i32 to index
        %get3A_681 = arith.constant 48 : index
        %get3A_682 = tpu.vector_load %arg18[%get3A_680, %get3A_681] {strides = array<i32>} : memref<32x64xf32, #tpu.memory_space<vmem>>, vector<1x16xf32>,
        %get3A_683 = vector.shape_cast %get3A_682 : vector<1x16xf32> to vector<16xf32>
        %mul3A_684 = vector.broadcast %squeeze3A_654 : f32 to vector<16xf32>
        %mul3A_685 = arith.mulf %mul3A_684, %get3A_683 : vector<16xf32>
        %add3A_686 = arith.addf %add3A_652, %mul3A_685 : vector<16xf32>
        %slice3A_687 = vector.extract_strided_slice %get3A_262 {offsets = [12], sizes = [1], strides = [1]} : vector<16xf32> to vector<1xf32>
        %squeeze3A_688 = vector.extract %slice3A_687[0] : f32 from vector<1xf32>
        %get3A_689 = arith.constant 12 : i32
        %get3A_690 = arith.index_cast %get3A_689 : i32 to index
        %get3A_691 = arith.constant 0 : index
        %get3A_692 = tpu.vector_load %arg18[%get3A_690, %get3A_691] {strides = array<i32>} : memref<32x64xf32, #tpu.memory_space<vmem>>, vector<1x16xf32>,
        %get3A_693 = vector.shape_cast %get3A_692 : vector<1x16xf32> to vector<16xf32>
        %mul3A_694 = vector.broadcast %squeeze3A_688 : f32 to vector<16xf32>
        %mul3A_695 = arith.mulf %mul3A_694, %get3A_693 : vector<16xf32>
        %add3A_696 = arith.addf %add3A_662, %mul3A_695 : vector<16xf32>
        %get3A_697 = arith.constant 12 : i32
        %get3A_698 = arith.index_cast %get3A_697 : i32 to index
        %get3A_699 = arith.constant 16 : index
        %get3A_700 = tpu.vector_load %arg18[%get3A_698, %get3A_699] {strides = array<i32>} : memref<32x64xf32, #tpu.memory_space<vmem>>, vector<1x16xf32>,
        %get3A_701 = vector.shape_cast %get3A_700 : vector<1x16xf32> to vector<16xf32>
        %mul3A_702 = vector.broadcast %squeeze3A_688 : f32 to vector<16xf32>
        %mul3A_703 = arith.mulf %mul3A_702, %get3A_701 : vector<16xf32>
        %add3A_704 = arith.addf %add3A_670, %mul3A_703 : vector<16xf32>
        %get3A_705 = arith.constant 12 : i32
        %get3A_706 = arith.index_cast %get3A_705 : i32 to index
        %get3A_707 = arith.constant 32 : index
        %get3A_708 = tpu.vector_load %arg18[%get3A_706, %get3A_707] {strides = array<i32>} : memref<32x64xf32, #tpu.memory_space<vmem>>, vector<1x16xf32>,
        %get3A_709 = vector.shape_cast %get3A_708 : vector<1x16xf32> to vector<16xf32>
        %mul3A_710 = vector.broadcast %squeeze3A_688 : f32 to vector<16xf32>
        %mul3A_711 = arith.mulf %mul3A_710, %get3A_709 : vector<16xf32>
        %add3A_712 = arith.addf %add3A_678, %mul3A_711 : vector<16xf32>
        %get3A_713 = arith.constant 12 : i32
        %get3A_714 = arith.index_cast %get3A_713 : i32 to index
        %get3A_715 = arith.constant 48 : index
        %get3A_716 = tpu.vector_load %arg18[%get3A_714, %get3A_715] {strides = array<i32>} : memref<32x64xf32, #tpu.memory_space<vmem>>, vector<1x16xf32>,
        %get3A_717 = vector.shape_cast %get3A_716 : vector<1x16xf32> to vector<16xf32>
        %mul3A_718 = vector.broadcast %squeeze3A_688 : f32 to vector<16xf32>
        %mul3A_719 = arith.mulf %mul3A_718, %get3A_717 : vector<16xf32>
        %add3A_720 = arith.addf %add3A_686, %mul3A_719 : vector<16xf32>
        %slice3A_721 = vector.extract_strided_slice %get3A_262 {offsets = [13], sizes = [1], strides = [1]} : vector<16xf32> to vector<1xf32>
        %squeeze3A_722 = vector.extract %slice3A_721[0] : f32 from vector<1xf32>
        %get3A_723 = arith.constant 13 : i32
        %get3A_724 = arith.index_cast %get3A_723 : i32 to index
        %get3A_725 = arith.constant 0 : index
        %get3A_726 = tpu.vector_load %arg18[%get3A_724, %get3A_725] {strides = array<i32>} : memref<32x64xf32, #tpu.memory_space<vmem>>, vector<1x16xf32>,
        %get3A_727 = vector.shape_cast %get3A_726 : vector<1x16xf32> to vector<16xf32>
        %mul3A_728 = vector.broadcast %squeeze3A_722 : f32 to vector<16xf32>
        %mul3A_729 = arith.mulf %mul3A_728, %get3A_727 : vector<16xf32>
        %add3A_730 = arith.addf %add3A_696, %mul3A_729 : vector<16xf32>
        %get3A_731 = arith.constant 13 : i32
        %get3A_732 = arith.index_cast %get3A_731 : i32 to index
        %get3A_733 = arith.constant 16 : index
        %get3A_734 = tpu.vector_load %arg18[%get3A_732, %get3A_733] {strides = array<i32>} : memref<32x64xf32, #tpu.memory_space<vmem>>, vector<1x16xf32>,
        %get3A_735 = vector.shape_cast %get3A_734 : vector<1x16xf32> to vector<16xf32>
        %mul3A_736 = vector.broadcast %squeeze3A_722 : f32 to vector<16xf32>
        %mul3A_737 = arith.mulf %mul3A_736, %get3A_735 : vector<16xf32>
        %add3A_738 = arith.addf %add3A_704, %mul3A_737 : vector<16xf32>
        %get3A_739 = arith.constant 13 : i32
        %get3A_740 = arith.index_cast %get3A_739 : i32 to index
        %get3A_741 = arith.constant 32 : index
        %get3A_742 = tpu.vector_load %arg18[%get3A_740, %get3A_741] {strides = array<i32>} : memref<32x64xf32, #tpu.memory_space<vmem>>, vector<1x16xf32>,
        %get3A_743 = vector.shape_cast %get3A_742 : vector<1x16xf32> to vector<16xf32>
        %mul3A_744 = vector.broadcast %squeeze3A_722 : f32 to vector<16xf32>
        %mul3A_745 = arith.mulf %mul3A_744, %get3A_743 : vector<16xf32>
        %add3A_746 = arith.addf %add3A_712, %mul3A_745 : vector<16xf32>
        %get3A_747 = arith.constant 13 : i32
        %get3A_748 = arith.index_cast %get3A_747 : i32 to index
        %get3A_749 = arith.constant 48 : index
        %get3A_750 = tpu.vector_load %arg18[%get3A_748, %get3A_749] {strides = array<i32>} : memref<32x64xf32, #tpu.memory_space<vmem>>, vector<1x16xf32>,
        %get3A_751 = vector.shape_cast %get3A_750 : vector<1x16xf32> to vector<16xf32>
        %mul3A_752 = vector.broadcast %squeeze3A_722 : f32 to vector<16xf32>
        %mul3A_753 = arith.mulf %mul3A_752, %get3A_751 : vector<16xf32>
        %add3A_754 = arith.addf %add3A_720, %mul3A_753 : vector<16xf32>
        %slice3A_755 = vector.extract_strided_slice %get3A_262 {offsets = [14], sizes = [1], strides = [1]} : vector<16xf32> to vector<1xf32>
        %squeeze3A_756 = vector.extract %slice3A_755[0] : f32 from vector<1xf32>
        %get3A_757 = arith.constant 14 : i32
        %get3A_758 = arith.index_cast %get3A_757 : i32 to index
        %get3A_759 = arith.constant 0 : index
        %get3A_760 = tpu.vector_load %arg18[%get3A_758, %get3A_759] {strides = array<i32>} : memref<32x64xf32, #tpu.memory_space<vmem>>, vector<1x16xf32>,
        %get3A_761 = vector.shape_cast %get3A_760 : vector<1x16xf32> to vector<16xf32>
        %mul3A_762 = vector.broadcast %squeeze3A_756 : f32 to vector<16xf32>
        %mul3A_763 = arith.mulf %mul3A_762, %get3A_761 : vector<16xf32>
        %add3A_764 = arith.addf %add3A_730, %mul3A_763 : vector<16xf32>
        %get3A_765 = arith.constant 14 : i32
        %get3A_766 = arith.index_cast %get3A_765 : i32 to index
        %get3A_767 = arith.constant 16 : index
        %get3A_768 = tpu.vector_load %arg18[%get3A_766, %get3A_767] {strides = array<i32>} : memref<32x64xf32, #tpu.memory_space<vmem>>, vector<1x16xf32>,
        %get3A_769 = vector.shape_cast %get3A_768 : vector<1x16xf32> to vector<16xf32>
        %mul3A_770 = vector.broadcast %squeeze3A_756 : f32 to vector<16xf32>
        %mul3A_771 = arith.mulf %mul3A_770, %get3A_769 : vector<16xf32>
        %add3A_772 = arith.addf %add3A_738, %mul3A_771 : vector<16xf32>
        %get3A_773 = arith.constant 14 : i32
        %get3A_774 = arith.index_cast %get3A_773 : i32 to index
        %get3A_775 = arith.constant 32 : index
        %get3A_776 = tpu.vector_load %arg18[%get3A_774, %get3A_775] {strides = array<i32>} : memref<32x64xf32, #tpu.memory_space<vmem>>, vector<1x16xf32>,
        %get3A_777 = vector.shape_cast %get3A_776 : vector<1x16xf32> to vector<16xf32>
        %mul3A_778 = vector.broadcast %squeeze3A_756 : f32 to vector<16xf32>
        %mul3A_779 = arith.mulf %mul3A_778, %get3A_777 : vector<16xf32>
        %add3A_780 = arith.addf %add3A_746, %mul3A_779 : vector<16xf32>
        %get3A_781 = arith.constant 14 : i32
        %get3A_782 = arith.index_cast %get3A_781 : i32 to index
        %get3A_783 = arith.constant 48 : index
        %get3A_784 = tpu.vector_load %arg18[%get3A_782, %get3A_783] {strides = array<i32>} : memref<32x64xf32, #tpu.memory_space<vmem>>, vector<1x16xf32>,
        %get3A_785 = vector.shape_cast %get3A_784 : vector<1x16xf32> to vector<16xf32>
        %mul3A_786 = vector.broadcast %squeeze3A_756 : f32 to vector<16xf32>
        %mul3A_787 = arith.mulf %mul3A_786, %get3A_785 : vector<16xf32>
        %add3A_788 = arith.addf %add3A_754, %mul3A_787 : vector<16xf32>
        %slice3A_789 = vector.extract_strided_slice %get3A_262 {offsets = [15], sizes = [1], strides = [1]} : vector<16xf32> to vector<1xf32>
        %squeeze3A_790 = vector.extract %slice3A_789[0] : f32 from vector<1xf32>
        %get3A_791 = arith.constant 15 : i32
        %get3A_792 = arith.index_cast %get3A_791 : i32 to index
        %get3A_793 = arith.constant 0 : index
        %get3A_794 = tpu.vector_load %arg18[%get3A_792, %get3A_793] {strides = array<i32>} : memref<32x64xf32, #tpu.memory_space<vmem>>, vector<1x16xf32>,
        %get3A_795 = vector.shape_cast %get3A_794 : vector<1x16xf32> to vector<16xf32>
        %mul3A_796 = vector.broadcast %squeeze3A_790 : f32 to vector<16xf32>
        %mul3A_797 = arith.mulf %mul3A_796, %get3A_795 : vector<16xf32>
        %add3A_798 = arith.addf %add3A_764, %mul3A_797 : vector<16xf32>
        %get3A_799 = arith.constant 15 : i32
        %get3A_800 = arith.index_cast %get3A_799 : i32 to index
        %get3A_801 = arith.constant 16 : index
        %get3A_802 = tpu.vector_load %arg18[%get3A_800, %get3A_801] {strides = array<i32>} : memref<32x64xf32, #tpu.memory_space<vmem>>, vector<1x16xf32>,
        %get3A_803 = vector.shape_cast %get3A_802 : vector<1x16xf32> to vector<16xf32>
        %mul3A_804 = vector.broadcast %squeeze3A_790 : f32 to vector<16xf32>
        %mul3A_805 = arith.mulf %mul3A_804, %get3A_803 : vector<16xf32>
        %add3A_806 = arith.addf %add3A_772, %mul3A_805 : vector<16xf32>
        %get3A_807 = arith.constant 15 : i32
        %get3A_808 = arith.index_cast %get3A_807 : i32 to index
        %get3A_809 = arith.constant 32 : index
        %get3A_810 = tpu.vector_load %arg18[%get3A_808, %get3A_809] {strides = array<i32>} : memref<32x64xf32, #tpu.memory_space<vmem>>, vector<1x16xf32>,
        %get3A_811 = vector.shape_cast %get3A_810 : vector<1x16xf32> to vector<16xf32>
        %mul3A_812 = vector.broadcast %squeeze3A_790 : f32 to vector<16xf32>
        %mul3A_813 = arith.mulf %mul3A_812, %get3A_811 : vector<16xf32>
        %add3A_814 = arith.addf %add3A_780, %mul3A_813 : vector<16xf32>
        %get3A_815 = arith.constant 15 : i32
        %get3A_816 = arith.index_cast %get3A_815 : i32 to index
        %get3A_817 = arith.constant 48 : index
        %get3A_818 = tpu.vector_load %arg18[%get3A_816, %get3A_817] {strides = array<i32>} : memref<32x64xf32, #tpu.memory_space<vmem>>, vector<1x16xf32>,
        %get3A_819 = vector.shape_cast %get3A_818 : vector<1x16xf32> to vector<16xf32>
        %mul3A_820 = vector.broadcast %squeeze3A_790 : f32 to vector<16xf32>
        %mul3A_821 = arith.mulf %mul3A_820, %get3A_819 : vector<16xf32>
        %add3A_822 = arith.addf %add3A_788, %mul3A_821 : vector<16xf32>
        %slice3A_823 = vector.extract_strided_slice %get3A_266 {offsets = [0], sizes = [1], strides = [1]} : vector<16xf32> to vector<1xf32>
        %squeeze3A_824 = vector.extract %slice3A_823[0] : f32 from vector<1xf32>
        %get3A_825 = arith.constant 16 : i32
        %get3A_826 = arith.index_cast %get3A_825 : i32 to index
        %get3A_827 = arith.constant 0 : index
        %get3A_828 = tpu.vector_load %arg18[%get3A_826, %get3A_827] {strides = array<i32>} : memref<32x64xf32, #tpu.memory_space<vmem>>, vector<1x16xf32>,
        %get3A_829 = vector.shape_cast %get3A_828 : vector<1x16xf32> to vector<16xf32>
        %mul3A_830 = vector.broadcast %squeeze3A_824 : f32 to vector<16xf32>
        %mul3A_831 = arith.mulf %mul3A_830, %get3A_829 : vector<16xf32>
        %add3A_832 = arith.addf %add3A_798, %mul3A_831 : vector<16xf32>
        %get3A_833 = arith.constant 16 : i32
        %get3A_834 = arith.index_cast %get3A_833 : i32 to index
        %get3A_835 = arith.constant 16 : index
        %get3A_836 = tpu.vector_load %arg18[%get3A_834, %get3A_835] {strides = array<i32>} : memref<32x64xf32, #tpu.memory_space<vmem>>, vector<1x16xf32>,
        %get3A_837 = vector.shape_cast %get3A_836 : vector<1x16xf32> to vector<16xf32>
        %mul3A_838 = vector.broadcast %squeeze3A_824 : f32 to vector<16xf32>
        %mul3A_839 = arith.mulf %mul3A_838, %get3A_837 : vector<16xf32>
        %add3A_840 = arith.addf %add3A_806, %mul3A_839 : vector<16xf32>
        %get3A_841 = arith.constant 16 : i32
        %get3A_842 = arith.index_cast %get3A_841 : i32 to index
        %get3A_843 = arith.constant 32 : index
        %get3A_844 = tpu.vector_load %arg18[%get3A_842, %get3A_843] {strides = array<i32>} : memref<32x64xf32, #tpu.memory_space<vmem>>, vector<1x16xf32>,
        %get3A_845 = vector.shape_cast %get3A_844 : vector<1x16xf32> to vector<16xf32>
        %mul3A_846 = vector.broadcast %squeeze3A_824 : f32 to vector<16xf32>
        %mul3A_847 = arith.mulf %mul3A_846, %get3A_845 : vector<16xf32>
        %add3A_848 = arith.addf %add3A_814, %mul3A_847 : vector<16xf32>
        %get3A_849 = arith.constant 16 : i32
        %get3A_850 = arith.index_cast %get3A_849 : i32 to index
        %get3A_851 = arith.constant 48 : index
        %get3A_852 = tpu.vector_load %arg18[%get3A_850, %get3A_851] {strides = array<i32>} : memref<32x64xf32, #tpu.memory_space<vmem>>, vector<1x16xf32>,
        %get3A_853 = vector.shape_cast %get3A_852 : vector<1x16xf32> to vector<16xf32>
        %mul3A_854 = vector.broadcast %squeeze3A_824 : f32 to vector<16xf32>
        %mul3A_855 = arith.mulf %mul3A_854, %get3A_853 : vector<16xf32>
        %add3A_856 = arith.addf %add3A_822, %mul3A_855 : vector<16xf32>
        %slice3A_857 = vector.extract_strided_slice %get3A_266 {offsets = [1], sizes = [1], strides = [1]} : vector<16xf32> to vector<1xf32>
        %squeeze3A_858 = vector.extract %slice3A_857[0] : f32 from vector<1xf32>
        %get3A_859 = arith.constant 17 : i32
        %get3A_860 = arith.index_cast %get3A_859 : i32 to index
        %get3A_861 = arith.constant 0 : index
        %get3A_862 = tpu.vector_load %arg18[%get3A_860, %get3A_861] {strides = array<i32>} : memref<32x64xf32, #tpu.memory_space<vmem>>, vector<1x16xf32>,
        %get3A_863 = vector.shape_cast %get3A_862 : vector<1x16xf32> to vector<16xf32>
        %mul3A_864 = vector.broadcast %squeeze3A_858 : f32 to vector<16xf32>
        %mul3A_865 = arith.mulf %mul3A_864, %get3A_863 : vector<16xf32>
        %add3A_866 = arith.addf %add3A_832, %mul3A_865 : vector<16xf32>
        %get3A_867 = arith.constant 17 : i32
        %get3A_868 = arith.index_cast %get3A_867 : i32 to index
        %get3A_869 = arith.constant 16 : index
        %get3A_870 = tpu.vector_load %arg18[%get3A_868, %get3A_869] {strides = array<i32>} : memref<32x64xf32, #tpu.memory_space<vmem>>, vector<1x16xf32>,
        %get3A_871 = vector.shape_cast %get3A_870 : vector<1x16xf32> to vector<16xf32>
        %mul3A_872 = vector.broadcast %squeeze3A_858 : f32 to vector<16xf32>
        %mul3A_873 = arith.mulf %mul3A_872, %get3A_871 : vector<16xf32>
        %add3A_874 = arith.addf %add3A_840, %mul3A_873 : vector<16xf32>
        %get3A_875 = arith.constant 17 : i32
        %get3A_876 = arith.index_cast %get3A_875 : i32 to index
        %get3A_877 = arith.constant 32 : index
        %get3A_878 = tpu.vector_load %arg18[%get3A_876, %get3A_877] {strides = array<i32>} : memref<32x64xf32, #tpu.memory_space<vmem>>, vector<1x16xf32>,
        %get3A_879 = vector.shape_cast %get3A_878 : vector<1x16xf32> to vector<16xf32>
        %mul3A_880 = vector.broadcast %squeeze3A_858 : f32 to vector<16xf32>
        %mul3A_881 = arith.mulf %mul3A_880, %get3A_879 : vector<16xf32>
        %add3A_882 = arith.addf %add3A_848, %mul3A_881 : vector<16xf32>
        %get3A_883 = arith.constant 17 : i32
        %get3A_884 = arith.index_cast %get3A_883 : i32 to index
        %get3A_885 = arith.constant 48 : index
        %get3A_886 = tpu.vector_load %arg18[%get3A_884, %get3A_885] {strides = array<i32>} : memref<32x64xf32, #tpu.memory_space<vmem>>, vector<1x16xf32>,
        %get3A_887 = vector.shape_cast %get3A_886 : vector<1x16xf32> to vector<16xf32>
        %mul3A_888 = vector.broadcast %squeeze3A_858 : f32 to vector<16xf32>
        %mul3A_889 = arith.mulf %mul3A_888, %get3A_887 : vector<16xf32>
        %add3A_890 = arith.addf %add3A_856, %mul3A_889 : vector<16xf32>
        %slice3A_891 = vector.extract_strided_slice %get3A_266 {offsets = [2], sizes = [1], strides = [1]} : vector<16xf32> to vector<1xf32>
        %squeeze3A_892 = vector.extract %slice3A_891[0] : f32 from vector<1xf32>
        %get3A_893 = arith.constant 18 : i32
        %get3A_894 = arith.index_cast %get3A_893 : i32 to index
        %get3A_895 = arith.constant 0 : index
        %get3A_896 = tpu.vector_load %arg18[%get3A_894, %get3A_895] {strides = array<i32>} : memref<32x64xf32, #tpu.memory_space<vmem>>, vector<1x16xf32>,
        %get3A_897 = vector.shape_cast %get3A_896 : vector<1x16xf32> to vector<16xf32>
        %mul3A_898 = vector.broadcast %squeeze3A_892 : f32 to vector<16xf32>
        %mul3A_899 = arith.mulf %mul3A_898, %get3A_897 : vector<16xf32>
        %add3A_900 = arith.addf %add3A_866, %mul3A_899 : vector<16xf32>
        %get3A_901 = arith.constant 18 : i32
        %get3A_902 = arith.index_cast %get3A_901 : i32 to index
        %get3A_903 = arith.constant 16 : index
        %get3A_904 = tpu.vector_load %arg18[%get3A_902, %get3A_903] {strides = array<i32>} : memref<32x64xf32, #tpu.memory_space<vmem>>, vector<1x16xf32>,
        %get3A_905 = vector.shape_cast %get3A_904 : vector<1x16xf32> to vector<16xf32>
        %mul3A_906 = vector.broadcast %squeeze3A_892 : f32 to vector<16xf32>
        %mul3A_907 = arith.mulf %mul3A_906, %get3A_905 : vector<16xf32>
        %add3A_908 = arith.addf %add3A_874, %mul3A_907 : vector<16xf32>
        %get3A_909 = arith.constant 18 : i32
        %get3A_910 = arith.index_cast %get3A_909 : i32 to index
        %get3A_911 = arith.constant 32 : index
        %get3A_912 = tpu.vector_load %arg18[%get3A_910, %get3A_911] {strides = array<i32>} : memref<32x64xf32, #tpu.memory_space<vmem>>, vector<1x16xf32>,
        %get3A_913 = vector.shape_cast %get3A_912 : vector<1x16xf32> to vector<16xf32>
        %mul3A_914 = vector.broadcast %squeeze3A_892 : f32 to vector<16xf32>
        %mul3A_915 = arith.mulf %mul3A_914, %get3A_913 : vector<16xf32>
        %add3A_916 = arith.addf %add3A_882, %mul3A_915 : vector<16xf32>
        %get3A_917 = arith.constant 18 : i32
        %get3A_918 = arith.index_cast %get3A_917 : i32 to index
        %get3A_919 = arith.constant 48 : index
        %get3A_920 = tpu.vector_load %arg18[%get3A_918, %get3A_919] {strides = array<i32>} : memref<32x64xf32, #tpu.memory_space<vmem>>, vector<1x16xf32>,
        %get3A_921 = vector.shape_cast %get3A_920 : vector<1x16xf32> to vector<16xf32>
        %mul3A_922 = vector.broadcast %squeeze3A_892 : f32 to vector<16xf32>
        %mul3A_923 = arith.mulf %mul3A_922, %get3A_921 : vector<16xf32>
        %add3A_924 = arith.addf %add3A_890, %mul3A_923 : vector<16xf32>
        %slice3A_925 = vector.extract_strided_slice %get3A_266 {offsets = [3], sizes = [1], strides = [1]} : vector<16xf32> to vector<1xf32>
        %squeeze3A_926 = vector.extract %slice3A_925[0] : f32 from vector<1xf32>
        %get3A_927 = arith.constant 19 : i32
        %get3A_928 = arith.index_cast %get3A_927 : i32 to index
        %get3A_929 = arith.constant 0 : index
        %get3A_930 = tpu.vector_load %arg18[%get3A_928, %get3A_929] {strides = array<i32>} : memref<32x64xf32, #tpu.memory_space<vmem>>, vector<1x16xf32>,
        %get3A_931 = vector.shape_cast %get3A_930 : vector<1x16xf32> to vector<16xf32>
        %mul3A_932 = vector.broadcast %squeeze3A_926 : f32 to vector<16xf32>
        %mul3A_933 = arith.mulf %mul3A_932, %get3A_931 : vector<16xf32>
        %add3A_934 = arith.addf %add3A_900, %mul3A_933 : vector<16xf32>
        %get3A_935 = arith.constant 19 : i32
        %get3A_936 = arith.index_cast %get3A_935 : i32 to index
        %get3A_937 = arith.constant 16 : index
        %get3A_938 = tpu.vector_load %arg18[%get3A_936, %get3A_937] {strides = array<i32>} : memref<32x64xf32, #tpu.memory_space<vmem>>, vector<1x16xf32>,
        %get3A_939 = vector.shape_cast %get3A_938 : vector<1x16xf32> to vector<16xf32>
        %mul3A_940 = vector.broadcast %squeeze3A_926 : f32 to vector<16xf32>
        %mul3A_941 = arith.mulf %mul3A_940, %get3A_939 : vector<16xf32>
        %add3A_942 = arith.addf %add3A_908, %mul3A_941 : vector<16xf32>
        %get3A_943 = arith.constant 19 : i32
        %get3A_944 = arith.index_cast %get3A_943 : i32 to index
        %get3A_945 = arith.constant 32 : index
        %get3A_946 = tpu.vector_load %arg18[%get3A_944, %get3A_945] {strides = array<i32>} : memref<32x64xf32, #tpu.memory_space<vmem>>, vector<1x16xf32>,
        %get3A_947 = vector.shape_cast %get3A_946 : vector<1x16xf32> to vector<16xf32>
        %mul3A_948 = vector.broadcast %squeeze3A_926 : f32 to vector<16xf32>
        %mul3A_949 = arith.mulf %mul3A_948, %get3A_947 : vector<16xf32>
        %add3A_950 = arith.addf %add3A_916, %mul3A_949 : vector<16xf32>
        %get3A_951 = arith.constant 19 : i32
        %get3A_952 = arith.index_cast %get3A_951 : i32 to index
        %get3A_953 = arith.constant 48 : index
        %get3A_954 = tpu.vector_load %arg18[%get3A_952, %get3A_953] {strides = array<i32>} : memref<32x64xf32, #tpu.memory_space<vmem>>, vector<1x16xf32>,
        %get3A_955 = vector.shape_cast %get3A_954 : vector<1x16xf32> to vector<16xf32>
        %mul3A_956 = vector.broadcast %squeeze3A_926 : f32 to vector<16xf32>
        %mul3A_957 = arith.mulf %mul3A_956, %get3A_955 : vector<16xf32>
        %add3A_958 = arith.addf %add3A_924, %mul3A_957 : vector<16xf32>
        %slice3A_959 = vector.extract_strided_slice %get3A_266 {offsets = [4], sizes = [1], strides = [1]} : vector<16xf32> to vector<1xf32>
        %squeeze3A_960 = vector.extract %slice3A_959[0] : f32 from vector<1xf32>
        %get3A_961 = arith.constant 20 : i32
        %get3A_962 = arith.index_cast %get3A_961 : i32 to index
        %get3A_963 = arith.constant 0 : index
        %get3A_964 = tpu.vector_load %arg18[%get3A_962, %get3A_963] {strides = array<i32>} : memref<32x64xf32, #tpu.memory_space<vmem>>, vector<1x16xf32>,
        %get3A_965 = vector.shape_cast %get3A_964 : vector<1x16xf32> to vector<16xf32>
        %mul3A_966 = vector.broadcast %squeeze3A_960 : f32 to vector<16xf32>
        %mul3A_967 = arith.mulf %mul3A_966, %get3A_965 : vector<16xf32>
        %add3A_968 = arith.addf %add3A_934, %mul3A_967 : vector<16xf32>
        %get3A_969 = arith.constant 20 : i32
        %get3A_970 = arith.index_cast %get3A_969 : i32 to index
        %get3A_971 = arith.constant 16 : index
        %get3A_972 = tpu.vector_load %arg18[%get3A_970, %get3A_971] {strides = array<i32>} : memref<32x64xf32, #tpu.memory_space<vmem>>, vector<1x16xf32>,
        %get3A_973 = vector.shape_cast %get3A_972 : vector<1x16xf32> to vector<16xf32>
        %mul3A_974 = vector.broadcast %squeeze3A_960 : f32 to vector<16xf32>
        %mul3A_975 = arith.mulf %mul3A_974, %get3A_973 : vector<16xf32>
        %add3A_976 = arith.addf %add3A_942, %mul3A_975 : vector<16xf32>
        %get3A_977 = arith.constant 20 : i32
        %get3A_978 = arith.index_cast %get3A_977 : i32 to index
        %get3A_979 = arith.constant 32 : index
        %get3A_980 = tpu.vector_load %arg18[%get3A_978, %get3A_979] {strides = array<i32>} : memref<32x64xf32, #tpu.memory_space<vmem>>, vector<1x16xf32>,
        %get3A_981 = vector.shape_cast %get3A_980 : vector<1x16xf32> to vector<16xf32>
        %mul3A_982 = vector.broadcast %squeeze3A_960 : f32 to vector<16xf32>
        %mul3A_983 = arith.mulf %mul3A_982, %get3A_981 : vector<16xf32>
        %add3A_984 = arith.addf %add3A_950, %mul3A_983 : vector<16xf32>
        %get3A_985 = arith.constant 20 : i32
        %get3A_986 = arith.index_cast %get3A_985 : i32 to index
        %get3A_987 = arith.constant 48 : index
        %get3A_988 = tpu.vector_load %arg18[%get3A_986, %get3A_987] {strides = array<i32>} : memref<32x64xf32, #tpu.memory_space<vmem>>, vector<1x16xf32>,
        %get3A_989 = vector.shape_cast %get3A_988 : vector<1x16xf32> to vector<16xf32>
        %mul3A_990 = vector.broadcast %squeeze3A_960 : f32 to vector<16xf32>
        %mul3A_991 = arith.mulf %mul3A_990, %get3A_989 : vector<16xf32>
        %add3A_992 = arith.addf %add3A_958, %mul3A_991 : vector<16xf32>
        %slice3A_993 = vector.extract_strided_slice %get3A_266 {offsets = [5], sizes = [1], strides = [1]} : vector<16xf32> to vector<1xf32>
        %squeeze3A_994 = vector.extract %slice3A_993[0] : f32 from vector<1xf32>
        %get3A_995 = arith.constant 21 : i32
        %get3A_996 = arith.index_cast %get3A_995 : i32 to index
        %get3A_997 = arith.constant 0 : index
        %get3A_998 = tpu.vector_load %arg18[%get3A_996, %get3A_997] {strides = array<i32>} : memref<32x64xf32, #tpu.memory_space<vmem>>, vector<1x16xf32>,
        %get3A_999 = vector.shape_cast %get3A_998 : vector<1x16xf32> to vector<16xf32>
        %mul3A_1000 = vector.broadcast %squeeze3A_994 : f32 to vector<16xf32>
        %mul3A_1001 = arith.mulf %mul3A_1000, %get3A_999 : vector<16xf32>
        %add3A_1002 = arith.addf %add3A_968, %mul3A_1001 : vector<16xf32>
        %get3A_1003 = arith.constant 21 : i32
        %get3A_1004 = arith.index_cast %get3A_1003 : i32 to index
        %get3A_1005 = arith.constant 16 : index
        %get3A_1006 = tpu.vector_load %arg18[%get3A_1004, %get3A_1005] {strides = array<i32>} : memref<32x64xf32, #tpu.memory_space<vmem>>, vector<1x16xf32>,
        %get3A_1007 = vector.shape_cast %get3A_1006 : vector<1x16xf32> to vector<16xf32>
        %mul3A_1008 = vector.broadcast %squeeze3A_994 : f32 to vector<16xf32>
        %mul3A_1009 = arith.mulf %mul3A_1008, %get3A_1007 : vector<16xf32>
        %add3A_1010 = arith.addf %add3A_976, %mul3A_1009 : vector<16xf32>
        %get3A_1011 = arith.constant 21 : i32
        %get3A_1012 = arith.index_cast %get3A_1011 : i32 to index
        %get3A_1013 = arith.constant 32 : index
        %get3A_1014 = tpu.vector_load %arg18[%get3A_1012, %get3A_1013] {strides = array<i32>} : memref<32x64xf32, #tpu.memory_space<vmem>>, vector<1x16xf32>,
        %get3A_1015 = vector.shape_cast %get3A_1014 : vector<1x16xf32> to vector<16xf32>
        %mul3A_1016 = vector.broadcast %squeeze3A_994 : f32 to vector<16xf32>
        %mul3A_1017 = arith.mulf %mul3A_1016, %get3A_1015 : vector<16xf32>
        %add3A_1018 = arith.addf %add3A_984, %mul3A_1017 : vector<16xf32>
        %get3A_1019 = arith.constant 21 : i32
        %get3A_1020 = arith.index_cast %get3A_1019 : i32 to index
        %get3A_1021 = arith.constant 48 : index
        %get3A_1022 = tpu.vector_load %arg18[%get3A_1020, %get3A_1021] {strides = array<i32>} : memref<32x64xf32, #tpu.memory_space<vmem>>, vector<1x16xf32>,
        %get3A_1023 = vector.shape_cast %get3A_1022 : vector<1x16xf32> to vector<16xf32>
        %mul3A_1024 = vector.broadcast %squeeze3A_994 : f32 to vector<16xf32>
        %mul3A_1025 = arith.mulf %mul3A_1024, %get3A_1023 : vector<16xf32>
        %add3A_1026 = arith.addf %add3A_992, %mul3A_1025 : vector<16xf32>
        %slice3A_1027 = vector.extract_strided_slice %get3A_266 {offsets = [6], sizes = [1], strides = [1]} : vector<16xf32> to vector<1xf32>
        %squeeze3A_1028 = vector.extract %slice3A_1027[0] : f32 from vector<1xf32>
        %get3A_1029 = arith.constant 22 : i32
        %get3A_1030 = arith.index_cast %get3A_1029 : i32 to index
        %get3A_1031 = arith.constant 0 : index
        %get3A_1032 = tpu.vector_load %arg18[%get3A_1030, %get3A_1031] {strides = array<i32>} : memref<32x64xf32, #tpu.memory_space<vmem>>, vector<1x16xf32>,
        %get3A_1033 = vector.shape_cast %get3A_1032 : vector<1x16xf32> to vector<16xf32>
        %mul3A_1034 = vector.broadcast %squeeze3A_1028 : f32 to vector<16xf32>
        %mul3A_1035 = arith.mulf %mul3A_1034, %get3A_1033 : vector<16xf32>
        %add3A_1036 = arith.addf %add3A_1002, %mul3A_1035 : vector<16xf32>
        %get3A_1037 = arith.constant 22 : i32
        %get3A_1038 = arith.index_cast %get3A_1037 : i32 to index
        %get3A_1039 = arith.constant 16 : index
        %get3A_1040 = tpu.vector_load %arg18[%get3A_1038, %get3A_1039] {strides = array<i32>} : memref<32x64xf32, #tpu.memory_space<vmem>>, vector<1x16xf32>,
        %get3A_1041 = vector.shape_cast %get3A_1040 : vector<1x16xf32> to vector<16xf32>
        %mul3A_1042 = vector.broadcast %squeeze3A_1028 : f32 to vector<16xf32>
        %mul3A_1043 = arith.mulf %mul3A_1042, %get3A_1041 : vector<16xf32>
        %add3A_1044 = arith.addf %add3A_1010, %mul3A_1043 : vector<16xf32>
        %get3A_1045 = arith.constant 22 : i32
        %get3A_1046 = arith.index_cast %get3A_1045 : i32 to index
        %get3A_1047 = arith.constant 32 : index
        %get3A_1048 = tpu.vector_load %arg18[%get3A_1046, %get3A_1047] {strides = array<i32>} : memref<32x64xf32, #tpu.memory_space<vmem>>, vector<1x16xf32>,
        %get3A_1049 = vector.shape_cast %get3A_1048 : vector<1x16xf32> to vector<16xf32>
        %mul3A_1050 = vector.broadcast %squeeze3A_1028 : f32 to vector<16xf32>
        %mul3A_1051 = arith.mulf %mul3A_1050, %get3A_1049 : vector<16xf32>
        %add3A_1052 = arith.addf %add3A_1018, %mul3A_1051 : vector<16xf32>
        %get3A_1053 = arith.constant 22 : i32
        %get3A_1054 = arith.index_cast %get3A_1053 : i32 to index
        %get3A_1055 = arith.constant 48 : index
        %get3A_1056 = tpu.vector_load %arg18[%get3A_1054, %get3A_1055] {strides = array<i32>} : memref<32x64xf32, #tpu.memory_space<vmem>>, vector<1x16xf32>,
        %get3A_1057 = vector.shape_cast %get3A_1056 : vector<1x16xf32> to vector<16xf32>
        %mul3A_1058 = vector.broadcast %squeeze3A_1028 : f32 to vector<16xf32>
        %mul3A_1059 = arith.mulf %mul3A_1058, %get3A_1057 : vector<16xf32>
        %add3A_1060 = arith.addf %add3A_1026, %mul3A_1059 : vector<16xf32>
        %slice3A_1061 = vector.extract_strided_slice %get3A_266 {offsets = [7], sizes = [1], strides = [1]} : vector<16xf32> to vector<1xf32>
        %squeeze3A_1062 = vector.extract %slice3A_1061[0] : f32 from vector<1xf32>
        %get3A_1063 = arith.constant 23 : i32
        %get3A_1064 = arith.index_cast %get3A_1063 : i32 to index
        %get3A_1065 = arith.constant 0 : index
        %get3A_1066 = tpu.vector_load %arg18[%get3A_1064, %get3A_1065] {strides = array<i32>} : memref<32x64xf32, #tpu.memory_space<vmem>>, vector<1x16xf32>,
        %get3A_1067 = vector.shape_cast %get3A_1066 : vector<1x16xf32> to vector<16xf32>
        %mul3A_1068 = vector.broadcast %squeeze3A_1062 : f32 to vector<16xf32>
        %mul3A_1069 = arith.mulf %mul3A_1068, %get3A_1067 : vector<16xf32>
        %add3A_1070 = arith.addf %add3A_1036, %mul3A_1069 : vector<16xf32>
        %get3A_1071 = arith.constant 23 : i32
        %get3A_1072 = arith.index_cast %get3A_1071 : i32 to index
        %get3A_1073 = arith.constant 16 : index
        %get3A_1074 = tpu.vector_load %arg18[%get3A_1072, %get3A_1073] {strides = array<i32>} : memref<32x64xf32, #tpu.memory_space<vmem>>, vector<1x16xf32>,
        %get3A_1075 = vector.shape_cast %get3A_1074 : vector<1x16xf32> to vector<16xf32>
        %mul3A_1076 = vector.broadcast %squeeze3A_1062 : f32 to vector<16xf32>
        %mul3A_1077 = arith.mulf %mul3A_1076, %get3A_1075 : vector<16xf32>
        %add3A_1078 = arith.addf %add3A_1044, %mul3A_1077 : vector<16xf32>
        %get3A_1079 = arith.constant 23 : i32
        %get3A_1080 = arith.index_cast %get3A_1079 : i32 to index
        %get3A_1081 = arith.constant 32 : index
        %get3A_1082 = tpu.vector_load %arg18[%get3A_1080, %get3A_1081] {strides = array<i32>} : memref<32x64xf32, #tpu.memory_space<vmem>>, vector<1x16xf32>,
        %get3A_1083 = vector.shape_cast %get3A_1082 : vector<1x16xf32> to vector<16xf32>
        %mul3A_1084 = vector.broadcast %squeeze3A_1062 : f32 to vector<16xf32>
        %mul3A_1085 = arith.mulf %mul3A_1084, %get3A_1083 : vector<16xf32>
        %add3A_1086 = arith.addf %add3A_1052, %mul3A_1085 : vector<16xf32>
        %get3A_1087 = arith.constant 23 : i32
        %get3A_1088 = arith.index_cast %get3A_1087 : i32 to index
        %get3A_1089 = arith.constant 48 : index
        %get3A_1090 = tpu.vector_load %arg18[%get3A_1088, %get3A_1089] {strides = array<i32>} : memref<32x64xf32, #tpu.memory_space<vmem>>, vector<1x16xf32>,
        %get3A_1091 = vector.shape_cast %get3A_1090 : vector<1x16xf32> to vector<16xf32>
        %mul3A_1092 = vector.broadcast %squeeze3A_1062 : f32 to vector<16xf32>
        %mul3A_1093 = arith.mulf %mul3A_1092, %get3A_1091 : vector<16xf32>
        %add3A_1094 = arith.addf %add3A_1060, %mul3A_1093 : vector<16xf32>
        %slice3A_1095 = vector.extract_strided_slice %get3A_266 {offsets = [8], sizes = [1], strides = [1]} : vector<16xf32> to vector<1xf32>
        %squeeze3A_1096 = vector.extract %slice3A_1095[0] : f32 from vector<1xf32>
        %get3A_1097 = arith.constant 24 : i32
        %get3A_1098 = arith.index_cast %get3A_1097 : i32 to index
        %get3A_1099 = arith.constant 0 : index
        %get3A_1100 = tpu.vector_load %arg18[%get3A_1098, %get3A_1099] {strides = array<i32>} : memref<32x64xf32, #tpu.memory_space<vmem>>, vector<1x16xf32>,
        %get3A_1101 = vector.shape_cast %get3A_1100 : vector<1x16xf32> to vector<16xf32>
        %mul3A_1102 = vector.broadcast %squeeze3A_1096 : f32 to vector<16xf32>
        %mul3A_1103 = arith.mulf %mul3A_1102, %get3A_1101 : vector<16xf32>
        %add3A_1104 = arith.addf %add3A_1070, %mul3A_1103 : vector<16xf32>
        %get3A_1105 = arith.constant 24 : i32
        %get3A_1106 = arith.index_cast %get3A_1105 : i32 to index
        %get3A_1107 = arith.constant 16 : index
        %get3A_1108 = tpu.vector_load %arg18[%get3A_1106, %get3A_1107] {strides = array<i32>} : memref<32x64xf32, #tpu.memory_space<vmem>>, vector<1x16xf32>,
        %get3A_1109 = vector.shape_cast %get3A_1108 : vector<1x16xf32> to vector<16xf32>
        %mul3A_1110 = vector.broadcast %squeeze3A_1096 : f32 to vector<16xf32>
        %mul3A_1111 = arith.mulf %mul3A_1110, %get3A_1109 : vector<16xf32>
        %add3A_1112 = arith.addf %add3A_1078, %mul3A_1111 : vector<16xf32>
        %get3A_1113 = arith.constant 24 : i32
        %get3A_1114 = arith.index_cast %get3A_1113 : i32 to index
        %get3A_1115 = arith.constant 32 : index
        %get3A_1116 = tpu.vector_load %arg18[%get3A_1114, %get3A_1115] {strides = array<i32>} : memref<32x64xf32, #tpu.memory_space<vmem>>, vector<1x16xf32>,
        %get3A_1117 = vector.shape_cast %get3A_1116 : vector<1x16xf32> to vector<16xf32>
        %mul3A_1118 = vector.broadcast %squeeze3A_1096 : f32 to vector<16xf32>
        %mul3A_1119 = arith.mulf %mul3A_1118, %get3A_1117 : vector<16xf32>
        %add3A_1120 = arith.addf %add3A_1086, %mul3A_1119 : vector<16xf32>
        %get3A_1121 = arith.constant 24 : i32
        %get3A_1122 = arith.index_cast %get3A_1121 : i32 to index
        %get3A_1123 = arith.constant 48 : index
        %get3A_1124 = tpu.vector_load %arg18[%get3A_1122, %get3A_1123] {strides = array<i32>} : memref<32x64xf32, #tpu.memory_space<vmem>>, vector<1x16xf32>,
        %get3A_1125 = vector.shape_cast %get3A_1124 : vector<1x16xf32> to vector<16xf32>
        %mul3A_1126 = vector.broadcast %squeeze3A_1096 : f32 to vector<16xf32>
        %mul3A_1127 = arith.mulf %mul3A_1126, %get3A_1125 : vector<16xf32>
        %add3A_1128 = arith.addf %add3A_1094, %mul3A_1127 : vector<16xf32>
        %slice3A_1129 = vector.extract_strided_slice %get3A_266 {offsets = [9], sizes = [1], strides = [1]} : vector<16xf32> to vector<1xf32>
        %squeeze3A_1130 = vector.extract %slice3A_1129[0] : f32 from vector<1xf32>
        %get3A_1131 = arith.constant 25 : i32
        %get3A_1132 = arith.index_cast %get3A_1131 : i32 to index
        %get3A_1133 = arith.constant 0 : index
        %get3A_1134 = tpu.vector_load %arg18[%get3A_1132, %get3A_1133] {strides = array<i32>} : memref<32x64xf32, #tpu.memory_space<vmem>>, vector<1x16xf32>,
        %get3A_1135 = vector.shape_cast %get3A_1134 : vector<1x16xf32> to vector<16xf32>
        %mul3A_1136 = vector.broadcast %squeeze3A_1130 : f32 to vector<16xf32>
        %mul3A_1137 = arith.mulf %mul3A_1136, %get3A_1135 : vector<16xf32>
        %add3A_1138 = arith.addf %add3A_1104, %mul3A_1137 : vector<16xf32>
        %get3A_1139 = arith.constant 25 : i32
        %get3A_1140 = arith.index_cast %get3A_1139 : i32 to index
        %get3A_1141 = arith.constant 16 : index
        %get3A_1142 = tpu.vector_load %arg18[%get3A_1140, %get3A_1141] {strides = array<i32>} : memref<32x64xf32, #tpu.memory_space<vmem>>, vector<1x16xf32>,
        %get3A_1143 = vector.shape_cast %get3A_1142 : vector<1x16xf32> to vector<16xf32>
        %mul3A_1144 = vector.broadcast %squeeze3A_1130 : f32 to vector<16xf32>
        %mul3A_1145 = arith.mulf %mul3A_1144, %get3A_1143 : vector<16xf32>
        %add3A_1146 = arith.addf %add3A_1112, %mul3A_1145 : vector<16xf32>
        %get3A_1147 = arith.constant 25 : i32
        %get3A_1148 = arith.index_cast %get3A_1147 : i32 to index
        %get3A_1149 = arith.constant 32 : index
        %get3A_1150 = tpu.vector_load %arg18[%get3A_1148, %get3A_1149] {strides = array<i32>} : memref<32x64xf32, #tpu.memory_space<vmem>>, vector<1x16xf32>,
        %get3A_1151 = vector.shape_cast %get3A_1150 : vector<1x16xf32> to vector<16xf32>
        %mul3A_1152 = vector.broadcast %squeeze3A_1130 : f32 to vector<16xf32>
        %mul3A_1153 = arith.mulf %mul3A_1152, %get3A_1151 : vector<16xf32>
        %add3A_1154 = arith.addf %add3A_1120, %mul3A_1153 : vector<16xf32>
        %get3A_1155 = arith.constant 25 : i32
        %get3A_1156 = arith.index_cast %get3A_1155 : i32 to index
        %get3A_1157 = arith.constant 48 : index
        %get3A_1158 = tpu.vector_load %arg18[%get3A_1156, %get3A_1157] {strides = array<i32>} : memref<32x64xf32, #tpu.memory_space<vmem>>, vector<1x16xf32>,
        %get3A_1159 = vector.shape_cast %get3A_1158 : vector<1x16xf32> to vector<16xf32>
        %mul3A_1160 = vector.broadcast %squeeze3A_1130 : f32 to vector<16xf32>
        %mul3A_1161 = arith.mulf %mul3A_1160, %get3A_1159 : vector<16xf32>
        %add3A_1162 = arith.addf %add3A_1128, %mul3A_1161 : vector<16xf32>
        %slice3A_1163 = vector.extract_strided_slice %get3A_266 {offsets = [10], sizes = [1], strides = [1]} : vector<16xf32> to vector<1xf32>
        %squeeze3A_1164 = vector.extract %slice3A_1163[0] : f32 from vector<1xf32>
        %get3A_1165 = arith.constant 26 : i32
        %get3A_1166 = arith.index_cast %get3A_1165 : i32 to index
        %get3A_1167 = arith.constant 0 : index
        %get3A_1168 = tpu.vector_load %arg18[%get3A_1166, %get3A_1167] {strides = array<i32>} : memref<32x64xf32, #tpu.memory_space<vmem>>, vector<1x16xf32>,
        %get3A_1169 = vector.shape_cast %get3A_1168 : vector<1x16xf32> to vector<16xf32>
        %mul3A_1170 = vector.broadcast %squeeze3A_1164 : f32 to vector<16xf32>
        %mul3A_1171 = arith.mulf %mul3A_1170, %get3A_1169 : vector<16xf32>
        %add3A_1172 = arith.addf %add3A_1138, %mul3A_1171 : vector<16xf32>
        %get3A_1173 = arith.constant 26 : i32
        %get3A_1174 = arith.index_cast %get3A_1173 : i32 to index
        %get3A_1175 = arith.constant 16 : index
        %get3A_1176 = tpu.vector_load %arg18[%get3A_1174, %get3A_1175] {strides = array<i32>} : memref<32x64xf32, #tpu.memory_space<vmem>>, vector<1x16xf32>,
        %get3A_1177 = vector.shape_cast %get3A_1176 : vector<1x16xf32> to vector<16xf32>
        %mul3A_1178 = vector.broadcast %squeeze3A_1164 : f32 to vector<16xf32>
        %mul3A_1179 = arith.mulf %mul3A_1178, %get3A_1177 : vector<16xf32>
        %add3A_1180 = arith.addf %add3A_1146, %mul3A_1179 : vector<16xf32>
        %get3A_1181 = arith.constant 26 : i32
        %get3A_1182 = arith.index_cast %get3A_1181 : i32 to index
        %get3A_1183 = arith.constant 32 : index
        %get3A_1184 = tpu.vector_load %arg18[%get3A_1182, %get3A_1183] {strides = array<i32>} : memref<32x64xf32, #tpu.memory_space<vmem>>, vector<1x16xf32>,
        %get3A_1185 = vector.shape_cast %get3A_1184 : vector<1x16xf32> to vector<16xf32>
        %mul3A_1186 = vector.broadcast %squeeze3A_1164 : f32 to vector<16xf32>
        %mul3A_1187 = arith.mulf %mul3A_1186, %get3A_1185 : vector<16xf32>
        %add3A_1188 = arith.addf %add3A_1154, %mul3A_1187 : vector<16xf32>
        %get3A_1189 = arith.constant 26 : i32
        %get3A_1190 = arith.index_cast %get3A_1189 : i32 to index
        %get3A_1191 = arith.constant 48 : index
        %get3A_1192 = tpu.vector_load %arg18[%get3A_1190, %get3A_1191] {strides = array<i32>} : memref<32x64xf32, #tpu.memory_space<vmem>>, vector<1x16xf32>,
        %get3A_1193 = vector.shape_cast %get3A_1192 : vector<1x16xf32> to vector<16xf32>
        %mul3A_1194 = vector.broadcast %squeeze3A_1164 : f32 to vector<16xf32>
        %mul3A_1195 = arith.mulf %mul3A_1194, %get3A_1193 : vector<16xf32>
        %add3A_1196 = arith.addf %add3A_1162, %mul3A_1195 : vector<16xf32>
        %slice3A_1197 = vector.extract_strided_slice %get3A_266 {offsets = [11], sizes = [1], strides = [1]} : vector<16xf32> to vector<1xf32>
        %squeeze3A_1198 = vector.extract %slice3A_1197[0] : f32 from vector<1xf32>
        %get3A_1199 = arith.constant 27 : i32
        %get3A_1200 = arith.index_cast %get3A_1199 : i32 to index
        %get3A_1201 = arith.constant 0 : index
        %get3A_1202 = tpu.vector_load %arg18[%get3A_1200, %get3A_1201] {strides = array<i32>} : memref<32x64xf32, #tpu.memory_space<vmem>>, vector<1x16xf32>,
        %get3A_1203 = vector.shape_cast %get3A_1202 : vector<1x16xf32> to vector<16xf32>
        %mul3A_1204 = vector.broadcast %squeeze3A_1198 : f32 to vector<16xf32>
        %mul3A_1205 = arith.mulf %mul3A_1204, %get3A_1203 : vector<16xf32>
        %add3A_1206 = arith.addf %add3A_1172, %mul3A_1205 : vector<16xf32>
        %get3A_1207 = arith.constant 27 : i32
        %get3A_1208 = arith.index_cast %get3A_1207 : i32 to index
        %get3A_1209 = arith.constant 16 : index
        %get3A_1210 = tpu.vector_load %arg18[%get3A_1208, %get3A_1209] {strides = array<i32>} : memref<32x64xf32, #tpu.memory_space<vmem>>, vector<1x16xf32>,
        %get3A_1211 = vector.shape_cast %get3A_1210 : vector<1x16xf32> to vector<16xf32>
        %mul3A_1212 = vector.broadcast %squeeze3A_1198 : f32 to vector<16xf32>
        %mul3A_1213 = arith.mulf %mul3A_1212, %get3A_1211 : vector<16xf32>
        %add3A_1214 = arith.addf %add3A_1180, %mul3A_1213 : vector<16xf32>
        %get3A_1215 = arith.constant 27 : i32
        %get3A_1216 = arith.index_cast %get3A_1215 : i32 to index
        %get3A_1217 = arith.constant 32 : index
        %get3A_1218 = tpu.vector_load %arg18[%get3A_1216, %get3A_1217] {strides = array<i32>} : memref<32x64xf32, #tpu.memory_space<vmem>>, vector<1x16xf32>,
        %get3A_1219 = vector.shape_cast %get3A_1218 : vector<1x16xf32> to vector<16xf32>
        %mul3A_1220 = vector.broadcast %squeeze3A_1198 : f32 to vector<16xf32>
        %mul3A_1221 = arith.mulf %mul3A_1220, %get3A_1219 : vector<16xf32>
        %add3A_1222 = arith.addf %add3A_1188, %mul3A_1221 : vector<16xf32>
        %get3A_1223 = arith.constant 27 : i32
        %get3A_1224 = arith.index_cast %get3A_1223 : i32 to index
        %get3A_1225 = arith.constant 48 : index
        %get3A_1226 = tpu.vector_load %arg18[%get3A_1224, %get3A_1225] {strides = array<i32>} : memref<32x64xf32, #tpu.memory_space<vmem>>, vector<1x16xf32>,
        %get3A_1227 = vector.shape_cast %get3A_1226 : vector<1x16xf32> to vector<16xf32>
        %mul3A_1228 = vector.broadcast %squeeze3A_1198 : f32 to vector<16xf32>
        %mul3A_1229 = arith.mulf %mul3A_1228, %get3A_1227 : vector<16xf32>
        %add3A_1230 = arith.addf %add3A_1196, %mul3A_1229 : vector<16xf32>
        %slice3A_1231 = vector.extract_strided_slice %get3A_266 {offsets = [12], sizes = [1], strides = [1]} : vector<16xf32> to vector<1xf32>
        %squeeze3A_1232 = vector.extract %slice3A_1231[0] : f32 from vector<1xf32>
        %get3A_1233 = arith.constant 28 : i32
        %get3A_1234 = arith.index_cast %get3A_1233 : i32 to index
        %get3A_1235 = arith.constant 0 : index
        %get3A_1236 = tpu.vector_load %arg18[%get3A_1234, %get3A_1235] {strides = array<i32>} : memref<32x64xf32, #tpu.memory_space<vmem>>, vector<1x16xf32>,
        %get3A_1237 = vector.shape_cast %get3A_1236 : vector<1x16xf32> to vector<16xf32>
        %mul3A_1238 = vector.broadcast %squeeze3A_1232 : f32 to vector<16xf32>
        %mul3A_1239 = arith.mulf %mul3A_1238, %get3A_1237 : vector<16xf32>
        %add3A_1240 = arith.addf %add3A_1206, %mul3A_1239 : vector<16xf32>
        %get3A_1241 = arith.constant 28 : i32
        %get3A_1242 = arith.index_cast %get3A_1241 : i32 to index
        %get3A_1243 = arith.constant 16 : index
        %get3A_1244 = tpu.vector_load %arg18[%get3A_1242, %get3A_1243] {strides = array<i32>} : memref<32x64xf32, #tpu.memory_space<vmem>>, vector<1x16xf32>,
        %get3A_1245 = vector.shape_cast %get3A_1244 : vector<1x16xf32> to vector<16xf32>
        %mul3A_1246 = vector.broadcast %squeeze3A_1232 : f32 to vector<16xf32>
        %mul3A_1247 = arith.mulf %mul3A_1246, %get3A_1245 : vector<16xf32>
        %add3A_1248 = arith.addf %add3A_1214, %mul3A_1247 : vector<16xf32>
        %get3A_1249 = arith.constant 28 : i32
        %get3A_1250 = arith.index_cast %get3A_1249 : i32 to index
        %get3A_1251 = arith.constant 32 : index
        %get3A_1252 = tpu.vector_load %arg18[%get3A_1250, %get3A_1251] {strides = array<i32>} : memref<32x64xf32, #tpu.memory_space<vmem>>, vector<1x16xf32>,
        %get3A_1253 = vector.shape_cast %get3A_1252 : vector<1x16xf32> to vector<16xf32>
        %mul3A_1254 = vector.broadcast %squeeze3A_1232 : f32 to vector<16xf32>
        %mul3A_1255 = arith.mulf %mul3A_1254, %get3A_1253 : vector<16xf32>
        %add3A_1256 = arith.addf %add3A_1222, %mul3A_1255 : vector<16xf32>
        %get3A_1257 = arith.constant 28 : i32
        %get3A_1258 = arith.index_cast %get3A_1257 : i32 to index
        %get3A_1259 = arith.constant 48 : index
        %get3A_1260 = tpu.vector_load %arg18[%get3A_1258, %get3A_1259] {strides = array<i32>} : memref<32x64xf32, #tpu.memory_space<vmem>>, vector<1x16xf32>,
        %get3A_1261 = vector.shape_cast %get3A_1260 : vector<1x16xf32> to vector<16xf32>
        %mul3A_1262 = vector.broadcast %squeeze3A_1232 : f32 to vector<16xf32>
        %mul3A_1263 = arith.mulf %mul3A_1262, %get3A_1261 : vector<16xf32>
        %add3A_1264 = arith.addf %add3A_1230, %mul3A_1263 : vector<16xf32>
        %slice3A_1265 = vector.extract_strided_slice %get3A_266 {offsets = [13], sizes = [1], strides = [1]} : vector<16xf32> to vector<1xf32>
        %squeeze3A_1266 = vector.extract %slice3A_1265[0] : f32 from vector<1xf32>
        %get3A_1267 = arith.constant 29 : i32
        %get3A_1268 = arith.index_cast %get3A_1267 : i32 to index
        %get3A_1269 = arith.constant 0 : index
        %get3A_1270 = tpu.vector_load %arg18[%get3A_1268, %get3A_1269] {strides = array<i32>} : memref<32x64xf32, #tpu.memory_space<vmem>>, vector<1x16xf32>,
        %get3A_1271 = vector.shape_cast %get3A_1270 : vector<1x16xf32> to vector<16xf32>
        %mul3A_1272 = vector.broadcast %squeeze3A_1266 : f32 to vector<16xf32>
        %mul3A_1273 = arith.mulf %mul3A_1272, %get3A_1271 : vector<16xf32>
        %add3A_1274 = arith.addf %add3A_1240, %mul3A_1273 : vector<16xf32>
        %get3A_1275 = arith.constant 29 : i32
        %get3A_1276 = arith.index_cast %get3A_1275 : i32 to index
        %get3A_1277 = arith.constant 16 : index
        %get3A_1278 = tpu.vector_load %arg18[%get3A_1276, %get3A_1277] {strides = array<i32>} : memref<32x64xf32, #tpu.memory_space<vmem>>, vector<1x16xf32>,
        %get3A_1279 = vector.shape_cast %get3A_1278 : vector<1x16xf32> to vector<16xf32>
        %mul3A_1280 = vector.broadcast %squeeze3A_1266 : f32 to vector<16xf32>
        %mul3A_1281 = arith.mulf %mul3A_1280, %get3A_1279 : vector<16xf32>
        %add3A_1282 = arith.addf %add3A_1248, %mul3A_1281 : vector<16xf32>
        %get3A_1283 = arith.constant 29 : i32
        %get3A_1284 = arith.index_cast %get3A_1283 : i32 to index
        %get3A_1285 = arith.constant 32 : index
        %get3A_1286 = tpu.vector_load %arg18[%get3A_1284, %get3A_1285] {strides = array<i32>} : memref<32x64xf32, #tpu.memory_space<vmem>>, vector<1x16xf32>,
        %get3A_1287 = vector.shape_cast %get3A_1286 : vector<1x16xf32> to vector<16xf32>
        %mul3A_1288 = vector.broadcast %squeeze3A_1266 : f32 to vector<16xf32>
        %mul3A_1289 = arith.mulf %mul3A_1288, %get3A_1287 : vector<16xf32>
        %add3A_1290 = arith.addf %add3A_1256, %mul3A_1289 : vector<16xf32>
        %get3A_1291 = arith.constant 29 : i32
        %get3A_1292 = arith.index_cast %get3A_1291 : i32 to index
        %get3A_1293 = arith.constant 48 : index
        %get3A_1294 = tpu.vector_load %arg18[%get3A_1292, %get3A_1293] {strides = array<i32>} : memref<32x64xf32, #tpu.memory_space<vmem>>, vector<1x16xf32>,
        %get3A_1295 = vector.shape_cast %get3A_1294 : vector<1x16xf32> to vector<16xf32>
        %mul3A_1296 = vector.broadcast %squeeze3A_1266 : f32 to vector<16xf32>
        %mul3A_1297 = arith.mulf %mul3A_1296, %get3A_1295 : vector<16xf32>
        %add3A_1298 = arith.addf %add3A_1264, %mul3A_1297 : vector<16xf32>
        %slice3A_1299 = vector.extract_strided_slice %get3A_266 {offsets = [14], sizes = [1], strides = [1]} : vector<16xf32> to vector<1xf32>
        %squeeze3A_1300 = vector.extract %slice3A_1299[0] : f32 from vector<1xf32>
        %get3A_1301 = arith.constant 30 : i32
        %get3A_1302 = arith.index_cast %get3A_1301 : i32 to index
        %get3A_1303 = arith.constant 0 : index
        %get3A_1304 = tpu.vector_load %arg18[%get3A_1302, %get3A_1303] {strides = array<i32>} : memref<32x64xf32, #tpu.memory_space<vmem>>, vector<1x16xf32>,
        %get3A_1305 = vector.shape_cast %get3A_1304 : vector<1x16xf32> to vector<16xf32>
        %mul3A_1306 = vector.broadcast %squeeze3A_1300 : f32 to vector<16xf32>
        %mul3A_1307 = arith.mulf %mul3A_1306, %get3A_1305 : vector<16xf32>
        %add3A_1308 = arith.addf %add3A_1274, %mul3A_1307 : vector<16xf32>
        %get3A_1309 = arith.constant 30 : i32
        %get3A_1310 = arith.index_cast %get3A_1309 : i32 to index
        %get3A_1311 = arith.constant 16 : index
        %get3A_1312 = tpu.vector_load %arg18[%get3A_1310, %get3A_1311] {strides = array<i32>} : memref<32x64xf32, #tpu.memory_space<vmem>>, vector<1x16xf32>,
        %get3A_1313 = vector.shape_cast %get3A_1312 : vector<1x16xf32> to vector<16xf32>
        %mul3A_1314 = vector.broadcast %squeeze3A_1300 : f32 to vector<16xf32>
        %mul3A_1315 = arith.mulf %mul3A_1314, %get3A_1313 : vector<16xf32>
        %add3A_1316 = arith.addf %add3A_1282, %mul3A_1315 : vector<16xf32>
        %get3A_1317 = arith.constant 30 : i32
        %get3A_1318 = arith.index_cast %get3A_1317 : i32 to index
        %get3A_1319 = arith.constant 32 : index
        %get3A_1320 = tpu.vector_load %arg18[%get3A_1318, %get3A_1319] {strides = array<i32>} : memref<32x64xf32, #tpu.memory_space<vmem>>, vector<1x16xf32>,
        %get3A_1321 = vector.shape_cast %get3A_1320 : vector<1x16xf32> to vector<16xf32>
        %mul3A_1322 = vector.broadcast %squeeze3A_1300 : f32 to vector<16xf32>
        %mul3A_1323 = arith.mulf %mul3A_1322, %get3A_1321 : vector<16xf32>
        %add3A_1324 = arith.addf %add3A_1290, %mul3A_1323 : vector<16xf32>
        %get3A_1325 = arith.constant 30 : i32
        %get3A_1326 = arith.index_cast %get3A_1325 : i32 to index
        %get3A_1327 = arith.constant 48 : index
        %get3A_1328 = tpu.vector_load %arg18[%get3A_1326, %get3A_1327] {strides = array<i32>} : memref<32x64xf32, #tpu.memory_space<vmem>>, vector<1x16xf32>,
        %get3A_1329 = vector.shape_cast %get3A_1328 : vector<1x16xf32> to vector<16xf32>
        %mul3A_1330 = vector.broadcast %squeeze3A_1300 : f32 to vector<16xf32>
        %mul3A_1331 = arith.mulf %mul3A_1330, %get3A_1329 : vector<16xf32>
        %add3A_1332 = arith.addf %add3A_1298, %mul3A_1331 : vector<16xf32>
        %slice3A_1333 = vector.extract_strided_slice %get3A_266 {offsets = [15], sizes = [1], strides = [1]} : vector<16xf32> to vector<1xf32>
        %squeeze3A_1334 = vector.extract %slice3A_1333[0] : f32 from vector<1xf32>
        %get3A_1335 = arith.constant 31 : i32
        %get3A_1336 = arith.index_cast %get3A_1335 : i32 to index
        %get3A_1337 = arith.constant 0 : index
        %get3A_1338 = tpu.vector_load %arg18[%get3A_1336, %get3A_1337] {strides = array<i32>} : memref<32x64xf32, #tpu.memory_space<vmem>>, vector<1x16xf32>,
        %get3A_1339 = vector.shape_cast %get3A_1338 : vector<1x16xf32> to vector<16xf32>
        %mul3A_1340 = vector.broadcast %squeeze3A_1334 : f32 to vector<16xf32>
        %mul3A_1341 = arith.mulf %mul3A_1340, %get3A_1339 : vector<16xf32>
        %add3A_1342 = arith.addf %add3A_1308, %mul3A_1341 : vector<16xf32>
        %get3A_1343 = arith.constant 31 : i32
        %get3A_1344 = arith.index_cast %get3A_1343 : i32 to index
        %get3A_1345 = arith.constant 16 : index
        %get3A_1346 = tpu.vector_load %arg18[%get3A_1344, %get3A_1345] {strides = array<i32>} : memref<32x64xf32, #tpu.memory_space<vmem>>, vector<1x16xf32>,
        %get3A_1347 = vector.shape_cast %get3A_1346 : vector<1x16xf32> to vector<16xf32>
        %mul3A_1348 = vector.broadcast %squeeze3A_1334 : f32 to vector<16xf32>
        %mul3A_1349 = arith.mulf %mul3A_1348, %get3A_1347 : vector<16xf32>
        %add3A_1350 = arith.addf %add3A_1316, %mul3A_1349 : vector<16xf32>
        %get3A_1351 = arith.constant 31 : i32
        %get3A_1352 = arith.index_cast %get3A_1351 : i32 to index
        %get3A_1353 = arith.constant 32 : index
        %get3A_1354 = tpu.vector_load %arg18[%get3A_1352, %get3A_1353] {strides = array<i32>} : memref<32x64xf32, #tpu.memory_space<vmem>>, vector<1x16xf32>,
        %get3A_1355 = vector.shape_cast %get3A_1354 : vector<1x16xf32> to vector<16xf32>
        %mul3A_1356 = vector.broadcast %squeeze3A_1334 : f32 to vector<16xf32>
        %mul3A_1357 = arith.mulf %mul3A_1356, %get3A_1355 : vector<16xf32>
        %add3A_1358 = arith.addf %add3A_1324, %mul3A_1357 : vector<16xf32>
        %get3A_1359 = arith.constant 31 : i32
        %get3A_1360 = arith.index_cast %get3A_1359 : i32 to index
        %get3A_1361 = arith.constant 48 : index
        %get3A_1362 = tpu.vector_load %arg18[%get3A_1360, %get3A_1361] {strides = array<i32>} : memref<32x64xf32, #tpu.memory_space<vmem>>, vector<1x16xf32>,
        %get3A_1363 = vector.shape_cast %get3A_1362 : vector<1x16xf32> to vector<16xf32>
        %mul3A_1364 = vector.broadcast %squeeze3A_1334 : f32 to vector<16xf32>
        %mul3A_1365 = arith.mulf %mul3A_1364, %get3A_1363 : vector<16xf32>
        %add3A_1366 = arith.addf %add3A_1332, %mul3A_1365 : vector<16xf32>
        %swap3A = arith.index_cast %scan3A_244 : i32 to index
        %swap3A_1367 = arith.constant 0 : index
        %swap3A_1368 = tpu.vector_load %arg17[%swap3A, %swap3A_1367] {strides = array<i32>} : memref<512x64xf32, #tpu.memory_space<vmem>>, vector<1x16xf32>,
        %swap3A_1369 = vector.shape_cast %swap3A_1368 : vector<1x16xf32> to vector<16xf32>
        %swap3A_1370 = vector.shape_cast %add3A_1342 : vector<16xf32> to vector<1x16xf32>
        tpu.vector_store %arg17[%swap3A, %swap3A_1367], %swap3A_1370 {strides = array<i32>} : memref<512x64xf32, #tpu.memory_space<vmem>>, vector<1x16xf32>,
        %swap3A_1371 = arith.index_cast %scan3A_244 : i32 to index
        %swap3A_1372 = arith.constant 16 : index
        %swap3A_1373 = tpu.vector_load %arg17[%swap3A_1371, %swap3A_1372] {strides = array<i32>} : memref<512x64xf32, #tpu.memory_space<vmem>>, vector<1x16xf32>,
        %swap3A_1374 = vector.shape_cast %swap3A_1373 : vector<1x16xf32> to vector<16xf32>
        %swap3A_1375 = vector.shape_cast %add3A_1350 : vector<16xf32> to vector<1x16xf32>
        tpu.vector_store %arg17[%swap3A_1371, %swap3A_1372], %swap3A_1375 {strides = array<i32>} : memref<512x64xf32, #tpu.memory_space<vmem>>, vector<1x16xf32>,
        %swap3A_1376 = arith.index_cast %scan3A_244 : i32 to index
        %swap3A_1377 = arith.constant 32 : index
        %swap3A_1378 = tpu.vector_load %arg17[%swap3A_1376, %swap3A_1377] {strides = array<i32>} : memref<512x64xf32, #tpu.memory_space<vmem>>, vector<1x16xf32>,
        %swap3A_1379 = vector.shape_cast %swap3A_1378 : vector<1x16xf32> to vector<16xf32>
        %swap3A_1380 = vector.shape_cast %add3A_1358 : vector<16xf32> to vector<1x16xf32>
        tpu.vector_store %arg17[%swap3A_1376, %swap3A_1377], %swap3A_1380 {strides = array<i32>} : memref<512x64xf32, #tpu.memory_space<vmem>>, vector<1x16xf32>,
        %swap3A_1381 = arith.index_cast %scan3A_244 : i32 to index
        %swap3A_1382 = arith.constant 48 : index
        %swap3A_1383 = tpu.vector_load %arg17[%swap3A_1381, %swap3A_1382] {strides = array<i32>} : memref<512x64xf32, #tpu.memory_space<vmem>>, vector<1x16xf32>,
        %swap3A_1384 = vector.shape_cast %swap3A_1383 : vector<1x16xf32> to vector<16xf32>
        %swap3A_1385 = vector.shape_cast %add3A_1366 : vector<16xf32> to vector<1x16xf32>
        tpu.vector_store %arg17[%swap3A_1381, %swap3A_1382], %swap3A_1385 {strides = array<i32>} : memref<512x64xf32, #tpu.memory_space<vmem>>, vector<1x16xf32>,
      } else {
      }
      %eq3A_254 = arith.constant 2 : i32
      %eq3A_255 = arith.cmpi eq, %squeeze3A, %eq3A_254 : i32
      %convert_element_type3A_256 = arith.extui %eq3A_255 : i1 to i32
      %cond3A_257 = arith.constant 0 : i32
      %cond3A_258 = arith.cmpi ne, %convert_element_type3A_256, %cond3A_257 : i32
      scf.if %cond3A_258 {
        %get3A_259 = arith.index_cast %scan3A_244 : i32 to index
        %get3A_260 = arith.constant 0 : index
        %get3A_261 = tpu.vector_load %arg16[%get3A_259, %get3A_260] {strides = array<i32>} : memref<512x16xf32, #tpu.memory_space<vmem>>, vector<1x16xf32>,
        %get3A_262 = vector.shape_cast %get3A_261 : vector<1x16xf32> to vector<16xf32>
        %get3A_263 = arith.constant 0 : index
        %get3A_264 = tpu.vector_load %arg21[%get3A_263] {strides = array<i32>} : memref<64xf32, #tpu.memory_space<vmem>>, vector<16xf32>,
        %get3A_265 = vector.shape_cast %get3A_264 : vector<16xf32> to vector<16xf32>
        %get3A_266 = arith.constant 16 : index
        %get3A_267 = tpu.vector_load %arg21[%get3A_266] {strides = array<i32>} : memref<64xf32, #tpu.memory_space<vmem>>, vector<16xf32>,
        %get3A_268 = vector.shape_cast %get3A_267 : vector<16xf32> to vector<16xf32>
        %get3A_269 = arith.constant 32 : index
        %get3A_270 = tpu.vector_load %arg21[%get3A_269] {strides = array<i32>} : memref<64xf32, #tpu.memory_space<vmem>>, vector<16xf32>,
        %get3A_271 = vector.shape_cast %get3A_270 : vector<16xf32> to vector<16xf32>
        %get3A_272 = arith.constant 48 : index
        %get3A_273 = tpu.vector_load %arg21[%get3A_272] {strides = array<i32>} : memref<64xf32, #tpu.memory_space<vmem>>, vector<16xf32>,
        %get3A_274 = vector.shape_cast %get3A_273 : vector<16xf32> to vector<16xf32>
        %slice3A_275 = vector.extract_strided_slice %get3A_262 {offsets = [0], sizes = [1], strides = [1]} : vector<16xf32> to vector<1xf32>
        %squeeze3A_276 = vector.extract %slice3A_275[0] : f32 from vector<1xf32>
        %get3A_277 = arith.constant 0 : i32
        %get3A_278 = arith.index_cast %get3A_277 : i32 to index
        %get3A_279 = arith.constant 0 : index
        %get3A_280 = tpu.vector_load %arg20[%get3A_278, %get3A_279] {strides = array<i32>} : memref<16x64xf32, #tpu.memory_space<vmem>>, vector<1x16xf32>,
        %get3A_281 = vector.shape_cast %get3A_280 : vector<1x16xf32> to vector<16xf32>
        %mul3A_282 = vector.broadcast %squeeze3A_276 : f32 to vector<16xf32>
        %mul3A_283 = arith.mulf %mul3A_282, %get3A_281 : vector<16xf32>
        %add3A_284 = arith.addf %get3A_265, %mul3A_283 : vector<16xf32>
        %get3A_285 = arith.constant 0 : i32
        %get3A_286 = arith.index_cast %get3A_285 : i32 to index
        %get3A_287 = arith.constant 16 : index
        %get3A_288 = tpu.vector_load %arg20[%get3A_286, %get3A_287] {strides = array<i32>} : memref<16x64xf32, #tpu.memory_space<vmem>>, vector<1x16xf32>,
        %get3A_289 = vector.shape_cast %get3A_288 : vector<1x16xf32> to vector<16xf32>
        %mul3A_290 = vector.broadcast %squeeze3A_276 : f32 to vector<16xf32>
        %mul3A_291 = arith.mulf %mul3A_290, %get3A_289 : vector<16xf32>
        %add3A_292 = arith.addf %get3A_268, %mul3A_291 : vector<16xf32>
        %get3A_293 = arith.constant 0 : i32
        %get3A_294 = arith.index_cast %get3A_293 : i32 to index
        %get3A_295 = arith.constant 32 : index
        %get3A_296 = tpu.vector_load %arg20[%get3A_294, %get3A_295] {strides = array<i32>} : memref<16x64xf32, #tpu.memory_space<vmem>>, vector<1x16xf32>,
        %get3A_297 = vector.shape_cast %get3A_296 : vector<1x16xf32> to vector<16xf32>
        %mul3A_298 = vector.broadcast %squeeze3A_276 : f32 to vector<16xf32>
        %mul3A_299 = arith.mulf %mul3A_298, %get3A_297 : vector<16xf32>
        %add3A_300 = arith.addf %get3A_271, %mul3A_299 : vector<16xf32>
        %get3A_301 = arith.constant 0 : i32
        %get3A_302 = arith.index_cast %get3A_301 : i32 to index
        %get3A_303 = arith.constant 48 : index
        %get3A_304 = tpu.vector_load %arg20[%get3A_302, %get3A_303] {strides = array<i32>} : memref<16x64xf32, #tpu.memory_space<vmem>>, vector<1x16xf32>,
        %get3A_305 = vector.shape_cast %get3A_304 : vector<1x16xf32> to vector<16xf32>
        %mul3A_306 = vector.broadcast %squeeze3A_276 : f32 to vector<16xf32>
        %mul3A_307 = arith.mulf %mul3A_306, %get3A_305 : vector<16xf32>
        %add3A_308 = arith.addf %get3A_274, %mul3A_307 : vector<16xf32>
        %slice3A_309 = vector.extract_strided_slice %get3A_262 {offsets = [1], sizes = [1], strides = [1]} : vector<16xf32> to vector<1xf32>
        %squeeze3A_310 = vector.extract %slice3A_309[0] : f32 from vector<1xf32>
        %get3A_311 = arith.constant 1 : i32
        %get3A_312 = arith.index_cast %get3A_311 : i32 to index
        %get3A_313 = arith.constant 0 : index
        %get3A_314 = tpu.vector_load %arg20[%get3A_312, %get3A_313] {strides = array<i32>} : memref<16x64xf32, #tpu.memory_space<vmem>>, vector<1x16xf32>,
        %get3A_315 = vector.shape_cast %get3A_314 : vector<1x16xf32> to vector<16xf32>
        %mul3A_316 = vector.broadcast %squeeze3A_310 : f32 to vector<16xf32>
        %mul3A_317 = arith.mulf %mul3A_316, %get3A_315 : vector<16xf32>
        %add3A_318 = arith.addf %add3A_284, %mul3A_317 : vector<16xf32>
        %get3A_319 = arith.constant 1 : i32
        %get3A_320 = arith.index_cast %get3A_319 : i32 to index
        %get3A_321 = arith.constant 16 : index
        %get3A_322 = tpu.vector_load %arg20[%get3A_320, %get3A_321] {strides = array<i32>} : memref<16x64xf32, #tpu.memory_space<vmem>>, vector<1x16xf32>,
        %get3A_323 = vector.shape_cast %get3A_322 : vector<1x16xf32> to vector<16xf32>
        %mul3A_324 = vector.broadcast %squeeze3A_310 : f32 to vector<16xf32>
        %mul3A_325 = arith.mulf %mul3A_324, %get3A_323 : vector<16xf32>
        %add3A_326 = arith.addf %add3A_292, %mul3A_325 : vector<16xf32>
        %get3A_327 = arith.constant 1 : i32
        %get3A_328 = arith.index_cast %get3A_327 : i32 to index
        %get3A_329 = arith.constant 32 : index
        %get3A_330 = tpu.vector_load %arg20[%get3A_328, %get3A_329] {strides = array<i32>} : memref<16x64xf32, #tpu.memory_space<vmem>>, vector<1x16xf32>,
        %get3A_331 = vector.shape_cast %get3A_330 : vector<1x16xf32> to vector<16xf32>
        %mul3A_332 = vector.broadcast %squeeze3A_310 : f32 to vector<16xf32>
        %mul3A_333 = arith.mulf %mul3A_332, %get3A_331 : vector<16xf32>
        %add3A_334 = arith.addf %add3A_300, %mul3A_333 : vector<16xf32>
        %get3A_335 = arith.constant 1 : i32
        %get3A_336 = arith.index_cast %get3A_335 : i32 to index
        %get3A_337 = arith.constant 48 : index
        %get3A_338 = tpu.vector_load %arg20[%get3A_336, %get3A_337] {strides = array<i32>} : memref<16x64xf32, #tpu.memory_space<vmem>>, vector<1x16xf32>,
        %get3A_339 = vector.shape_cast %get3A_338 : vector<1x16xf32> to vector<16xf32>
        %mul3A_340 = vector.broadcast %squeeze3A_310 : f32 to vector<16xf32>
        %mul3A_341 = arith.mulf %mul3A_340, %get3A_339 : vector<16xf32>
        %add3A_342 = arith.addf %add3A_308, %mul3A_341 : vector<16xf32>
        %slice3A_343 = vector.extract_strided_slice %get3A_262 {offsets = [2], sizes = [1], strides = [1]} : vector<16xf32> to vector<1xf32>
        %squeeze3A_344 = vector.extract %slice3A_343[0] : f32 from vector<1xf32>
        %get3A_345 = arith.constant 2 : i32
        %get3A_346 = arith.index_cast %get3A_345 : i32 to index
        %get3A_347 = arith.constant 0 : index
        %get3A_348 = tpu.vector_load %arg20[%get3A_346, %get3A_347] {strides = array<i32>} : memref<16x64xf32, #tpu.memory_space<vmem>>, vector<1x16xf32>,
        %get3A_349 = vector.shape_cast %get3A_348 : vector<1x16xf32> to vector<16xf32>
        %mul3A_350 = vector.broadcast %squeeze3A_344 : f32 to vector<16xf32>
        %mul3A_351 = arith.mulf %mul3A_350, %get3A_349 : vector<16xf32>
        %add3A_352 = arith.addf %add3A_318, %mul3A_351 : vector<16xf32>
        %get3A_353 = arith.constant 2 : i32
        %get3A_354 = arith.index_cast %get3A_353 : i32 to index
        %get3A_355 = arith.constant 16 : index
        %get3A_356 = tpu.vector_load %arg20[%get3A_354, %get3A_355] {strides = array<i32>} : memref<16x64xf32, #tpu.memory_space<vmem>>, vector<1x16xf32>,
        %get3A_357 = vector.shape_cast %get3A_356 : vector<1x16xf32> to vector<16xf32>
        %mul3A_358 = vector.broadcast %squeeze3A_344 : f32 to vector<16xf32>
        %mul3A_359 = arith.mulf %mul3A_358, %get3A_357 : vector<16xf32>
        %add3A_360 = arith.addf %add3A_326, %mul3A_359 : vector<16xf32>
        %get3A_361 = arith.constant 2 : i32
        %get3A_362 = arith.index_cast %get3A_361 : i32 to index
        %get3A_363 = arith.constant 32 : index
        %get3A_364 = tpu.vector_load %arg20[%get3A_362, %get3A_363] {strides = array<i32>} : memref<16x64xf32, #tpu.memory_space<vmem>>, vector<1x16xf32>,
        %get3A_365 = vector.shape_cast %get3A_364 : vector<1x16xf32> to vector<16xf32>
        %mul3A_366 = vector.broadcast %squeeze3A_344 : f32 to vector<16xf32>
        %mul3A_367 = arith.mulf %mul3A_366, %get3A_365 : vector<16xf32>
        %add3A_368 = arith.addf %add3A_334, %mul3A_367 : vector<16xf32>
        %get3A_369 = arith.constant 2 : i32
        %get3A_370 = arith.index_cast %get3A_369 : i32 to index
        %get3A_371 = arith.constant 48 : index
        %get3A_372 = tpu.vector_load %arg20[%get3A_370, %get3A_371] {strides = array<i32>} : memref<16x64xf32, #tpu.memory_space<vmem>>, vector<1x16xf32>,
        %get3A_373 = vector.shape_cast %get3A_372 : vector<1x16xf32> to vector<16xf32>
        %mul3A_374 = vector.broadcast %squeeze3A_344 : f32 to vector<16xf32>
        %mul3A_375 = arith.mulf %mul3A_374, %get3A_373 : vector<16xf32>
        %add3A_376 = arith.addf %add3A_342, %mul3A_375 : vector<16xf32>
        %slice3A_377 = vector.extract_strided_slice %get3A_262 {offsets = [3], sizes = [1], strides = [1]} : vector<16xf32> to vector<1xf32>
        %squeeze3A_378 = vector.extract %slice3A_377[0] : f32 from vector<1xf32>
        %get3A_379 = arith.constant 3 : i32
        %get3A_380 = arith.index_cast %get3A_379 : i32 to index
        %get3A_381 = arith.constant 0 : index
        %get3A_382 = tpu.vector_load %arg20[%get3A_380, %get3A_381] {strides = array<i32>} : memref<16x64xf32, #tpu.memory_space<vmem>>, vector<1x16xf32>,
        %get3A_383 = vector.shape_cast %get3A_382 : vector<1x16xf32> to vector<16xf32>
        %mul3A_384 = vector.broadcast %squeeze3A_378 : f32 to vector<16xf32>
        %mul3A_385 = arith.mulf %mul3A_384, %get3A_383 : vector<16xf32>
        %add3A_386 = arith.addf %add3A_352, %mul3A_385 : vector<16xf32>
        %get3A_387 = arith.constant 3 : i32
        %get3A_388 = arith.index_cast %get3A_387 : i32 to index
        %get3A_389 = arith.constant 16 : index
        %get3A_390 = tpu.vector_load %arg20[%get3A_388, %get3A_389] {strides = array<i32>} : memref<16x64xf32, #tpu.memory_space<vmem>>, vector<1x16xf32>,
        %get3A_391 = vector.shape_cast %get3A_390 : vector<1x16xf32> to vector<16xf32>
        %mul3A_392 = vector.broadcast %squeeze3A_378 : f32 to vector<16xf32>
        %mul3A_393 = arith.mulf %mul3A_392, %get3A_391 : vector<16xf32>
        %add3A_394 = arith.addf %add3A_360, %mul3A_393 : vector<16xf32>
        %get3A_395 = arith.constant 3 : i32
        %get3A_396 = arith.index_cast %get3A_395 : i32 to index
        %get3A_397 = arith.constant 32 : index
        %get3A_398 = tpu.vector_load %arg20[%get3A_396, %get3A_397] {strides = array<i32>} : memref<16x64xf32, #tpu.memory_space<vmem>>, vector<1x16xf32>,
        %get3A_399 = vector.shape_cast %get3A_398 : vector<1x16xf32> to vector<16xf32>
        %mul3A_400 = vector.broadcast %squeeze3A_378 : f32 to vector<16xf32>
        %mul3A_401 = arith.mulf %mul3A_400, %get3A_399 : vector<16xf32>
        %add3A_402 = arith.addf %add3A_368, %mul3A_401 : vector<16xf32>
        %get3A_403 = arith.constant 3 : i32
        %get3A_404 = arith.index_cast %get3A_403 : i32 to index
        %get3A_405 = arith.constant 48 : index
        %get3A_406 = tpu.vector_load %arg20[%get3A_404, %get3A_405] {strides = array<i32>} : memref<16x64xf32, #tpu.memory_space<vmem>>, vector<1x16xf32>,
        %get3A_407 = vector.shape_cast %get3A_406 : vector<1x16xf32> to vector<16xf32>
        %mul3A_408 = vector.broadcast %squeeze3A_378 : f32 to vector<16xf32>
        %mul3A_409 = arith.mulf %mul3A_408, %get3A_407 : vector<16xf32>
        %add3A_410 = arith.addf %add3A_376, %mul3A_409 : vector<16xf32>
        %slice3A_411 = vector.extract_strided_slice %get3A_262 {offsets = [4], sizes = [1], strides = [1]} : vector<16xf32> to vector<1xf32>
        %squeeze3A_412 = vector.extract %slice3A_411[0] : f32 from vector<1xf32>
        %get3A_413 = arith.constant 4 : i32
        %get3A_414 = arith.index_cast %get3A_413 : i32 to index
        %get3A_415 = arith.constant 0 : index
        %get3A_416 = tpu.vector_load %arg20[%get3A_414, %get3A_415] {strides = array<i32>} : memref<16x64xf32, #tpu.memory_space<vmem>>, vector<1x16xf32>,
        %get3A_417 = vector.shape_cast %get3A_416 : vector<1x16xf32> to vector<16xf32>
        %mul3A_418 = vector.broadcast %squeeze3A_412 : f32 to vector<16xf32>
        %mul3A_419 = arith.mulf %mul3A_418, %get3A_417 : vector<16xf32>
        %add3A_420 = arith.addf %add3A_386, %mul3A_419 : vector<16xf32>
        %get3A_421 = arith.constant 4 : i32
        %get3A_422 = arith.index_cast %get3A_421 : i32 to index
        %get3A_423 = arith.constant 16 : index
        %get3A_424 = tpu.vector_load %arg20[%get3A_422, %get3A_423] {strides = array<i32>} : memref<16x64xf32, #tpu.memory_space<vmem>>, vector<1x16xf32>,
        %get3A_425 = vector.shape_cast %get3A_424 : vector<1x16xf32> to vector<16xf32>
        %mul3A_426 = vector.broadcast %squeeze3A_412 : f32 to vector<16xf32>
        %mul3A_427 = arith.mulf %mul3A_426, %get3A_425 : vector<16xf32>
        %add3A_428 = arith.addf %add3A_394, %mul3A_427 : vector<16xf32>
        %get3A_429 = arith.constant 4 : i32
        %get3A_430 = arith.index_cast %get3A_429 : i32 to index
        %get3A_431 = arith.constant 32 : index
        %get3A_432 = tpu.vector_load %arg20[%get3A_430, %get3A_431] {strides = array<i32>} : memref<16x64xf32, #tpu.memory_space<vmem>>, vector<1x16xf32>,
        %get3A_433 = vector.shape_cast %get3A_432 : vector<1x16xf32> to vector<16xf32>
        %mul3A_434 = vector.broadcast %squeeze3A_412 : f32 to vector<16xf32>
        %mul3A_435 = arith.mulf %mul3A_434, %get3A_433 : vector<16xf32>
        %add3A_436 = arith.addf %add3A_402, %mul3A_435 : vector<16xf32>
        %get3A_437 = arith.constant 4 : i32
        %get3A_438 = arith.index_cast %get3A_437 : i32 to index
        %get3A_439 = arith.constant 48 : index
        %get3A_440 = tpu.vector_load %arg20[%get3A_438, %get3A_439] {strides = array<i32>} : memref<16x64xf32, #tpu.memory_space<vmem>>, vector<1x16xf32>,
        %get3A_441 = vector.shape_cast %get3A_440 : vector<1x16xf32> to vector<16xf32>
        %mul3A_442 = vector.broadcast %squeeze3A_412 : f32 to vector<16xf32>
        %mul3A_443 = arith.mulf %mul3A_442, %get3A_441 : vector<16xf32>
        %add3A_444 = arith.addf %add3A_410, %mul3A_443 : vector<16xf32>
        %slice3A_445 = vector.extract_strided_slice %get3A_262 {offsets = [5], sizes = [1], strides = [1]} : vector<16xf32> to vector<1xf32>
        %squeeze3A_446 = vector.extract %slice3A_445[0] : f32 from vector<1xf32>
        %get3A_447 = arith.constant 5 : i32
        %get3A_448 = arith.index_cast %get3A_447 : i32 to index
        %get3A_449 = arith.constant 0 : index
        %get3A_450 = tpu.vector_load %arg20[%get3A_448, %get3A_449] {strides = array<i32>} : memref<16x64xf32, #tpu.memory_space<vmem>>, vector<1x16xf32>,
        %get3A_451 = vector.shape_cast %get3A_450 : vector<1x16xf32> to vector<16xf32>
        %mul3A_452 = vector.broadcast %squeeze3A_446 : f32 to vector<16xf32>
        %mul3A_453 = arith.mulf %mul3A_452, %get3A_451 : vector<16xf32>
        %add3A_454 = arith.addf %add3A_420, %mul3A_453 : vector<16xf32>
        %get3A_455 = arith.constant 5 : i32
        %get3A_456 = arith.index_cast %get3A_455 : i32 to index
        %get3A_457 = arith.constant 16 : index
        %get3A_458 = tpu.vector_load %arg20[%get3A_456, %get3A_457] {strides = array<i32>} : memref<16x64xf32, #tpu.memory_space<vmem>>, vector<1x16xf32>,
        %get3A_459 = vector.shape_cast %get3A_458 : vector<1x16xf32> to vector<16xf32>
        %mul3A_460 = vector.broadcast %squeeze3A_446 : f32 to vector<16xf32>
        %mul3A_461 = arith.mulf %mul3A_460, %get3A_459 : vector<16xf32>
        %add3A_462 = arith.addf %add3A_428, %mul3A_461 : vector<16xf32>
        %get3A_463 = arith.constant 5 : i32
        %get3A_464 = arith.index_cast %get3A_463 : i32 to index
        %get3A_465 = arith.constant 32 : index
        %get3A_466 = tpu.vector_load %arg20[%get3A_464, %get3A_465] {strides = array<i32>} : memref<16x64xf32, #tpu.memory_space<vmem>>, vector<1x16xf32>,
        %get3A_467 = vector.shape_cast %get3A_466 : vector<1x16xf32> to vector<16xf32>
        %mul3A_468 = vector.broadcast %squeeze3A_446 : f32 to vector<16xf32>
        %mul3A_469 = arith.mulf %mul3A_468, %get3A_467 : vector<16xf32>
        %add3A_470 = arith.addf %add3A_436, %mul3A_469 : vector<16xf32>
        %get3A_471 = arith.constant 5 : i32
        %get3A_472 = arith.index_cast %get3A_471 : i32 to index
        %get3A_473 = arith.constant 48 : index
        %get3A_474 = tpu.vector_load %arg20[%get3A_472, %get3A_473] {strides = array<i32>} : memref<16x64xf32, #tpu.memory_space<vmem>>, vector<1x16xf32>,
        %get3A_475 = vector.shape_cast %get3A_474 : vector<1x16xf32> to vector<16xf32>
        %mul3A_476 = vector.broadcast %squeeze3A_446 : f32 to vector<16xf32>
        %mul3A_477 = arith.mulf %mul3A_476, %get3A_475 : vector<16xf32>
        %add3A_478 = arith.addf %add3A_444, %mul3A_477 : vector<16xf32>
        %slice3A_479 = vector.extract_strided_slice %get3A_262 {offsets = [6], sizes = [1], strides = [1]} : vector<16xf32> to vector<1xf32>
        %squeeze3A_480 = vector.extract %slice3A_479[0] : f32 from vector<1xf32>
        %get3A_481 = arith.constant 6 : i32
        %get3A_482 = arith.index_cast %get3A_481 : i32 to index
        %get3A_483 = arith.constant 0 : index
        %get3A_484 = tpu.vector_load %arg20[%get3A_482, %get3A_483] {strides = array<i32>} : memref<16x64xf32, #tpu.memory_space<vmem>>, vector<1x16xf32>,
        %get3A_485 = vector.shape_cast %get3A_484 : vector<1x16xf32> to vector<16xf32>
        %mul3A_486 = vector.broadcast %squeeze3A_480 : f32 to vector<16xf32>
        %mul3A_487 = arith.mulf %mul3A_486, %get3A_485 : vector<16xf32>
        %add3A_488 = arith.addf %add3A_454, %mul3A_487 : vector<16xf32>
        %get3A_489 = arith.constant 6 : i32
        %get3A_490 = arith.index_cast %get3A_489 : i32 to index
        %get3A_491 = arith.constant 16 : index
        %get3A_492 = tpu.vector_load %arg20[%get3A_490, %get3A_491] {strides = array<i32>} : memref<16x64xf32, #tpu.memory_space<vmem>>, vector<1x16xf32>,
        %get3A_493 = vector.shape_cast %get3A_492 : vector<1x16xf32> to vector<16xf32>
        %mul3A_494 = vector.broadcast %squeeze3A_480 : f32 to vector<16xf32>
        %mul3A_495 = arith.mulf %mul3A_494, %get3A_493 : vector<16xf32>
        %add3A_496 = arith.addf %add3A_462, %mul3A_495 : vector<16xf32>
        %get3A_497 = arith.constant 6 : i32
        %get3A_498 = arith.index_cast %get3A_497 : i32 to index
        %get3A_499 = arith.constant 32 : index
        %get3A_500 = tpu.vector_load %arg20[%get3A_498, %get3A_499] {strides = array<i32>} : memref<16x64xf32, #tpu.memory_space<vmem>>, vector<1x16xf32>,
        %get3A_501 = vector.shape_cast %get3A_500 : vector<1x16xf32> to vector<16xf32>
        %mul3A_502 = vector.broadcast %squeeze3A_480 : f32 to vector<16xf32>
        %mul3A_503 = arith.mulf %mul3A_502, %get3A_501 : vector<16xf32>
        %add3A_504 = arith.addf %add3A_470, %mul3A_503 : vector<16xf32>
        %get3A_505 = arith.constant 6 : i32
        %get3A_506 = arith.index_cast %get3A_505 : i32 to index
        %get3A_507 = arith.constant 48 : index
        %get3A_508 = tpu.vector_load %arg20[%get3A_506, %get3A_507] {strides = array<i32>} : memref<16x64xf32, #tpu.memory_space<vmem>>, vector<1x16xf32>,
        %get3A_509 = vector.shape_cast %get3A_508 : vector<1x16xf32> to vector<16xf32>
        %mul3A_510 = vector.broadcast %squeeze3A_480 : f32 to vector<16xf32>
        %mul3A_511 = arith.mulf %mul3A_510, %get3A_509 : vector<16xf32>
        %add3A_512 = arith.addf %add3A_478, %mul3A_511 : vector<16xf32>
        %slice3A_513 = vector.extract_strided_slice %get3A_262 {offsets = [7], sizes = [1], strides = [1]} : vector<16xf32> to vector<1xf32>
        %squeeze3A_514 = vector.extract %slice3A_513[0] : f32 from vector<1xf32>
        %get3A_515 = arith.constant 7 : i32
        %get3A_516 = arith.index_cast %get3A_515 : i32 to index
        %get3A_517 = arith.constant 0 : index
        %get3A_518 = tpu.vector_load %arg20[%get3A_516, %get3A_517] {strides = array<i32>} : memref<16x64xf32, #tpu.memory_space<vmem>>, vector<1x16xf32>,
        %get3A_519 = vector.shape_cast %get3A_518 : vector<1x16xf32> to vector<16xf32>
        %mul3A_520 = vector.broadcast %squeeze3A_514 : f32 to vector<16xf32>
        %mul3A_521 = arith.mulf %mul3A_520, %get3A_519 : vector<16xf32>
        %add3A_522 = arith.addf %add3A_488, %mul3A_521 : vector<16xf32>
        %get3A_523 = arith.constant 7 : i32
        %get3A_524 = arith.index_cast %get3A_523 : i32 to index
        %get3A_525 = arith.constant 16 : index
        %get3A_526 = tpu.vector_load %arg20[%get3A_524, %get3A_525] {strides = array<i32>} : memref<16x64xf32, #tpu.memory_space<vmem>>, vector<1x16xf32>,
        %get3A_527 = vector.shape_cast %get3A_526 : vector<1x16xf32> to vector<16xf32>
        %mul3A_528 = vector.broadcast %squeeze3A_514 : f32 to vector<16xf32>
        %mul3A_529 = arith.mulf %mul3A_528, %get3A_527 : vector<16xf32>
        %add3A_530 = arith.addf %add3A_496, %mul3A_529 : vector<16xf32>
        %get3A_531 = arith.constant 7 : i32
        %get3A_532 = arith.index_cast %get3A_531 : i32 to index
        %get3A_533 = arith.constant 32 : index
        %get3A_534 = tpu.vector_load %arg20[%get3A_532, %get3A_533] {strides = array<i32>} : memref<16x64xf32, #tpu.memory_space<vmem>>, vector<1x16xf32>,
        %get3A_535 = vector.shape_cast %get3A_534 : vector<1x16xf32> to vector<16xf32>
        %mul3A_536 = vector.broadcast %squeeze3A_514 : f32 to vector<16xf32>
        %mul3A_537 = arith.mulf %mul3A_536, %get3A_535 : vector<16xf32>
        %add3A_538 = arith.addf %add3A_504, %mul3A_537 : vector<16xf32>
        %get3A_539 = arith.constant 7 : i32
        %get3A_540 = arith.index_cast %get3A_539 : i32 to index
        %get3A_541 = arith.constant 48 : index
        %get3A_542 = tpu.vector_load %arg20[%get3A_540, %get3A_541] {strides = array<i32>} : memref<16x64xf32, #tpu.memory_space<vmem>>, vector<1x16xf32>,
        %get3A_543 = vector.shape_cast %get3A_542 : vector<1x16xf32> to vector<16xf32>
        %mul3A_544 = vector.broadcast %squeeze3A_514 : f32 to vector<16xf32>
        %mul3A_545 = arith.mulf %mul3A_544, %get3A_543 : vector<16xf32>
        %add3A_546 = arith.addf %add3A_512, %mul3A_545 : vector<16xf32>
        %slice3A_547 = vector.extract_strided_slice %get3A_262 {offsets = [8], sizes = [1], strides = [1]} : vector<16xf32> to vector<1xf32>
        %squeeze3A_548 = vector.extract %slice3A_547[0] : f32 from vector<1xf32>
        %get3A_549 = arith.constant 8 : i32
        %get3A_550 = arith.index_cast %get3A_549 : i32 to index
        %get3A_551 = arith.constant 0 : index
        %get3A_552 = tpu.vector_load %arg20[%get3A_550, %get3A_551] {strides = array<i32>} : memref<16x64xf32, #tpu.memory_space<vmem>>, vector<1x16xf32>,
        %get3A_553 = vector.shape_cast %get3A_552 : vector<1x16xf32> to vector<16xf32>
        %mul3A_554 = vector.broadcast %squeeze3A_548 : f32 to vector<16xf32>
        %mul3A_555 = arith.mulf %mul3A_554, %get3A_553 : vector<16xf32>
        %add3A_556 = arith.addf %add3A_522, %mul3A_555 : vector<16xf32>
        %get3A_557 = arith.constant 8 : i32
        %get3A_558 = arith.index_cast %get3A_557 : i32 to index
        %get3A_559 = arith.constant 16 : index
        %get3A_560 = tpu.vector_load %arg20[%get3A_558, %get3A_559] {strides = array<i32>} : memref<16x64xf32, #tpu.memory_space<vmem>>, vector<1x16xf32>,
        %get3A_561 = vector.shape_cast %get3A_560 : vector<1x16xf32> to vector<16xf32>
        %mul3A_562 = vector.broadcast %squeeze3A_548 : f32 to vector<16xf32>
        %mul3A_563 = arith.mulf %mul3A_562, %get3A_561 : vector<16xf32>
        %add3A_564 = arith.addf %add3A_530, %mul3A_563 : vector<16xf32>
        %get3A_565 = arith.constant 8 : i32
        %get3A_566 = arith.index_cast %get3A_565 : i32 to index
        %get3A_567 = arith.constant 32 : index
        %get3A_568 = tpu.vector_load %arg20[%get3A_566, %get3A_567] {strides = array<i32>} : memref<16x64xf32, #tpu.memory_space<vmem>>, vector<1x16xf32>,
        %get3A_569 = vector.shape_cast %get3A_568 : vector<1x16xf32> to vector<16xf32>
        %mul3A_570 = vector.broadcast %squeeze3A_548 : f32 to vector<16xf32>
        %mul3A_571 = arith.mulf %mul3A_570, %get3A_569 : vector<16xf32>
        %add3A_572 = arith.addf %add3A_538, %mul3A_571 : vector<16xf32>
        %get3A_573 = arith.constant 8 : i32
        %get3A_574 = arith.index_cast %get3A_573 : i32 to index
        %get3A_575 = arith.constant 48 : index
        %get3A_576 = tpu.vector_load %arg20[%get3A_574, %get3A_575] {strides = array<i32>} : memref<16x64xf32, #tpu.memory_space<vmem>>, vector<1x16xf32>,
        %get3A_577 = vector.shape_cast %get3A_576 : vector<1x16xf32> to vector<16xf32>
        %mul3A_578 = vector.broadcast %squeeze3A_548 : f32 to vector<16xf32>
        %mul3A_579 = arith.mulf %mul3A_578, %get3A_577 : vector<16xf32>
        %add3A_580 = arith.addf %add3A_546, %mul3A_579 : vector<16xf32>
        %slice3A_581 = vector.extract_strided_slice %get3A_262 {offsets = [9], sizes = [1], strides = [1]} : vector<16xf32> to vector<1xf32>
        %squeeze3A_582 = vector.extract %slice3A_581[0] : f32 from vector<1xf32>
        %get3A_583 = arith.constant 9 : i32
        %get3A_584 = arith.index_cast %get3A_583 : i32 to index
        %get3A_585 = arith.constant 0 : index
        %get3A_586 = tpu.vector_load %arg20[%get3A_584, %get3A_585] {strides = array<i32>} : memref<16x64xf32, #tpu.memory_space<vmem>>, vector<1x16xf32>,
        %get3A_587 = vector.shape_cast %get3A_586 : vector<1x16xf32> to vector<16xf32>
        %mul3A_588 = vector.broadcast %squeeze3A_582 : f32 to vector<16xf32>
        %mul3A_589 = arith.mulf %mul3A_588, %get3A_587 : vector<16xf32>
        %add3A_590 = arith.addf %add3A_556, %mul3A_589 : vector<16xf32>
        %get3A_591 = arith.constant 9 : i32
        %get3A_592 = arith.index_cast %get3A_591 : i32 to index
        %get3A_593 = arith.constant 16 : index
        %get3A_594 = tpu.vector_load %arg20[%get3A_592, %get3A_593] {strides = array<i32>} : memref<16x64xf32, #tpu.memory_space<vmem>>, vector<1x16xf32>,
        %get3A_595 = vector.shape_cast %get3A_594 : vector<1x16xf32> to vector<16xf32>
        %mul3A_596 = vector.broadcast %squeeze3A_582 : f32 to vector<16xf32>
        %mul3A_597 = arith.mulf %mul3A_596, %get3A_595 : vector<16xf32>
        %add3A_598 = arith.addf %add3A_564, %mul3A_597 : vector<16xf32>
        %get3A_599 = arith.constant 9 : i32
        %get3A_600 = arith.index_cast %get3A_599 : i32 to index
        %get3A_601 = arith.constant 32 : index
        %get3A_602 = tpu.vector_load %arg20[%get3A_600, %get3A_601] {strides = array<i32>} : memref<16x64xf32, #tpu.memory_space<vmem>>, vector<1x16xf32>,
        %get3A_603 = vector.shape_cast %get3A_602 : vector<1x16xf32> to vector<16xf32>
        %mul3A_604 = vector.broadcast %squeeze3A_582 : f32 to vector<16xf32>
        %mul3A_605 = arith.mulf %mul3A_604, %get3A_603 : vector<16xf32>
        %add3A_606 = arith.addf %add3A_572, %mul3A_605 : vector<16xf32>
        %get3A_607 = arith.constant 9 : i32
        %get3A_608 = arith.index_cast %get3A_607 : i32 to index
        %get3A_609 = arith.constant 48 : index
        %get3A_610 = tpu.vector_load %arg20[%get3A_608, %get3A_609] {strides = array<i32>} : memref<16x64xf32, #tpu.memory_space<vmem>>, vector<1x16xf32>,
        %get3A_611 = vector.shape_cast %get3A_610 : vector<1x16xf32> to vector<16xf32>
        %mul3A_612 = vector.broadcast %squeeze3A_582 : f32 to vector<16xf32>
        %mul3A_613 = arith.mulf %mul3A_612, %get3A_611 : vector<16xf32>
        %add3A_614 = arith.addf %add3A_580, %mul3A_613 : vector<16xf32>
        %slice3A_615 = vector.extract_strided_slice %get3A_262 {offsets = [10], sizes = [1], strides = [1]} : vector<16xf32> to vector<1xf32>
        %squeeze3A_616 = vector.extract %slice3A_615[0] : f32 from vector<1xf32>
        %get3A_617 = arith.constant 10 : i32
        %get3A_618 = arith.index_cast %get3A_617 : i32 to index
        %get3A_619 = arith.constant 0 : index
        %get3A_620 = tpu.vector_load %arg20[%get3A_618, %get3A_619] {strides = array<i32>} : memref<16x64xf32, #tpu.memory_space<vmem>>, vector<1x16xf32>,
        %get3A_621 = vector.shape_cast %get3A_620 : vector<1x16xf32> to vector<16xf32>
        %mul3A_622 = vector.broadcast %squeeze3A_616 : f32 to vector<16xf32>
        %mul3A_623 = arith.mulf %mul3A_622, %get3A_621 : vector<16xf32>
        %add3A_624 = arith.addf %add3A_590, %mul3A_623 : vector<16xf32>
        %get3A_625 = arith.constant 10 : i32
        %get3A_626 = arith.index_cast %get3A_625 : i32 to index
        %get3A_627 = arith.constant 16 : index
        %get3A_628 = tpu.vector_load %arg20[%get3A_626, %get3A_627] {strides = array<i32>} : memref<16x64xf32, #tpu.memory_space<vmem>>, vector<1x16xf32>,
        %get3A_629 = vector.shape_cast %get3A_628 : vector<1x16xf32> to vector<16xf32>
        %mul3A_630 = vector.broadcast %squeeze3A_616 : f32 to vector<16xf32>
        %mul3A_631 = arith.mulf %mul3A_630, %get3A_629 : vector<16xf32>
        %add3A_632 = arith.addf %add3A_598, %mul3A_631 : vector<16xf32>
        %get3A_633 = arith.constant 10 : i32
        %get3A_634 = arith.index_cast %get3A_633 : i32 to index
        %get3A_635 = arith.constant 32 : index
        %get3A_636 = tpu.vector_load %arg20[%get3A_634, %get3A_635] {strides = array<i32>} : memref<16x64xf32, #tpu.memory_space<vmem>>, vector<1x16xf32>,
        %get3A_637 = vector.shape_cast %get3A_636 : vector<1x16xf32> to vector<16xf32>
        %mul3A_638 = vector.broadcast %squeeze3A_616 : f32 to vector<16xf32>
        %mul3A_639 = arith.mulf %mul3A_638, %get3A_637 : vector<16xf32>
        %add3A_640 = arith.addf %add3A_606, %mul3A_639 : vector<16xf32>
        %get3A_641 = arith.constant 10 : i32
        %get3A_642 = arith.index_cast %get3A_641 : i32 to index
        %get3A_643 = arith.constant 48 : index
        %get3A_644 = tpu.vector_load %arg20[%get3A_642, %get3A_643] {strides = array<i32>} : memref<16x64xf32, #tpu.memory_space<vmem>>, vector<1x16xf32>,
        %get3A_645 = vector.shape_cast %get3A_644 : vector<1x16xf32> to vector<16xf32>
        %mul3A_646 = vector.broadcast %squeeze3A_616 : f32 to vector<16xf32>
        %mul3A_647 = arith.mulf %mul3A_646, %get3A_645 : vector<16xf32>
        %add3A_648 = arith.addf %add3A_614, %mul3A_647 : vector<16xf32>
        %slice3A_649 = vector.extract_strided_slice %get3A_262 {offsets = [11], sizes = [1], strides = [1]} : vector<16xf32> to vector<1xf32>
        %squeeze3A_650 = vector.extract %slice3A_649[0] : f32 from vector<1xf32>
        %get3A_651 = arith.constant 11 : i32
        %get3A_652 = arith.index_cast %get3A_651 : i32 to index
        %get3A_653 = arith.constant 0 : index
        %get3A_654 = tpu.vector_load %arg20[%get3A_652, %get3A_653] {strides = array<i32>} : memref<16x64xf32, #tpu.memory_space<vmem>>, vector<1x16xf32>,
        %get3A_655 = vector.shape_cast %get3A_654 : vector<1x16xf32> to vector<16xf32>
        %mul3A_656 = vector.broadcast %squeeze3A_650 : f32 to vector<16xf32>
        %mul3A_657 = arith.mulf %mul3A_656, %get3A_655 : vector<16xf32>
        %add3A_658 = arith.addf %add3A_624, %mul3A_657 : vector<16xf32>
        %get3A_659 = arith.constant 11 : i32
        %get3A_660 = arith.index_cast %get3A_659 : i32 to index
        %get3A_661 = arith.constant 16 : index
        %get3A_662 = tpu.vector_load %arg20[%get3A_660, %get3A_661] {strides = array<i32>} : memref<16x64xf32, #tpu.memory_space<vmem>>, vector<1x16xf32>,
        %get3A_663 = vector.shape_cast %get3A_662 : vector<1x16xf32> to vector<16xf32>
        %mul3A_664 = vector.broadcast %squeeze3A_650 : f32 to vector<16xf32>
        %mul3A_665 = arith.mulf %mul3A_664, %get3A_663 : vector<16xf32>
        %add3A_666 = arith.addf %add3A_632, %mul3A_665 : vector<16xf32>
        %get3A_667 = arith.constant 11 : i32
        %get3A_668 = arith.index_cast %get3A_667 : i32 to index
        %get3A_669 = arith.constant 32 : index
        %get3A_670 = tpu.vector_load %arg20[%get3A_668, %get3A_669] {strides = array<i32>} : memref<16x64xf32, #tpu.memory_space<vmem>>, vector<1x16xf32>,
        %get3A_671 = vector.shape_cast %get3A_670 : vector<1x16xf32> to vector<16xf32>
        %mul3A_672 = vector.broadcast %squeeze3A_650 : f32 to vector<16xf32>
        %mul3A_673 = arith.mulf %mul3A_672, %get3A_671 : vector<16xf32>
        %add3A_674 = arith.addf %add3A_640, %mul3A_673 : vector<16xf32>
        %get3A_675 = arith.constant 11 : i32
        %get3A_676 = arith.index_cast %get3A_675 : i32 to index
        %get3A_677 = arith.constant 48 : index
        %get3A_678 = tpu.vector_load %arg20[%get3A_676, %get3A_677] {strides = array<i32>} : memref<16x64xf32, #tpu.memory_space<vmem>>, vector<1x16xf32>,
        %get3A_679 = vector.shape_cast %get3A_678 : vector<1x16xf32> to vector<16xf32>
        %mul3A_680 = vector.broadcast %squeeze3A_650 : f32 to vector<16xf32>
        %mul3A_681 = arith.mulf %mul3A_680, %get3A_679 : vector<16xf32>
        %add3A_682 = arith.addf %add3A_648, %mul3A_681 : vector<16xf32>
        %slice3A_683 = vector.extract_strided_slice %get3A_262 {offsets = [12], sizes = [1], strides = [1]} : vector<16xf32> to vector<1xf32>
        %squeeze3A_684 = vector.extract %slice3A_683[0] : f32 from vector<1xf32>
        %get3A_685 = arith.constant 12 : i32
        %get3A_686 = arith.index_cast %get3A_685 : i32 to index
        %get3A_687 = arith.constant 0 : index
        %get3A_688 = tpu.vector_load %arg20[%get3A_686, %get3A_687] {strides = array<i32>} : memref<16x64xf32, #tpu.memory_space<vmem>>, vector<1x16xf32>,
        %get3A_689 = vector.shape_cast %get3A_688 : vector<1x16xf32> to vector<16xf32>
        %mul3A_690 = vector.broadcast %squeeze3A_684 : f32 to vector<16xf32>
        %mul3A_691 = arith.mulf %mul3A_690, %get3A_689 : vector<16xf32>
        %add3A_692 = arith.addf %add3A_658, %mul3A_691 : vector<16xf32>
        %get3A_693 = arith.constant 12 : i32
        %get3A_694 = arith.index_cast %get3A_693 : i32 to index
        %get3A_695 = arith.constant 16 : index
        %get3A_696 = tpu.vector_load %arg20[%get3A_694, %get3A_695] {strides = array<i32>} : memref<16x64xf32, #tpu.memory_space<vmem>>, vector<1x16xf32>,
        %get3A_697 = vector.shape_cast %get3A_696 : vector<1x16xf32> to vector<16xf32>
        %mul3A_698 = vector.broadcast %squeeze3A_684 : f32 to vector<16xf32>
        %mul3A_699 = arith.mulf %mul3A_698, %get3A_697 : vector<16xf32>
        %add3A_700 = arith.addf %add3A_666, %mul3A_699 : vector<16xf32>
        %get3A_701 = arith.constant 12 : i32
        %get3A_702 = arith.index_cast %get3A_701 : i32 to index
        %get3A_703 = arith.constant 32 : index
        %get3A_704 = tpu.vector_load %arg20[%get3A_702, %get3A_703] {strides = array<i32>} : memref<16x64xf32, #tpu.memory_space<vmem>>, vector<1x16xf32>,
        %get3A_705 = vector.shape_cast %get3A_704 : vector<1x16xf32> to vector<16xf32>
        %mul3A_706 = vector.broadcast %squeeze3A_684 : f32 to vector<16xf32>
        %mul3A_707 = arith.mulf %mul3A_706, %get3A_705 : vector<16xf32>
        %add3A_708 = arith.addf %add3A_674, %mul3A_707 : vector<16xf32>
        %get3A_709 = arith.constant 12 : i32
        %get3A_710 = arith.index_cast %get3A_709 : i32 to index
        %get3A_711 = arith.constant 48 : index
        %get3A_712 = tpu.vector_load %arg20[%get3A_710, %get3A_711] {strides = array<i32>} : memref<16x64xf32, #tpu.memory_space<vmem>>, vector<1x16xf32>,
        %get3A_713 = vector.shape_cast %get3A_712 : vector<1x16xf32> to vector<16xf32>
        %mul3A_714 = vector.broadcast %squeeze3A_684 : f32 to vector<16xf32>
        %mul3A_715 = arith.mulf %mul3A_714, %get3A_713 : vector<16xf32>
        %add3A_716 = arith.addf %add3A_682, %mul3A_715 : vector<16xf32>
        %slice3A_717 = vector.extract_strided_slice %get3A_262 {offsets = [13], sizes = [1], strides = [1]} : vector<16xf32> to vector<1xf32>
        %squeeze3A_718 = vector.extract %slice3A_717[0] : f32 from vector<1xf32>
        %get3A_719 = arith.constant 13 : i32
        %get3A_720 = arith.index_cast %get3A_719 : i32 to index
        %get3A_721 = arith.constant 0 : index
        %get3A_722 = tpu.vector_load %arg20[%get3A_720, %get3A_721] {strides = array<i32>} : memref<16x64xf32, #tpu.memory_space<vmem>>, vector<1x16xf32>,
        %get3A_723 = vector.shape_cast %get3A_722 : vector<1x16xf32> to vector<16xf32>
        %mul3A_724 = vector.broadcast %squeeze3A_718 : f32 to vector<16xf32>
        %mul3A_725 = arith.mulf %mul3A_724, %get3A_723 : vector<16xf32>
        %add3A_726 = arith.addf %add3A_692, %mul3A_725 : vector<16xf32>
        %get3A_727 = arith.constant 13 : i32
        %get3A_728 = arith.index_cast %get3A_727 : i32 to index
        %get3A_729 = arith.constant 16 : index
        %get3A_730 = tpu.vector_load %arg20[%get3A_728, %get3A_729] {strides = array<i32>} : memref<16x64xf32, #tpu.memory_space<vmem>>, vector<1x16xf32>,
        %get3A_731 = vector.shape_cast %get3A_730 : vector<1x16xf32> to vector<16xf32>
        %mul3A_732 = vector.broadcast %squeeze3A_718 : f32 to vector<16xf32>
        %mul3A_733 = arith.mulf %mul3A_732, %get3A_731 : vector<16xf32>
        %add3A_734 = arith.addf %add3A_700, %mul3A_733 : vector<16xf32>
        %get3A_735 = arith.constant 13 : i32
        %get3A_736 = arith.index_cast %get3A_735 : i32 to index
        %get3A_737 = arith.constant 32 : index
        %get3A_738 = tpu.vector_load %arg20[%get3A_736, %get3A_737] {strides = array<i32>} : memref<16x64xf32, #tpu.memory_space<vmem>>, vector<1x16xf32>,
        %get3A_739 = vector.shape_cast %get3A_738 : vector<1x16xf32> to vector<16xf32>
        %mul3A_740 = vector.broadcast %squeeze3A_718 : f32 to vector<16xf32>
        %mul3A_741 = arith.mulf %mul3A_740, %get3A_739 : vector<16xf32>
        %add3A_742 = arith.addf %add3A_708, %mul3A_741 : vector<16xf32>
        %get3A_743 = arith.constant 13 : i32
        %get3A_744 = arith.index_cast %get3A_743 : i32 to index
        %get3A_745 = arith.constant 48 : index
        %get3A_746 = tpu.vector_load %arg20[%get3A_744, %get3A_745] {strides = array<i32>} : memref<16x64xf32, #tpu.memory_space<vmem>>, vector<1x16xf32>,
        %get3A_747 = vector.shape_cast %get3A_746 : vector<1x16xf32> to vector<16xf32>
        %mul3A_748 = vector.broadcast %squeeze3A_718 : f32 to vector<16xf32>
        %mul3A_749 = arith.mulf %mul3A_748, %get3A_747 : vector<16xf32>
        %add3A_750 = arith.addf %add3A_716, %mul3A_749 : vector<16xf32>
        %slice3A_751 = vector.extract_strided_slice %get3A_262 {offsets = [14], sizes = [1], strides = [1]} : vector<16xf32> to vector<1xf32>
        %squeeze3A_752 = vector.extract %slice3A_751[0] : f32 from vector<1xf32>
        %get3A_753 = arith.constant 14 : i32
        %get3A_754 = arith.index_cast %get3A_753 : i32 to index
        %get3A_755 = arith.constant 0 : index
        %get3A_756 = tpu.vector_load %arg20[%get3A_754, %get3A_755] {strides = array<i32>} : memref<16x64xf32, #tpu.memory_space<vmem>>, vector<1x16xf32>,
        %get3A_757 = vector.shape_cast %get3A_756 : vector<1x16xf32> to vector<16xf32>
        %mul3A_758 = vector.broadcast %squeeze3A_752 : f32 to vector<16xf32>
        %mul3A_759 = arith.mulf %mul3A_758, %get3A_757 : vector<16xf32>
        %add3A_760 = arith.addf %add3A_726, %mul3A_759 : vector<16xf32>
        %get3A_761 = arith.constant 14 : i32
        %get3A_762 = arith.index_cast %get3A_761 : i32 to index
        %get3A_763 = arith.constant 16 : index
        %get3A_764 = tpu.vector_load %arg20[%get3A_762, %get3A_763] {strides = array<i32>} : memref<16x64xf32, #tpu.memory_space<vmem>>, vector<1x16xf32>,
        %get3A_765 = vector.shape_cast %get3A_764 : vector<1x16xf32> to vector<16xf32>
        %mul3A_766 = vector.broadcast %squeeze3A_752 : f32 to vector<16xf32>
        %mul3A_767 = arith.mulf %mul3A_766, %get3A_765 : vector<16xf32>
        %add3A_768 = arith.addf %add3A_734, %mul3A_767 : vector<16xf32>
        %get3A_769 = arith.constant 14 : i32
        %get3A_770 = arith.index_cast %get3A_769 : i32 to index
        %get3A_771 = arith.constant 32 : index
        %get3A_772 = tpu.vector_load %arg20[%get3A_770, %get3A_771] {strides = array<i32>} : memref<16x64xf32, #tpu.memory_space<vmem>>, vector<1x16xf32>,
        %get3A_773 = vector.shape_cast %get3A_772 : vector<1x16xf32> to vector<16xf32>
        %mul3A_774 = vector.broadcast %squeeze3A_752 : f32 to vector<16xf32>
        %mul3A_775 = arith.mulf %mul3A_774, %get3A_773 : vector<16xf32>
        %add3A_776 = arith.addf %add3A_742, %mul3A_775 : vector<16xf32>
        %get3A_777 = arith.constant 14 : i32
        %get3A_778 = arith.index_cast %get3A_777 : i32 to index
        %get3A_779 = arith.constant 48 : index
        %get3A_780 = tpu.vector_load %arg20[%get3A_778, %get3A_779] {strides = array<i32>} : memref<16x64xf32, #tpu.memory_space<vmem>>, vector<1x16xf32>,
        %get3A_781 = vector.shape_cast %get3A_780 : vector<1x16xf32> to vector<16xf32>
        %mul3A_782 = vector.broadcast %squeeze3A_752 : f32 to vector<16xf32>
        %mul3A_783 = arith.mulf %mul3A_782, %get3A_781 : vector<16xf32>
        %add3A_784 = arith.addf %add3A_750, %mul3A_783 : vector<16xf32>
        %slice3A_785 = vector.extract_strided_slice %get3A_262 {offsets = [15], sizes = [1], strides = [1]} : vector<16xf32> to vector<1xf32>
        %squeeze3A_786 = vector.extract %slice3A_785[0] : f32 from vector<1xf32>
        %get3A_787 = arith.constant 15 : i32
        %get3A_788 = arith.index_cast %get3A_787 : i32 to index
        %get3A_789 = arith.constant 0 : index
        %get3A_790 = tpu.vector_load %arg20[%get3A_788, %get3A_789] {strides = array<i32>} : memref<16x64xf32, #tpu.memory_space<vmem>>, vector<1x16xf32>,
        %get3A_791 = vector.shape_cast %get3A_790 : vector<1x16xf32> to vector<16xf32>
        %mul3A_792 = vector.broadcast %squeeze3A_786 : f32 to vector<16xf32>
        %mul3A_793 = arith.mulf %mul3A_792, %get3A_791 : vector<16xf32>
        %add3A_794 = arith.addf %add3A_760, %mul3A_793 : vector<16xf32>
        %get3A_795 = arith.constant 15 : i32
        %get3A_796 = arith.index_cast %get3A_795 : i32 to index
        %get3A_797 = arith.constant 16 : index
        %get3A_798 = tpu.vector_load %arg20[%get3A_796, %get3A_797] {strides = array<i32>} : memref<16x64xf32, #tpu.memory_space<vmem>>, vector<1x16xf32>,
        %get3A_799 = vector.shape_cast %get3A_798 : vector<1x16xf32> to vector<16xf32>
        %mul3A_800 = vector.broadcast %squeeze3A_786 : f32 to vector<16xf32>
        %mul3A_801 = arith.mulf %mul3A_800, %get3A_799 : vector<16xf32>
        %add3A_802 = arith.addf %add3A_768, %mul3A_801 : vector<16xf32>
        %get3A_803 = arith.constant 15 : i32
        %get3A_804 = arith.index_cast %get3A_803 : i32 to index
        %get3A_805 = arith.constant 32 : index
        %get3A_806 = tpu.vector_load %arg20[%get3A_804, %get3A_805] {strides = array<i32>} : memref<16x64xf32, #tpu.memory_space<vmem>>, vector<1x16xf32>,
        %get3A_807 = vector.shape_cast %get3A_806 : vector<1x16xf32> to vector<16xf32>
        %mul3A_808 = vector.broadcast %squeeze3A_786 : f32 to vector<16xf32>
        %mul3A_809 = arith.mulf %mul3A_808, %get3A_807 : vector<16xf32>
        %add3A_810 = arith.addf %add3A_776, %mul3A_809 : vector<16xf32>
        %get3A_811 = arith.constant 15 : i32
        %get3A_812 = arith.index_cast %get3A_811 : i32 to index
        %get3A_813 = arith.constant 48 : index
        %get3A_814 = tpu.vector_load %arg20[%get3A_812, %get3A_813] {strides = array<i32>} : memref<16x64xf32, #tpu.memory_space<vmem>>, vector<1x16xf32>,
        %get3A_815 = vector.shape_cast %get3A_814 : vector<1x16xf32> to vector<16xf32>
        %mul3A_816 = vector.broadcast %squeeze3A_786 : f32 to vector<16xf32>
        %mul3A_817 = arith.mulf %mul3A_816, %get3A_815 : vector<16xf32>
        %add3A_818 = arith.addf %add3A_784, %mul3A_817 : vector<16xf32>
        %swap3A = arith.index_cast %scan3A_244 : i32 to index
        %swap3A_819 = arith.constant 0 : index
        %swap3A_820 = tpu.vector_load %arg17[%swap3A, %swap3A_819] {strides = array<i32>} : memref<512x64xf32, #tpu.memory_space<vmem>>, vector<1x16xf32>,
        %swap3A_821 = vector.shape_cast %swap3A_820 : vector<1x16xf32> to vector<16xf32>
        %swap3A_822 = vector.shape_cast %add3A_794 : vector<16xf32> to vector<1x16xf32>
        tpu.vector_store %arg17[%swap3A, %swap3A_819], %swap3A_822 {strides = array<i32>} : memref<512x64xf32, #tpu.memory_space<vmem>>, vector<1x16xf32>,
        %swap3A_823 = arith.index_cast %scan3A_244 : i32 to index
        %swap3A_824 = arith.constant 16 : index
        %swap3A_825 = tpu.vector_load %arg17[%swap3A_823, %swap3A_824] {strides = array<i32>} : memref<512x64xf32, #tpu.memory_space<vmem>>, vector<1x16xf32>,
        %swap3A_826 = vector.shape_cast %swap3A_825 : vector<1x16xf32> to vector<16xf32>
        %swap3A_827 = vector.shape_cast %add3A_802 : vector<16xf32> to vector<1x16xf32>
        tpu.vector_store %arg17[%swap3A_823, %swap3A_824], %swap3A_827 {strides = array<i32>} : memref<512x64xf32, #tpu.memory_space<vmem>>, vector<1x16xf32>,
        %swap3A_828 = arith.index_cast %scan3A_244 : i32 to index
        %swap3A_829 = arith.constant 32 : index
        %swap3A_830 = tpu.vector_load %arg17[%swap3A_828, %swap3A_829] {strides = array<i32>} : memref<512x64xf32, #tpu.memory_space<vmem>>, vector<1x16xf32>,
        %swap3A_831 = vector.shape_cast %swap3A_830 : vector<1x16xf32> to vector<16xf32>
        %swap3A_832 = vector.shape_cast %add3A_810 : vector<16xf32> to vector<1x16xf32>
        tpu.vector_store %arg17[%swap3A_828, %swap3A_829], %swap3A_832 {strides = array<i32>} : memref<512x64xf32, #tpu.memory_space<vmem>>, vector<1x16xf32>,
        %swap3A_833 = arith.index_cast %scan3A_244 : i32 to index
        %swap3A_834 = arith.constant 48 : index
        %swap3A_835 = tpu.vector_load %arg17[%swap3A_833, %swap3A_834] {strides = array<i32>} : memref<512x64xf32, #tpu.memory_space<vmem>>, vector<1x16xf32>,
        %swap3A_836 = vector.shape_cast %swap3A_835 : vector<1x16xf32> to vector<16xf32>
        %swap3A_837 = vector.shape_cast %add3A_818 : vector<16xf32> to vector<1x16xf32>
        tpu.vector_store %arg17[%swap3A_833, %swap3A_834], %swap3A_837 {strides = array<i32>} : memref<512x64xf32, #tpu.memory_space<vmem>>, vector<1x16xf32>,
      } else {
      }
    }
    %scan3A_243 = arith.constant 512 : i32
    "tpu.region"() ({
      %run_scoped3A = tpu.sem_alloc : memref<!tpu.dma_semaphore, #tpu.memory_space<semaphore_mem>>
      %dma_start3A_244 = arith.constant 0 : i32
      %dma_start3A_245 = arith.constant 0 : i32
      %dma_start3A_246 = tpu.memref_slice %arg11[%add3A, %dma_start3A_244, %dma_start3A_245] : memref<32x512x64xf32, #tpu.memory_space<hbm>> -> memref<1x512x64xf32, #tpu.memory_space<hbm>>
      %dma_start3A_247 = tpu.memref_squeeze %dma_start3A_246 : memref<1x512x64xf32, #tpu.memory_space<hbm>> -> memref<512x64xf32, #tpu.memory_space<hbm>>
      %dma_start3A_248 = arith.constant 0 : i32
      %dma_start3A_249 = arith.constant 0 : i32
      %dma_start3A_250 = tpu.memref_slice %arg11[%add3A, %dma_start3A_248, %dma_start3A_249] : memref<32x512x64xf32, #tpu.memory_space<hbm>> -> memref<1x512x64xf32, #tpu.memory_space<hbm>>
      %dma_start3A_251 = tpu.memref_squeeze %dma_start3A_250 : memref<1x512x64xf32, #tpu.memory_space<hbm>> -> memref<512x64xf32, #tpu.memory_space<hbm>>
      tpu.enqueue_dma source(%arg17 : memref<512x64xf32, #tpu.memory_space<vmem>>) target(%dma_start3A_251 : memref<512x64xf32, #tpu.memory_space<hbm>>) target_semaphore(%run_scoped3A : memref<!tpu.dma_semaphore, #tpu.memory_space<semaphore_mem>>)
      %dma_wait3A_252 = arith.constant 0 : i32
      %dma_wait3A_253 = arith.constant 0 : i32
      %dma_wait3A_254 = tpu.memref_slice %arg11[%add3A, %dma_wait3A_252, %dma_wait3A_253] : memref<32x512x64xf32, #tpu.memory_space<hbm>> -> memref<1x512x64xf32, #tpu.memory_space<hbm>>
      %dma_wait3A_255 = tpu.memref_squeeze %dma_wait3A_254 : memref<1x512x64xf32, #tpu.memory_space<hbm>> -> memref<512x64xf32, #tpu.memory_space<hbm>>
      %dma_wait3A_256 = arith.constant 0 : i32
      %dma_wait3A_257 = arith.constant 0 : i32
      %dma_wait3A_258 = tpu.memref_slice %arg11[%add3A, %dma_wait3A_256, %dma_wait3A_257] : memref<32x512x64xf32, #tpu.memory_space<hbm>> -> memref<1x512x64xf32, #tpu.memory_space<hbm>>
      %dma_wait3A_259 = tpu.memref_squeeze %dma_wait3A_258 : memref<1x512x64xf32, #tpu.memory_space<hbm>> -> memref<512x64xf32, #tpu.memory_space<hbm>>
      tpu.wait_dma2 semaphore(%run_scoped3A : memref<!tpu.dma_semaphore, #tpu.memory_space<semaphore_mem>>) src(%arg17 : memref<512x64xf32, #tpu.memory_space<vmem>>) dst(%dma_wait3A_259 : memref<512x64xf32, #tpu.memory_space<hbm>>)
      tpu.yield
    }) : () -> ()
    return
  }
}

</mosaic_0001>

<sc_bundles>
// kernel: _run.3.cloned.1.call-start
scs
__scs_entry_jumppad:
0x0: {  	(pc) =	sbr.rel $0x88, $3  }
0x1: {  	(tag) =	ssettag $0x0;
	lr =	simm.s32 $0x1  }
0x2: {  	[smem:$0x3F98] =	sst lr;
	_ =	strace $0xD0000000  }
0x3: {  	_ = 	snop  }
0x4: {  	_ = 	snop  }
0x5: {  	_ = 	snop  }
0x6: {  	_ = 	snop  }
0x7: {  	_ = 	snop  }
__scs_overlays_trampoline_lowered:
0x8: {  	[smem:$0x3FA7] =	sst s0  }
0x9: {  	[smem:$0x3FA8] =	sst s1  }
0xa: {  	[smem:$0x3FA9] =	sst s2  }
0xb: {  	[smem:$0x3FAA] =	sst s3  }
0xc: {  	[smem:$0x3FAB] =	sst s4  }
0xd: {  	[smem:$0x3FAC] =	sst s5  }
0xe: {  	[smem:$0x3FAD] =	sst s6  }
0xf: {  	[smem:$0x3FAE] =	sst s7  }
0x10: {  	[smem:$0x3FAF] =	sst s8  }
0x11: {  	[smem:$0x3FB0] =	sst s9;
	s0 =	simm.s32 @!p0 $0x0  }
0x12: {  	s1 =	sld [smem:$0x3F96];
	s0 =	simm.s32 @p0 $0x1  }
0x13: {  	[smem:$0x3FB1] =	sst s0;
	s0 =	simm.s32 @!p1 $0x0  }
0x14: {  	s2 =	sld [smem:$0x3F95];
	s0 =	simm.s32 @p1 $0x1  }
0x15: {  	[smem:$0x3FB2] =	sst s0;
	s0 =	simm.s32 @!p2 $0x0  }
0x16: {  	s3 =	sld [smem:$0x3FDB];
	s0 =	simm.s32 @p2 $0x1  }
0x17: {  	s4 =	simm.s32 $0x1BF5;
	[smem:$0x3FB4] =	sst s0  }
0x18: {  	s0 =	sld [smem:$0x3F97];
	_ =	swait.ge [sflag:s4], $0x0  }
0x19: {  	s7 =	sld [smem:$0x3F98]  }
0x1a: {  	s8 =	sadd.s32 $0xFFFFE003, lr  }
0x1b: {  	s9 =	sadd.s32 $0xFFFFFEF7, lr;
	s5 =	simm.s32 $0xFFFFFFFF;
	p2 =	slt.u32 s8, $0xFFFFF086  }
0x1c: {  	p1 =	slt.u32 s9, $0xF7A;
	s5 =	simm.s32 @!p2 $0x0  }
0x1d: {  	s5 =	simm.s32 @p1 $0x1;
	p0 =	seq.s32 s7, s2  }
0x1e: {  	s7 =	smul.u32 @!p0 $0xF7A, s2;
	p2 =	seq.s32 @!p0 s5, $0x0  }
0x1f: {  	s9 =	smul.u32 $0xF7A, s1;
	s8 =	simm.s32 @!p0 $0x1BF5;
	p2 =	por !p2, p0  }
0x20: {  	[sflag:s8] =	ssyncset.s32 @!p0 $0xFFFFF086;
	s6 =	sadd.s32 @!p0 s3, s7;
	s7 =	simm.s32 @!p0 $0x108  }
0x21: {  	s3 =	sadd.s32 s3, s9;
	s6 =	sadd.s32 @!p0 $0x88, s6;
	s7 =	simm.s32 @p2 $0x1082  }
0x22: {  	[simem:s7], [sflag:s8] =	dma.local @!p0 [hbm:s6], $0xF7A  }
0x23: {  	s9 =	sor.u32 $0xD0000000, s2;
	s6 =	simm.s32 $0x108;
	_ =	swait.ge @!p0 [sflag:s8], $0x0  }
0x24: {  	s3 =	sadd.s32 $0x88, s3;
	s6 =	simm.s32 @!p1 $0x1082;
	[sflag:s4] =	ssyncset.s32 $0xFFFFF086  }
0x25: {  	[simem:s6], [sflag:s4] =	dma.local [hbm:s3], $0xF7A  }
0x26: {  	[smem:$0x3F98] =	sst s1;
	(tag) =	ssettag s2;
	_ =	strace s9  }
0x27: {  	s1 =	sld [smem:$0x3FA8]  }
0x28: {  	s2 =	sld [smem:$0x3FA9]  }
0x29: {  	s4 =	sld [smem:$0x3FAB]  }
0x2a: {  	p0 =	seq.s32 s5, $0x0;
	s5 =	sld [smem:$0x3FAC]  }
0x2b: {  	s6 =	sld [smem:$0x3FAD]  }
0x2c: {  	s7 =	sld [smem:$0x3FAE]  }
0x2d: {  	s3 =	simm.s32 $0x108;
	s8 =	sld [smem:$0x3FAF]  }
0x2e: {  	s3 =	simm.s32 @!p0 $0x1082;
	s9 =	sld [smem:$0x3FB0]  }
0x2f: {  	lr =	sadd.s32 s0, s3;
	s0 =	sld [smem:$0x3FA7]  }
0x30: {  	s3 =	sld [smem:$0x3FAA]  }
0x31: {  	[smem:$0x3FB3] =	sst s10  }
0x32: {  	s10 =	sld [smem:$0x3FB1];
	_ =	sdelay $0x3  }
0x33: {  	p0 =	seq.s32 s10, $0x1;
	s10 =	sld [smem:$0x3FB3];
	_ =	sdelay $0x3  }
0x34: {  	[smem:$0x3FB3] =	sst s10  }
0x35: {  	s10 =	sld [smem:$0x3FB2];
	_ =	sdelay $0x3  }
0x36: {  	p1 =	seq.s32 s10, $0x1;
	s10 =	sld [smem:$0x3FB3];
	_ =	sdelay $0x3  }
0x37: {  	[smem:$0x3FB3] =	sst s10  }
0x38: {  	s10 =	sld [smem:$0x3FB4]  }
0x39: {  	_ = 	snop;
	(pc) =	sbr.ind lr, $3  }
0x3a: {  	_ = 	snop  }
0x3b: {  	_ = 	snop  }
0x3c: {  	p2 =	seq.s32 s10, $0x1;
	s10 =	sld [smem:$0x3FB3]  }
0x3d: {  	_ =	shalt  }
0x3e: {  	_ =	shalt  }
0x3f: {  	_ =	shalt  }
0x40: {  	_ =	shalt  }
0x41: {  	_ =	shalt  }
0x42: {  	_ =	shalt  }
0x43: {  	_ =	shalt  }
0x44: {  	_ =	shalt  }
0x45: {  	_ =	shalt  }
0x46: {  	_ =	shalt  }
0x47: {  	_ =	shalt  }
0x48: {  	_ =	shalt  }
0x49: {  	_ =	shalt  }
0x4a: {  	_ =	shalt  }
0x4b: {  	_ =	shalt  }
0x4c: {  	_ =	shalt  }
0x4d: {  	_ =	shalt  }
0x4e: {  	_ =	shalt  }
0x4f: {  	_ =	shalt  }
0x50: {  	_ =	shalt  }
0x51: {  	_ =	shalt  }
0x52: {  	_ =	shalt  }
0x53: {  	_ =	shalt  }
0x54: {  	_ =	shalt  }
0x55: {  	_ =	shalt  }
0x56: {  	_ =	shalt  }
0x57: {  	_ =	shalt  }
0x58: {  	_ =	shalt  }
0x59: {  	_ =	shalt  }
0x5a: {  	_ =	shalt  }
0x5b: {  	_ =	shalt  }
0x5c: {  	_ =	shalt  }
0x5d: {  	_ =	shalt  }
0x5e: {  	_ =	shalt  }
0x5f: {  	_ =	shalt  }
0x60: {  	_ =	shalt  }
0x61: {  	_ =	shalt  }
0x62: {  	_ =	shalt  }
0x63: {  	_ =	shalt  }
0x64: {  	_ =	shalt  }
0x65: {  	_ =	shalt  }
0x66: {  	_ =	shalt  }
0x67: {  	_ =	shalt  }
0x68: {  	_ =	shalt  }
0x69: {  	_ =	shalt  }
0x6a: {  	_ =	shalt  }
0x6b: {  	_ =	shalt  }
0x6c: {  	_ =	shalt  }
0x6d: {  	_ =	shalt  }
0x6e: {  	_ =	shalt  }
0x6f: {  	_ =	shalt  }
0x70: {  	_ =	shalt  }
0x71: {  	_ =	shalt  }
0x72: {  	_ =	shalt  }
0x73: {  	_ =	shalt  }
0x74: {  	_ =	shalt  }
0x75: {  	_ =	shalt  }
0x76: {  	_ =	shalt  }
0x77: {  	_ =	shalt  }
0x78: {  	_ =	shalt  }
0x79: {  	_ =	shalt  }
0x7a: {  	_ =	shalt  }
0x7b: {  	_ =	shalt  }
0x7c: {  	_ =	shalt  }
0x7d: {  	_ =	shalt  }
0x7e: {  	_ =	shalt  }
0x7f: {  	_ =	shalt  }
0x80: {  	_ =	shalt  }
0x81: {  	_ =	shalt  }
0x82: {  	_ =	shalt  }
0x83: {  	_ =	shalt  }
0x84: {  	_ =	shalt  }
0x85: {  	_ =	shalt  }
0x86: {  	_ =	shalt  }
0x87: {  	_ =	shalt  }
.Lfunc_end0:
.L_simem_size_0:
called_computation_lowered:
.L_overlay_start_0:
0x88: {  	s2 =	sld [smem:$0x3FD9]  }
0x89: {  	s3 =	sld [smem:$0x3FFE];
	_ =	sdelay $0x1  }
0x8a: {  	s1 =	srdreg.scid  }
0x8b: {  	s0 =	sand.u32 $0x1, s1  }
0x8c: {  	s17 =	sshll.u32 s0, $0xA;
	s2 =	sadd.s32 s3, s2  }
0x8d: {  	s2 =	sadd.s32 s2, s17  }
0x8e: {  	[smem:$0x3FBF] =	sst s2  }
0x8f: {  	_ = 	snop  }
0x90: {  	s2 =	sld [smem:$0x3FC9]  }
0x91: {  	s18 =	sld [smem:$0x3FC3]  }
0x92: {  	s4 =	sld [smem:$0x3FC1]  }
0x93: {  	s5 =	sld [smem:$0x3FD0];
	(tm) =	ssettm $0x1  }
0x94: {  	s6 =	sld [smem:$0x3FFB];
	_ =	sdelay $0x3  }
0x95: {  	_ =	strace s6  }
0x96: {  	s6 =	sld [smem:$0x3FFC];
	_ =	sdelay $0x3  }
0x97: {  	_ =	strace s6  }
0x98: {  	s6 =	sld [smem:$0x3FFD];
	_ =	sdelay $0x3  }
0x99: {  	_ =	strace s6  }
0x9a: {  	_ =	strace $0x8FFFFFFF  }
0x9b: {  	s19 =	sld [smem:$0x3FDB];
	_ =	sdelay $0x1  }
0x9c: {  	s7 =	simm.s32 $_scs_section_size  }
0x9d: {  	s8 =	simm.s32 $_size__tile_overlayer_lowered;
	s9 =	simm.s32 $_tile_overlayer_lowered  }
0x9e: {  	s22 =	simm.s32 $0x1BFF;
	s21 =	sshll.u32 s9, $0x1;
	s6 =	sadd.s32 s7, s19  }
0x9f: {  	s10 =	simm.s32 $0x0;
	s20 =	sshll.u32 s8, $0x1;
	s8 =	sadd.s32 s21, s6  }
0xa0: {  	[timem:s10], [sflag:s22] =	dma.local [hbm:s8], s20  }
0xa1: {  	_ =	swait.ge [sflag:s22], s20  }
0xa2: {  	s7 =	ssub.s32 $0x0, s20;
	[sflag:s22] =	ssyncset.done $0x0  }
0xa3: {  	[sflag:s22] =	ssyncadd.s32 s7;
	_ =	sdelay $0x1  }
0xa4: {  	s23 =	simm.s32 $0x1B8B  }
0xa5: {  	_ =	swait.ge [sflag:s23], $0x1  }
0xa6: {  	[sflag:s23] =	ssyncset.done $0x0  }
0xa7: {  	s25 =	simm.s32 $0x1B8E;
	s24 =	sld [smem:$0x3FFE];
	[sflag:s23] =	ssyncadd.s32 $0xFFFFFFFF  }
0xa8: {  	s26 =	simm.s32 $execute0_lowered;
	[smem:$0x3FD2] =	sst s25  }
0xa9: {  	s8 =	sshll.u32 s26, $0x1;
	_ =	strace $0x80000046;
	[dreg:$0x1] =	wrdreg $0xFFFFFFFF  }
0xaa: {  	s28 =	simm.s32 $_size_execute0_lowered;
	s6 =	sadd.s32 s6, s8;
	[dreg:$0x0] =	wrdreg $0x0  }
0xab: {  	s8 =	sshll.u32 s28, $0x1;
	[dreg:$0x2] =	wrdreg s6  }
0xac: {  	[dreg:$0x3] =	wrdreg s8  }
0xad: {  	[dreg:$0x4] =	wrdreg $0xC0  }
0xae: {  	_ =	task [dreg:s10], $0x5FFFF  }
0xaf: {  	[dreg:$0x1] =	wrdreg $0xFFFFFFFF  }
0xb0: {  	[dreg:$0x0] =	wrdreg $0x60  }
0xb1: {  	[dreg:$0x2] =	wrdreg s2  }
0xb2: {  	[dreg:$0x3] =	wrdreg s24  }
0xb3: {  	[dreg:$0x4] =	wrdreg s18  }
0xb4: {  	[dreg:$0x5] =	wrdreg s4  }
0xb5: {  	[dreg:$0x6] =	wrdreg s5  }
0xb6: {  	[dreg:$0x7] =	wrdreg $0x9  }
0xb7: {  	_ =	task.clear_ibuf [dreg:s10], $0x8FFFF;
	_ =	strace $0x90000046  }
0xb8: {  	s29 =	simm.s32 $0x9;
	_ =	strace $0x80000048  }
0xb9: {  	_ =	swait.ge [sflag:s29], $0x1  }
0xba: {  	[sflag:s29] =	ssyncadd.s32 $0xFFFFFFFF  }
0xbb: {  	_ =	strace $0x90000048  }
0xbc: {  	_ =	sfence  }
0xbd: {  	s30 =	sld [smem:$0x0];
	_ =	sdelay $0x2  }
0xbe: {  	s31 =	sshll.u32 s1, $0xD;
	s1 =	sshrl.u32 s1, $0x2  }
0xbf: {  	s3 =	sand.u32 $0x4000, s31;
	s1 =	sadd.s32 s1, s30  }
0xc0: {  	s0 =	sor.u32 s3, s0;
	s1 =	sshll.u32 s1, $0x11  }
0xc1: {  	s0 =	sor.u32 s1, s0  }
0xc2: {  	s0 =	sadd.s32 $0x8F2B, s0  }
0xc3: {  	[sflag:s0] =	ssyncadd.remote.s32 $0x1  }
0xc4: {  	_ =	sfence.sel $0xFFFF  }
0xc5: {  	[dreg:$0x0] =	wrdreg $0xFFFFFFFF;
	(pc) =	sbr.abs _section_cstart, $3  }
0xc6: {  	[dreg:$0x1] =	wrdreg $0xFFFFFFFF  }
0xc7: {  	_ =	task.clear_ibuf [dreg:s10], $0x2FFFF;
	_ =	strace $0x9FFFFFFF  }
0xc8: {  	(tm) =	ssettm $0x7FFFFFFF  }
0xc9: {  	_ =	shalt  }
tec
execute0_lowered:
.L_overlay_start_1:
0x0: {  	(tag) =	ssettag $0x1  }
0x1: {  	s0 =	rddreg [dreg:$0x0]  }
0x2: {  	s1 =	rddreg [dreg:$0x1]  }
0x3: {  	s2 =	rddreg [dreg:$0x4];
	s3 =	srdreg.scid  }
0x4: {  	s5 =	stileid.u32;
	s4 =	simm.s32 $0x0;
	s14 =	simm.s32 $0x2  }
0x5: {  	s19 =	simm.s32 $0x80;
	s22 =	simm.s32 $0x2410;
	s23 =	simm.s32 $0x9410  }
0x6: {  	s24 =	simm.s32 $0xCC10;
	s28 =	simm.s32 $0xA410;
	s29 =	simm.s32 $0xD410  }
0x7: {  	s30 =	simm.s32 $0x180;
	s31 =	simm.s32 $0x6410;
	s15 =	simm.s32 $0x0  }
0x8: {  	s3 =	sand.u32 $0x1, s3;
	s5 =	sshll.u32 s5, $0x1;
	[smem:$0x7FF] =	sst s4  }
0x9: {  	s6 =	sadd.s32 $0xF43000, s1;
	s7 =	sadd.s32 $0x1313A00, s1;
	s8 =	sadd.s32 $0x1400, s1  }
0xa: {  	s9 =	sadd.s32 $0x1600, s1;
	s12 =	sor.u32 s3, s5;
	_ =	strace $0x80000047  }
0xb: {  	s5 =	sadd.s32 $0x187600, s1;
	s3 =	ssub.s32 $0x2, s3;
	s10 =	sshll.u32 s12, $0x6  }
.Ltmp0:
0xc: {  	s13 =	sshrl.u32 s3, $0x1;
	s26 =	sshll.u32 s12, $0xC;
	(pc) =	sbr.rel .LBB2_1-.Ltmp0, $4  }
0xd: {  	s11 =	sadd.s32 s10, s1;
	s25 =	ssub.s32 s3, s13;
	s10 =	sadd.s32 s0, s10  }
0xe: {  	s12 =	sadd.s32 s2, s26;
	s26 =	simm.s32 $0x4410;
	s0 =	simm.s32 $0xB410  }
0xf: {  	s2 =	simm.s32 $0xDC10;
	s1 =	simm.s32 $0x1;
	s3 =	simm.s32 $0xE410  }
0x10: {  	s11 =	sadd.s32 $0xC00, s11;
	s13 =	smax.u32 s25, $0x1;
	s25 =	simm.s32 $0x100  }
.LBB2_8:
0x11: {  	s15 =	sadd.s32 $0x1, s15  }
0x12: {  	p0 =	sne.s32 s15, s13  }
.Ltmp1:
0x13: {  	_ = 	snop;
	(pc) =	sbr.rel @!p0 .LBB2_9-.Ltmp1, $4  }
0x14: {  	[hbm4b:s12+s4] =	stream.linear.scatter [tilespmem:s3], [sflag:$0x2], $0x8000, $0x38;
	[tilespmem:$0x17090] =	vst v63  }
0x15: {  	_ =	swait.ge [sflag:s14], $0x8000  }
0x16: {  	[sflag:s14] =	ssyncset.done $0x0  }
0x17: {  	[sflag:s14] =	ssyncadd.s32 $0xFFFF8000  }
.LBB2_1:
0x18: {  	[tilespmem:s4], [sflag:$0x2] =	stream.linear.gather [hbm4b:s10+s4], $0x200, $0x38;
	[tilespmem:$0x17090] =	vst v63  }
0x19: {  	_ =	swait.ge [sflag:s14], $0x200  }
0x1a: {  	[sflag:s14] =	ssyncset.done $0x0  }
0x1b: {  	s16 =	simm.s32 $0x200;
	[sflag:s14] =	ssyncadd.s32 $0xFFFFFE00  }
0x1c: {  	[tilespmem:s16], [sflag:$0x2] =	stream.linear.gather [hbm4b:s11+s4], $0x200, $0x38;
	[tilespmem:$0x17090] =	vst v63  }
0x1d: {  	_ =	swait.ge [sflag:s14], $0x200  }
0x1e: {  	[sflag:s14] =	ssyncset.done $0x0  }
0x1f: {  	s17 =	simm.s32 $0x16410;
	[sflag:s14] =	ssyncadd.s32 $0xFFFFFE00  }
0x20: {  	[tilespmem:s17], [sflag:$0x2] =	stream.linear.gather [hbm4b:s8+s4], $0x800, $0x38;
	[tilespmem:$0x17090] =	vst v63  }
0x21: {  	_ =	swait.ge [sflag:s14], $0x800  }
0x22: {  	[sflag:s14] =	ssyncset.done $0x0  }
0x23: {  	[sflag:s14] =	ssyncadd.s32 $0xFFFFF800  }
0x24: {  	s18 =	simm.s32 $0x16C10;
	s21 =	rddreg [dreg:$0x2]  }
0x25: {  	[tilespmem:s18], [sflag:$0x2] =	stream.linear.gather [hbm4b:s21+s4], $0x40, $0x38;
	[tilespmem:$0x17090] =	vst v63  }
0x26: {  	_ =	swait.ge [sflag:s14], $0x40  }
0x27: {  	[sflag:s14] =	ssyncset.done $0x0  }
0x28: {  	s18 =	simm.s32 $0x16C50;
	[sflag:s14] =	ssyncadd.s32 $0xFFFFFFC0  }
0x29: {  	[tilespmem:s18], [sflag:$0x2] =	stream.linear.gather [hbm4b:s9+s4], $0x400, $0x38;
	[tilespmem:$0x17090] =	vst v63  }
0x2a: {  	_ =	swait.ge [sflag:s14], $0x400  }
0x2b: {  	[sflag:s14] =	ssyncset.done $0x0  }
0x2c: {  	[sflag:s14] =	ssyncadd.s32 $0xFFFFFC00  }
0x2d: {  	s21 =	simm.s32 $0x17050;
	s20 =	rddreg [dreg:$0x3]  }
0x2e: {  	[tilespmem:s21], [sflag:$0x2] =	stream.linear.gather [hbm4b:s20+s4], $0x40, $0x38;
	[tilespmem:$0x17090] =	vst v63  }
0x2f: {  	_ =	swait.ge [sflag:s14], $0x40  }
0x30: {  	[sflag:s14] =	ssyncset.done $0x0  }
0x31: {  	s20 =	simm.s32 $0x410;
	[sflag:s14] =	ssyncadd.s32 $0xFFFFFFC0  }
0x32: {  	[tilespmem:s20], [sflag:$0x1] =	stream.indirect.gather [hbm4b:s5+s19], $0x40, s4, s19, $0xb8;
	[tilespmem:$0x17090] =	vst v63  }
0x33: {  	s21 =	simm.s32 $0x8410  }
0x34: {  	[tilespmem:s21], [sflag:$0x1] =	stream.indirect.gather [hbm4b:s6+s19], $0x20, s4, s19, $0xb8;
	[tilespmem:$0x17090] =	vst v63  }
0x35: {  	s17 =	simm.s32 $0xC410  }
0x36: {  	[tilespmem:s17], [sflag:$0x1] =	stream.indirect.gather [hbm4b:s7+s19], $0x10, s4, s19, $0xb8;
	[tilespmem:$0x17090] =	vst v63  }
0x37: {  	_ = 	snop  }
0x38: {  	[tilespmem:s22], [sflag:$0x1] =	stream.indirect.gather [hbm4b:s5+s19], $0x40, s19, s19, $0xb8;
	[tilespmem:$0x17090] =	vst v63  }
0x39: {  	_ = 	snop  }
0x3a: {  	[tilespmem:s23], [sflag:$0x1] =	stream.indirect.gather [hbm4b:s6+s19], $0x20, s19, s19, $0xb8;
	[tilespmem:$0x17090] =	vst v63  }
0x3b: {  	_ = 	snop  }
0x3c: {  	[tilespmem:s24], [sflag:$0x1] =	stream.indirect.gather [hbm4b:s7+s19], $0x10, s19, s19, $0xb8;
	[tilespmem:$0x17090] =	vst v63  }
0x3d: {  	_ = 	snop  }
0x3e: {  	[tilespmem:s26], [sflag:$0x1] =	stream.indirect.gather [hbm4b:s5+s19], $0x40, s25, s19, $0xb8;
	[tilespmem:$0x17090] =	vst v63  }
0x3f: {  	_ = 	snop  }
0x40: {  	[tilespmem:s28], [sflag:$0x1] =	stream.indirect.gather [hbm4b:s6+s19], $0x20, s25, s19, $0xb8;
	[tilespmem:$0x17090] =	vst v63  }
0x41: {  	_ = 	snop  }
0x42: {  	[tilespmem:s29], [sflag:$0x1] =	stream.indirect.gather [hbm4b:s7+s19], $0x10, s25, s19, $0xb8;
	[tilespmem:$0x17090] =	vst v63  }
0x43: {  	_ = 	snop  }
0x44: {  	[tilespmem:s31], [sflag:$0x1] =	stream.indirect.gather [hbm4b:s5+s19], $0x40, s30, s19, $0xb8;
	[tilespmem:$0x17090] =	vst v63  }
0x45: {  	_ = 	snop  }
0x46: {  	[tilespmem:s0], [sflag:$0x1] =	stream.indirect.gather [hbm4b:s6+s19], $0x20, s30, s19, $0xb8;
	[tilespmem:$0x17090] =	vst v63  }
0x47: {  	_ = 	snop  }
0x48: {  	[tilespmem:s2], [sflag:$0x1] =	stream.indirect.gather [hbm4b:s7+s19], $0x10, s30, s19, $0xb8;
	[tilespmem:$0x17090] =	vst v63  }
0x49: {  	_ =	swait.ge [sflag:s1], $0x2000  }
0x4a: {  	[sflag:s1] =	ssyncset.done $0x0  }
0x4b: {  	[sflag:s1] =	ssyncadd.s32 $0xFFFFE000  }
0x4c: {  	_ =	swait.ge [sflag:s1], $0x1000  }
0x4d: {  	[sflag:s1] =	ssyncset.done $0x0  }
0x4e: {  	[sflag:s1] =	ssyncadd.s32 $0xFFFFF000  }
0x4f: {  	_ =	swait.ge [sflag:s1], $0x800  }
0x50: {  	[sflag:s1] =	ssyncset.done $0x0  }
0x51: {  	[sflag:s1] =	ssyncadd.s32 $0xFFFFF800  }
0x52: {  	_ =	swait.ge [sflag:s1], $0x2000  }
0x53: {  	[sflag:s1] =	ssyncset.done $0x0  }
0x54: {  	[sflag:s1] =	ssyncadd.s32 $0xFFFFE000  }
0x55: {  	_ =	swait.ge [sflag:s1], $0x1000  }
0x56: {  	[sflag:s1] =	ssyncset.done $0x0  }
0x57: {  	[sflag:s1] =	ssyncadd.s32 $0xFFFFF000  }
0x58: {  	_ =	swait.ge [sflag:s1], $0x800  }
0x59: {  	[sflag:s1] =	ssyncset.done $0x0  }
0x5a: {  	[sflag:s1] =	ssyncadd.s32 $0xFFFFF800  }
0x5b: {  	_ =	swait.ge [sflag:s1], $0x2000  }
0x5c: {  	[sflag:s1] =	ssyncset.done $0x0  }
0x5d: {  	[sflag:s1] =	ssyncadd.s32 $0xFFFFE000  }
0x5e: {  	_ =	swait.ge [sflag:s1], $0x1000  }
0x5f: {  	[sflag:s1] =	ssyncset.done $0x0  }
0x60: {  	[sflag:s1] =	ssyncadd.s32 $0xFFFFF000  }
0x61: {  	_ =	swait.ge [sflag:s1], $0x800  }
0x62: {  	[sflag:s1] =	ssyncset.done $0x0  }
0x63: {  	[sflag:s1] =	ssyncadd.s32 $0xFFFFF800  }
0x64: {  	_ =	swait.ge [sflag:s1], $0x2000  }
0x65: {  	[sflag:s1] =	ssyncset.done $0x0  }
0x66: {  	[sflag:s1] =	ssyncadd.s32 $0xFFFFE000  }
0x67: {  	_ =	swait.ge [sflag:s1], $0x1000  }
.Ltmp2:
0x68: {  	[sflag:s1] =	ssyncset.done $0x0;
	(pc) =	sbr.rel .LBB2_2-.Ltmp2, $4  }
0x69: {  	[sflag:s1] =	ssyncadd.s32 $0xFFFFF000  }
0x6a: {  	_ =	swait.ge [sflag:s1], $0x800  }
0x6b: {  	[sflag:s1] =	ssyncset.done $0x0  }
0x6c: {  	s18 =	simm.s32 $0x8420;
	s20 =	simm.s32 $0x0;
	[sflag:s1] =	ssyncadd.s32 $0xFFFFF800  }
.LBB2_5:
0x6d: {  	v1 =	vld [tilespmem:s18+$0xFFFFFFF0]  }
0x6e: {  	v0 =	vld [tilespmem:s18+$0x0]  }
0x6f: {  	v2 =	vld [tilespmem:$0x16C10]  }
0x70: {  	v3 =	vld [tilespmem:$0x16C20]  }
0x71: {  	v4 =	vld [tilespmem:$0x16C30]  }
0x72: {  	v5 =	vld [tilespmem:$0x16C40]  }
0x73: {  	v6 =	vld [tilespmem:$0x16410]  }
0x74: {  	v7 =	vld [tilespmem:$0x16420]  }
0x75: {  	v8 =	vld [tilespmem:$0x16430]  }
0x76: {  	v9 =	vld [tilespmem:$0x16440]  }
0x77: {  	v10 =	vld [tilespmem:$0x16450]  }
0x78: {  	v11 =	vld [tilespmem:$0x16460]  }
0x79: {  	v12 =	vld [tilespmem:$0x16470]  }
0x7a: {  	v13 =	vld [tilespmem:$0x16480]  }
0x7b: {  	v14 =	vld [tilespmem:$0x16490]  }
0x7c: {  	v15 =	vld [tilespmem:$0x164A0]  }
0x7d: {  	v16 =	vld [tilespmem:$0x164B0]  }
0x7e: {  	v17 =	vld [tilespmem:$0x164C0]  }
0x7f: {  	v18 =	vld [tilespmem:$0x164D0]  }
0x80: {  	v19 =	vld [tilespmem:$0x164E0]  }
0x81: {  	v20 =	vld [tilespmem:$0x164F0]  }
0x82: {  	v21 =	vld [tilespmem:$0x16500]  }
0x83: {  	v22 =	vld [tilespmem:$0x16510]  }
0x84: {  	v23 =	vld [tilespmem:$0x16520]  }
0x85: {  	v24 =	vld [tilespmem:$0x16530]  }
0x86: {  	v25 =	vld [tilespmem:$0x16540]  }
0x87: {  	v26 =	vld [tilespmem:$0x16550]  }
0x88: {  	v27 =	vld [tilespmem:$0x16560]  }
0x89: {  	v28 =	vld [tilespmem:$0x16570]  }
0x8a: {  	v29 =	vld [tilespmem:$0x16580]  }
0x8b: {  	v30 =	vld [tilespmem:$0x16590]  }
0x8c: {  	v31 =	vld [tilespmem:$0x165A0]  }
0x8d: {  	v32 =	vld [tilespmem:$0x165B0]  }
0x8e: {  	v33 =	vld [tilespmem:$0x165C0]  }
0x8f: {  	v34 =	vld [tilespmem:$0x165D0]  }
0x90: {  	v35 =	vld [tilespmem:$0x165E0]  }
0x91: {  	v36 =	vld [tilespmem:$0x165F0]  }
0x92: {  	v37 =	vld [tilespmem:$0x16600]  }
0x93: {  	v38 =	vld [tilespmem:$0x16610]  }
0x94: {  	v39 =	vld [tilespmem:$0x16620]  }
0x95: {  	v40 =	vld [tilespmem:$0x16630]  }
0x96: {  	v42 =	vld [tilespmem:$0x16640]  }
0x97: {  	v43 =	vld [tilespmem:$0x16650];
	v41 =	vbroadcast v1, $0x0;
	v45 =	vbroadcast v1, $0x1  }
0x98: {  	v44 =	vld [tilespmem:$0x16660];
	v58 =	vbroadcast v1, $0x2;
	v50 =	vbroadcast v1, $0x4  }
0x99: {  	v46 =	vld [tilespmem:$0x16670];
	v6 =	vmul.f32 v6, v41;
	v7 =	vmul.f32 v7, v41  }
0x9a: {  	v8 =	vmul.f32 v8, v41;
	v55 =	vmul.f32 v9, v41;
	v9 =	vld [tilespmem:$0x16680]  }
0x9b: {  	v56 =	vmul.f32 v10, v45;
	v57 =	vmul.f32 v11, v45;
	v11 =	vld [tilespmem:$0x166A0]  }
0x9c: {  	v59 =	vmul.f32 v12, v45;
	v60 =	vmul.f32 v13, v45;
	v13 =	vld [tilespmem:$0x166B0]  }
0x9d: {  	v61 =	vmul.f32 v14, v58;
	v62 =	vmul.f32 v15, v58;
	v15 =	vld [tilespmem:$0x166C0]  }
0x9e: {  	v63 =	vmul.f32 v16, v58;
	v45 =	vbroadcast v1, $0x3;
	v41 =	vld [tilespmem:$0x166D0]  }
0x9f: {  	v47 =	vmul.f32 v17, v58;
	v10 =	vld [tilespmem:$0x166E0];
	v52 =	vmul.f32 v22, v50  }
0xa0: {  	v12 =	vld [tilespmem:$0x166F0];
	v53 =	vmul.f32 v23, v50;
	v54 =	vmul.f32 v24, v50  }
0xa1: {  	v17 =	vld [tilespmem:$0x16700];
	v2 =	vadd.f32 v6, v2;
	v3 =	vadd.f32 v7, v3;
	v48 =	vmul.f32 v18, v45  }
0xa2: {  	v22 =	vld [tilespmem:$0x16730];
	v4 =	vadd.f32 v8, v4;
	v49 =	vmul.f32 v19, v45;
	v51 =	vmul.f32 v20, v45  }
0xa3: {  	v14 =	vld [tilespmem:$0x16740];
	v5 =	vadd.f32 v55, v5;
	v16 =	vmul.f32 v21, v45;
	v55 =	vbroadcast v1, $0x5  }
0xa4: {  	v23 =	vld [tilespmem:$0x16760];
	v2 =	vadd.f32 v56, v2;
	v3 =	vadd.f32 v57, v3;
	v56 =	vmul.f32 v25, v50  }
0xa5: {  	v24 =	vld [tilespmem:$0x16770];
	v4 =	vadd.f32 v59, v4;
	v57 =	vmul.f32 v26, v55;
	v58 =	vmul.f32 v27, v55  }
0xa6: {  	v8 =	vld [tilespmem:$0x16690];
	v5 =	vadd.f32 v60, v5;
	v59 =	vbroadcast v1, $0x6;
	v60 =	vmul.f32 v28, v55  }
0xa7: {  	v18 =	vld [tilespmem:$0x16710];
	v21 =	vmul.f32 v29, v55;
	v2 =	vadd.f32 v61, v2;
	v3 =	vadd.f32 v62, v3  }
0xa8: {  	v20 =	vld [tilespmem:$0x16720];
	v4 =	vadd.f32 v63, v4;
	v61 =	vmul.f32 v30, v59;
	v62 =	vmul.f32 v31, v59  }
0xa9: {  	v19 =	vld [tilespmem:$0x167A0];
	v5 =	vadd.f32 v47, v5;
	v63 =	vmul.f32 v32, v59;
	v32 =	vbroadcast v1, $0x7  }
0xaa: {  	v6 =	vld [tilespmem:$0x16980];
	v45 =	vmul.f32 v33, v59;
	v2 =	vadd.f32 v48, v2;
	v3 =	vadd.f32 v49, v3  }
0xab: {  	v26 =	vld [tilespmem:$0x16780];
	v4 =	vadd.f32 v51, v4;
	v47 =	vmul.f32 v34, v32;
	v48 =	vmul.f32 v35, v32  }
0xac: {  	v28 =	vld [tilespmem:$0x16790];
	v5 =	vadd.f32 v16, v5;
	v49 =	vbroadcast v1, $0x8;
	v50 =	vmul.f32 v36, v32  }
0xad: {  	v29 =	vld [tilespmem:$0x167C0];
	v27 =	vmul.f32 v37, v32;
	v2 =	vadd.f32 v52, v2;
	v3 =	vadd.f32 v53, v3  }
0xae: {  	v25 =	vld [tilespmem:$0x16800];
	v4 =	vadd.f32 v54, v4;
	v51 =	vmul.f32 v38, v49;
	v52 =	vmul.f32 v39, v49  }
0xaf: {  	v30 =	vld [tilespmem:$0x167D0];
	v5 =	vadd.f32 v56, v5;
	v53 =	vmul.f32 v40, v49;
	v54 =	vbroadcast v1, $0x9  }
0xb0: {  	v33 =	vld [tilespmem:$0x16830];
	v55 =	vmul.f32 v42, v49;
	v39 =	vbroadcast v1, $0xC;
	v2 =	vadd.f32 v57, v2  }
0xb1: {  	v16 =	vld [tilespmem:$0x16750];
	v3 =	vadd.f32 v58, v3;
	v56 =	vmul.f32 v43, v54;
	v57 =	vmul.f32 v44, v54  }
0xb2: {  	v32 =	vld [tilespmem:$0x167E0];
	v4 =	vadd.f32 v60, v4;
	v58 =	vbroadcast v1, $0xA;
	v59 =	vmul.f32 v46, v54  }
0xb3: {  	v34 =	vld [tilespmem:$0x167F0];
	v5 =	vadd.f32 v21, v5;
	v9 =	vmul.f32 v9, v54;
	v42 =	vmul.f32 v18, v39  }
0xb4: {  	v35 =	vld [tilespmem:$0x16820];
	v43 =	vmul.f32 v20, v39;
	v46 =	vbroadcast v1, $0xD;
	v2 =	vadd.f32 v61, v2  }
0xb5: {  	v36 =	vld [tilespmem:$0x16850];
	v3 =	vadd.f32 v62, v3;
	v60 =	vmul.f32 v8, v58;
	v61 =	vmul.f32 v11, v58  }
0xb6: {  	v49 =	vld [tilespmem:$0x168C0];
	v4 =	vadd.f32 v63, v4;
	v62 =	vmul.f32 v13, v58;
	v63 =	vbroadcast v1, $0xB  }
0xb7: {  	v21 =	vld [tilespmem:$0x167B0];
	v5 =	vadd.f32 v45, v5;
	v31 =	vmul.f32 v15, v58;
	v45 =	vmul.f32 v22, v39  }
0xb8: {  	v44 =	vld [tilespmem:$0x168A0];
	v54 =	vmul.f32 v26, v46;
	v2 =	vadd.f32 v47, v2;
	v3 =	vadd.f32 v48, v3  }
0xb9: {  	v20 =	vld [tilespmem:$0x168F0];
	v4 =	vadd.f32 v50, v4;
	v37 =	vmul.f32 v41, v63;
	v38 =	vmul.f32 v10, v63  }
0xba: {  	v11 =	vld [tilespmem:$0x16840];
	v5 =	vadd.f32 v27, v5;
	v40 =	vmul.f32 v12, v63;
	v41 =	vmul.f32 v17, v63  }
0xbb: {  	v8 =	vld [tilespmem:$0x16870];
	v48 =	vmul.f32 v14, v39;
	v50 =	vmul.f32 v16, v46;
	v2 =	vadd.f32 v51, v2  }
0xbc: {  	v15 =	vld [tilespmem:$0x16880];
	v3 =	vadd.f32 v52, v3;
	v4 =	vadd.f32 v53, v4;
	v51 =	vmul.f32 v23, v46  }
0xbd: {  	v13 =	vld [tilespmem:$0x16890];
	v5 =	vadd.f32 v55, v5;
	v52 =	vbroadcast v1, $0xE;
	v53 =	vmul.f32 v24, v46  }
0xbe: {  	v27 =	vld [tilespmem:$0x16810];
	v1 =	vbroadcast v1, $0xF;
	v2 =	vadd.f32 v56, v2;
	v3 =	vadd.f32 v57, v3  }
0xbf: {  	v47 =	vld [tilespmem:$0x168B0];
	v4 =	vadd.f32 v59, v4;
	v55 =	vmul.f32 v28, v52;
	v19 =	vmul.f32 v19, v52  }
0xc0: {  	v12 =	vld [tilespmem:$0x168D0];
	v5 =	vadd.f32 v9, v5;
	v56 =	vmul.f32 v21, v52;
	v57 =	vmul.f32 v29, v52  }
0xc1: {  	v16 =	vld [tilespmem:$0x168E0];
	v58 =	vmul.f32 v30, v1;
	v59 =	vmul.f32 v32, v1;
	v2 =	vadd.f32 v60, v2  }
0xc2: {  	v14 =	vld [tilespmem:$0x16920];
	v3 =	vadd.f32 v61, v3;
	v4 =	vadd.f32 v62, v4;
	v60 =	vbroadcast v0, $0x0  }
0xc3: {  	v9 =	vld [tilespmem:$0x16860];
	v5 =	vadd.f32 v31, v5;
	v61 =	vmul.f32 v34, v1;
	v1 =	vmul.f32 v25, v1  }
0xc4: {  	v17 =	vld [tilespmem:$0x16930];
	v2 =	vadd.f32 v37, v2;
	v3 =	vadd.f32 v38, v3;
	v62 =	vmul.f32 v27, v60  }
0xc5: {  	v39 =	vld [tilespmem:$0x169A0];
	v4 =	vadd.f32 v40, v4;
	v32 =	vmul.f32 v33, v60;
	v33 =	vbroadcast v0, $0x1  }
0xc6: {  	v23 =	vld [tilespmem:$0x16900];
	v5 =	vadd.f32 v41, v5;
	v63 =	vmul.f32 v35, v60;
	v34 =	vmul.f32 v11, v60  }
0xc7: {  	v24 =	vld [tilespmem:$0x16940];
	v38 =	vbroadcast v0, $0x2;
	v2 =	vadd.f32 v42, v2;
	v35 =	vmul.f32 v36, v33  }
0xc8: {  	v21 =	vld [tilespmem:$0x16910];
	v3 =	vadd.f32 v43, v3;
	v37 =	vmul.f32 v9, v33;
	v40 =	vmul.f32 v8, v33  }
0xc9: {  	v29 =	vld [tilespmem:$0x16970];
	v4 =	vadd.f32 v45, v4;
	v41 =	vmul.f32 v15, v33;
	v43 =	vmul.f32 v13, v38  }
0xca: {  	v52 =	vld [tilespmem:$0x169F0];
	v5 =	vadd.f32 v48, v5;
	v44 =	vmul.f32 v44, v38;
	v46 =	vmul.f32 v47, v38  }
0xcb: {  	v30 =	vld [tilespmem:$0x16A50];
	v47 =	vbroadcast v0, $0x3;
	v2 =	vadd.f32 v50, v2;
	v3 =	vadd.f32 v51, v3  }
0xcc: {  	v25 =	vld [tilespmem:$0x16950];
	v49 =	vmul.f32 v49, v38;
	v4 =	vadd.f32 v53, v4;
	v5 =	vadd.f32 v54, v5  }
0xcd: {  	v27 =	vld [tilespmem:$0x16960];
	v51 =	vmul.f32 v12, v47;
	v53 =	vmul.f32 v16, v47;
	v2 =	vadd.f32 v55, v2  }
0xce: {  	v60 =	vld [tilespmem:$0x16A20];
	v54 =	vbroadcast v0, $0x4;
	v3 =	vadd.f32 v19, v3;
	v4 =	vadd.f32 v56, v4  }
0xcf: {  	v36 =	vld [tilespmem:$0x16990];
	v5 =	vadd.f32 v57, v5;
	v56 =	vmul.f32 v20, v47;
	v57 =	vmul.f32 v23, v47  }
0xd0: {  	v42 =	vld [tilespmem:$0x169B0];
	v14 =	vmul.f32 v14, v54;
	v23 =	vmul.f32 v24, v54;
	v2 =	vadd.f32 v58, v2  }
0xd1: {  	v45 =	vld [tilespmem:$0x169C0];
	v47 =	vbroadcast v0, $0x8;
	v3 =	vadd.f32 v59, v3;
	v4 =	vadd.f32 v61, v4  }
0xd2: {  	v48 =	vld [tilespmem:$0x169D0];
	v1 =	vadd.f32 v1, v5;
	v59 =	vmul.f32 v21, v54;
	v61 =	vmul.f32 v17, v54  }
0xd3: {  	v33 =	vld [tilespmem:$0x16A60];
	v2 =	vadd.f32 v62, v2;
	v3 =	vadd.f32 v63, v3;
	v62 =	vbroadcast v0, $0x5  }
0xd4: {  	v50 =	vld [tilespmem:$0x169E0];
	v4 =	vadd.f32 v32, v4;
	v1 =	vadd.f32 v34, v1;
	v32 =	vbroadcast v0, $0x6  }
0xd5: {  	v55 =	vld [tilespmem:$0x16A00];
	v2 =	vadd.f32 v35, v2;
	v28 =	vmul.f32 v25, v62;
	v31 =	vmul.f32 v27, v62  }
0xd6: {  	v24 =	vld [tilespmem:$0x16A40];
	v3 =	vadd.f32 v37, v3;
	v34 =	vmul.f32 v29, v62;
	v6 =	vmul.f32 v6, v62  }
0xd7: {  	v58 =	vld [tilespmem:$0x16A10];
	v4 =	vadd.f32 v40, v4;
	v36 =	vmul.f32 v36, v32;
	v37 =	vmul.f32 v39, v32  }
0xd8: {  	v63 =	vld [tilespmem:$0x16A30];
	v1 =	vadd.f32 v41, v1;
	v39 =	vmul.f32 v42, v32;
	v40 =	vbroadcast v0, $0x7  }
0xd9: {  	v38 =	vld [tilespmem:$0x16A80];
	v42 =	vmul.f32 v45, v32;
	v29 =	vbroadcast v0, $0xB;
	v2 =	vadd.f32 v43, v2  }
0xda: {  	v54 =	vld [tilespmem:$0x16AE0];
	v3 =	vadd.f32 v44, v3;
	v4 =	vadd.f32 v46, v4;
	v44 =	vmul.f32 v48, v40  }
0xdb: {  	v41 =	vld [tilespmem:$0x16A90];
	v1 =	vadd.f32 v49, v1;
	v46 =	vmul.f32 v50, v40;
	v49 =	vmul.f32 v52, v40  }
0xdc: {  	v35 =	vld [tilespmem:$0x16A70];
	v50 =	vmul.f32 v55, v40;
	v52 =	vmul.f32 v58, v47  }
0xdd: {  	v45 =	vld [tilespmem:$0x16AB0];
	v58 =	vmul.f32 v24, v47;
	v55 =	vmul.f32 v63, v47;
	v2 =	vadd.f32 v51, v2  }
0xde: {  	v43 =	vld [tilespmem:$0x16AA0];
	v63 =	vbroadcast v0, $0xA;
	v3 =	vadd.f32 v53, v3;
	v4 =	vadd.f32 v56, v4  }
0xdf: {  	v48 =	vld [tilespmem:$0x16AC0];
	v1 =	vadd.f32 v57, v1;
	v53 =	vmul.f32 v60, v47;
	v56 =	vbroadcast v0, $0x9  }
0xe0: {  	v51 =	vld [tilespmem:$0x16AD0];
	v26 =	vmul.f32 v41, v63;
	v2 =	vadd.f32 v59, v2;
	v3 =	vadd.f32 v14, v3  }
0xe1: {  	v57 =	vld [tilespmem:$0x16AF0];
	v4 =	vadd.f32 v61, v4;
	v60 =	vmul.f32 v30, v56;
	v62 =	vmul.f32 v33, v56  }
0xe2: {  	v1 =	vadd.f32 v23, v1;
	v22 =	vmul.f32 v35, v56;
	v24 =	vmul.f32 v38, v56  }
0xe3: {  	v21 =	vld [tilespmem:$0x16B20];
	v35 =	vmul.f32 v54, v29;
	v2 =	vadd.f32 v28, v2;
	v3 =	vadd.f32 v31, v3  }
0xe4: {  	v59 =	vld [tilespmem:$0x16B00];
	v1 =	vadd.f32 v6, v1;
	v6 =	vmul.f32 v43, v63;
	v28 =	vmul.f32 v45, v63  }
0xe5: {  	v61 =	vld [tilespmem:$0x16B10];
	v4 =	vadd.f32 v34, v4;
	v31 =	vmul.f32 v48, v63;
	v33 =	vmul.f32 v51, v29  }
0xe6: {  	v25 =	vld [tilespmem:$0x16B30];
	v38 =	vmul.f32 v57, v29;
	v2 =	vadd.f32 v36, v2;
	v3 =	vadd.f32 v37, v3  }
0xe7: {  	v27 =	vld [tilespmem:$0x16B40];
	v51 =	vbroadcast v0, $0xE;
	v4 =	vadd.f32 v39, v4;
	v1 =	vadd.f32 v42, v1  }
0xe8: {  	v36 =	vbroadcast v0, $0xC;
	v2 =	vadd.f32 v44, v2;
	v3 =	vadd.f32 v46, v3  }
0xe9: {  	v47 =	vld [tilespmem:$0x16BC0];
	v8 =	vmul.f32 v59, v29;
	v4 =	vadd.f32 v49, v4;
	v1 =	vadd.f32 v50, v1  }
0xea: {  	v45 =	vld [tilespmem:$0x16BB0];
	v40 =	vmul.f32 v61, v36;
	v41 =	vmul.f32 v21, v36;
	v2 =	vadd.f32 v52, v2  }
0xeb: {  	v30 =	vld [tilespmem:$0x16B50];
	v43 =	vmul.f32 v25, v36;
	v44 =	vbroadcast v0, $0xD;
	v3 =	vadd.f32 v53, v3  }
0xec: {  	v32 =	vld [tilespmem:$0x16B60];
	v46 =	vmul.f32 v27, v36;
	v4 =	vadd.f32 v55, v4;
	v2 =	vadd.f32 v60, v2  }
0xed: {  	v34 =	vld [tilespmem:$0x16B70];
	v0 =	vbroadcast v0, $0xF;
	v1 =	vadd.f32 v58, v1;
	v3 =	vadd.f32 v62, v3  }
0xee: {  	v37 =	vld [tilespmem:$0x16B80];
	v61 =	vmul.f32 v47, v51;
	v4 =	vadd.f32 v22, v4;
	v2 =	vadd.f32 v26, v2  }
0xef: {  	v39 =	vld [tilespmem:$0x16B90];
	v59 =	vmul.f32 v45, v51;
	v1 =	vadd.f32 v24, v1;
	v3 =	vadd.f32 v6, v3  }
0xf0: {  	v42 =	vld [tilespmem:$0x16BA0];
	v48 =	vmul.f32 v30, v44;
	v4 =	vadd.f32 v28, v4;
	v2 =	vadd.f32 v33, v2  }
0xf1: {  	v49 =	vld [tilespmem:$0x16BD0];
	v50 =	vmul.f32 v32, v44;
	v1 =	vadd.f32 v31, v1;
	v3 =	vadd.f32 v35, v3  }
0xf2: {  	v52 =	vld [tilespmem:$0x16BE0];
	v53 =	vmul.f32 v34, v44;
	v4 =	vadd.f32 v38, v4;
	v2 =	vadd.f32 v40, v2  }
0xf3: {  	v55 =	vld [tilespmem:$0x16BF0];
	v54 =	vmul.f32 v37, v44;
	v1 =	vadd.f32 v8, v1;
	v3 =	vadd.f32 v41, v3  }
0xf4: {  	v57 =	vld [tilespmem:$0x16C00];
	v56 =	vmul.f32 v39, v51;
	v4 =	vadd.f32 v43, v4;
	v2 =	vadd.f32 v48, v2  }
0xf5: {  	v58 =	vmul.f32 v42, v51;
	v1 =	vadd.f32 v46, v1;
	v3 =	vadd.f32 v50, v3  }
0xf6: {  	v60 =	vmul.f32 v49, v0;
	v4 =	vadd.f32 v53, v4;
	v2 =	vadd.f32 v56, v2  }
0xf7: {  	v62 =	vmul.f32 v52, v0;
	v1 =	vadd.f32 v54, v1;
	v3 =	vadd.f32 v58, v3  }
0xf8: {  	v63 =	vmul.f32 v55, v0;
	v4 =	vadd.f32 v59, v4;
	v2 =	vadd.f32 v60, v2  }
0xf9: {  	s21 =	sshra.s32 s20, $0x2;
	v0 =	vmul.f32 v57, v0;
	v1 =	vadd.f32 v61, v1;
	v3 =	vadd.f32 v62, v3  }
0xfa: {  	v4 =	vadd.f32 v63, v4;
	[tilespmem:s21+$0xE410] =	vst v2  }
0xfb: {  	v0 =	vadd.f32 v0, v1;
	[tilespmem:s21+$0xE420] =	vst v3  }
0xfc: {  	[tilespmem:s21+$0xE430] =	vst v4  }
0xfd: {  	[tilespmem:s21+$0xE440] =	vst v0  }
.LBB2_7:
0xfe: {  	s20 =	sadd.s32 $0x100, s20  }
0xff: {  	p0 =	sne.s32 s20, $0x20000  }
.Ltmp3:
0x100: {  	_ = 	snop;
	(pc) =	sbr.rel @!p0 .LBB2_8-.Ltmp3, $2  }
0x101: {  	_ =	sdelay $0x2  }
0x102: {  	s18 =	sadd.s32 $0x20, s18;
	s16 =	sadd.s32 $0x1, s16;
	s17 =	sadd.s32 $0x10, s17  }
.LBB2_2:
0x103: {  	v0 =	vld [tilespmem:s16+$0x0];
	_ =	sdelay $0x4  }
0x104: {  	(v2sf) =	vpush v0, $0x0;
	_ =	sdelay $0xe  }
0x105: {  	s21 =	spop (v2sf)  }
0x106: {  	p0 =	seq.s32 s21, $0x2  }
.Ltmp4:
0x107: {  	_ = 	snop;
	(pc) =	sbr.rel @p0 .LBB2_6-.Ltmp4, $1  }
0x108: {  	_ =	sdelay $0x3  }
0x109: {  	p0 =	seq.s32 s21, $0x1  }
.Ltmp5:
0x10a: {  	_ = 	snop;
	(pc) =	sbr.rel @p0 .LBB2_5-.Ltmp5, $1  }
0x10b: {  	_ =	sdelay $0x3  }
0x10c: {  	p0 =	sne.s32 s21, $0x0  }
0x10d: {  	s21 =	sshra.s32 @!p0 s20, $0x2  }
0x10e: {  	v0 =	vld @!p0 [tilespmem:s21+$0x410]  }
0x10f: {  	v1 =	vld @!p0 [tilespmem:s21+$0x420]  }
0x110: {  	v2 =	vld @!p0 [tilespmem:s21+$0x430]  }
0x111: {  	v3 =	vld @!p0 [tilespmem:s21+$0x440]  }
.Ltmp6:
0x112: {  	_ = 	snop;
	(pc) =	sbr.rel .LBB2_7-.Ltmp6, $4  }
0x113: {  	[tilespmem:s21+$0xE410] =	vst @!p0 v0  }
0x114: {  	[tilespmem:s21+$0xE420] =	vst @!p0 v1  }
0x115: {  	[tilespmem:s21+$0xE430] =	vst @!p0 v2  }
0x116: {  	[tilespmem:s21+$0xE440] =	vst @!p0 v3  }
.LBB2_6:
0x117: {  	v0 =	vld [tilespmem:s17+$0x0]  }
0x118: {  	v1 =	vld [tilespmem:$0x17050]  }
0x119: {  	v2 =	vld [tilespmem:$0x17060]  }
0x11a: {  	v3 =	vld [tilespmem:$0x17070]  }
0x11b: {  	v4 =	vld [tilespmem:$0x17080]  }
0x11c: {  	v5 =	vld [tilespmem:$0x16C50]  }
0x11d: {  	v6 =	vld [tilespmem:$0x16C60]  }
0x11e: {  	v7 =	vld [tilespmem:$0x16C70]  }
0x11f: {  	v8 =	vld [tilespmem:$0x16C80]  }
0x120: {  	v9 =	vld [tilespmem:$0x16C90]  }
0x121: {  	v10 =	vld [tilespmem:$0x16CA0]  }
0x122: {  	v11 =	vld [tilespmem:$0x16CB0]  }
0x123: {  	v12 =	vld [tilespmem:$0x16CC0]  }
0x124: {  	v13 =	vld [tilespmem:$0x16CD0]  }
0x125: {  	v14 =	vld [tilespmem:$0x16CE0]  }
0x126: {  	v15 =	vld [tilespmem:$0x16CF0]  }
0x127: {  	v16 =	vld [tilespmem:$0x16D00]  }
0x128: {  	v17 =	vld [tilespmem:$0x16D10]  }
0x129: {  	v18 =	vld [tilespmem:$0x16D20]  }
0x12a: {  	v19 =	vld [tilespmem:$0x16D30]  }
0x12b: {  	v20 =	vld [tilespmem:$0x16D40]  }
0x12c: {  	v21 =	vld [tilespmem:$0x16D50]  }
0x12d: {  	v22 =	vld [tilespmem:$0x16D60]  }
0x12e: {  	v23 =	vld [tilespmem:$0x16D70]  }
0x12f: {  	v25 =	vld [tilespmem:$0x16D80];
	v24 =	vbroadcast v0, $0x0;
	v28 =	vbroadcast v0, $0x1  }
0x130: {  	v26 =	vld [tilespmem:$0x16D90];
	v38 =	vbroadcast v0, $0x2;
	v47 =	vbroadcast v0, $0x3  }
0x131: {  	v27 =	vld [tilespmem:$0x16DA0];
	v54 =	vbroadcast v0, $0x4;
	v62 =	vbroadcast v0, $0x5  }
0x132: {  	v29 =	vld [tilespmem:$0x16DB0];
	v31 =	vbroadcast v0, $0x6;
	v5 =	vmul.f32 v5, v24  }
0x133: {  	v34 =	vld [tilespmem:$0x16DC0];
	v6 =	vmul.f32 v6, v24;
	v7 =	vmul.f32 v7, v24  }
0x134: {  	v36 =	vld [tilespmem:$0x16DD0];
	v33 =	vmul.f32 v8, v24;
	v35 =	vmul.f32 v9, v28  }
0x135: {  	v39 =	vld [tilespmem:$0x16DE0];
	v37 =	vmul.f32 v10, v28;
	v40 =	vmul.f32 v11, v28  }
0x136: {  	v42 =	vld [tilespmem:$0x16DF0];
	v41 =	vmul.f32 v12, v28;
	v43 =	vmul.f32 v13, v38  }
0x137: {  	v45 =	vld [tilespmem:$0x16E00];
	v44 =	vmul.f32 v14, v38;
	v46 =	vmul.f32 v15, v38  }
0x138: {  	v48 =	vld [tilespmem:$0x16E10];
	v49 =	vmul.f32 v16, v38;
	v51 =	vmul.f32 v17, v47  }
0x139: {  	v50 =	vld [tilespmem:$0x16E20];
	v53 =	vmul.f32 v18, v47;
	v56 =	vmul.f32 v19, v47  }
0x13a: {  	v52 =	vld [tilespmem:$0x16E30];
	v15 =	vmul.f32 v20, v47;
	v58 =	vmul.f32 v21, v54  }
0x13b: {  	v55 =	vld [tilespmem:$0x16E40];
	v59 =	vmul.f32 v22, v54;
	v61 =	vmul.f32 v23, v54  }
0x13c: {  	v57 =	vld [tilespmem:$0x16E50];
	v23 =	vmul.f32 v25, v54;
	v26 =	vmul.f32 v26, v62  }
0x13d: {  	v60 =	vld [tilespmem:$0x16E60];
	v30 =	vmul.f32 v27, v62;
	v8 =	vmul.f32 v34, v62;
	v1 =	vadd.f32 v5, v1  }
0x13e: {  	v38 =	vmul.f32 v42, v31;
	v47 =	vld [tilespmem:$0x16F00];
	v2 =	vadd.f32 v6, v2;
	v3 =	vadd.f32 v7, v3  }
0x13f: {  	v63 =	vld [tilespmem:$0x16E70];
	v4 =	vadd.f32 v33, v4;
	v33 =	vmul.f32 v29, v62;
	v62 =	vbroadcast v0, $0xA  }
0x140: {  	v32 =	vld [tilespmem:$0x16EA0];
	v29 =	vbroadcast v0, $0xB;
	v1 =	vadd.f32 v35, v1;
	v2 =	vadd.f32 v37, v2  }
0x141: {  	v25 =	vld [tilespmem:$0x16E80];
	v3 =	vadd.f32 v40, v3;
	v35 =	vmul.f32 v36, v31;
	v36 =	vmul.f32 v39, v31  }
0x142: {  	v28 =	vld [tilespmem:$0x16E90];
	v4 =	vadd.f32 v41, v4;
	v39 =	vbroadcast v0, $0x7;
	v41 =	vmul.f32 v45, v31  }
0x143: {  	v34 =	vld [tilespmem:$0x16EB0];
	v31 =	vmul.f32 v47, v62;
	v1 =	vadd.f32 v43, v1;
	v2 =	vadd.f32 v44, v2  }
0x144: {  	v42 =	vld [tilespmem:$0x16EE0];
	v3 =	vadd.f32 v46, v3;
	v43 =	vmul.f32 v48, v39;
	v45 =	vmul.f32 v50, v39  }
0x145: {  	v37 =	vld [tilespmem:$0x16EC0];
	v4 =	vadd.f32 v49, v4;
	v46 =	vbroadcast v0, $0x8;
	v48 =	vmul.f32 v52, v39  }
0x146: {  	v40 =	vld [tilespmem:$0x16ED0];
	v49 =	vmul.f32 v55, v39;
	v55 =	vbroadcast v0, $0x9;
	v1 =	vadd.f32 v51, v1  }
0x147: {  	v44 =	vld [tilespmem:$0x16EF0];
	v2 =	vadd.f32 v53, v2;
	v3 =	vadd.f32 v56, v3;
	v51 =	vmul.f32 v57, v46  }
0x148: {  	v50 =	vld [tilespmem:$0x16F10];
	v4 =	vadd.f32 v15, v4;
	v52 =	vmul.f32 v60, v46;
	v54 =	vmul.f32 v63, v46  }
0x149: {  	v53 =	vld [tilespmem:$0x16F20];
	v57 =	vmul.f32 v25, v46;
	v24 =	vmul.f32 v34, v55;
	v1 =	vadd.f32 v58, v1  }
0x14a: {  	v56 =	vld [tilespmem:$0x16F30];
	v10 =	vmul.f32 v37, v55;
	v2 =	vadd.f32 v59, v2;
	v3 =	vadd.f32 v61, v3  }
0x14b: {  	v60 =	vld [tilespmem:$0x16F50];
	v4 =	vadd.f32 v23, v4;
	v59 =	vmul.f32 v28, v55;
	v61 =	vmul.f32 v32, v55  }
0x14c: {  	v34 =	vld [tilespmem:$0x16FB0];
	v28 =	vmul.f32 v44, v62;
	v1 =	vadd.f32 v26, v1;
	v2 =	vadd.f32 v30, v2  }
0x14d: {  	v58 =	vld [tilespmem:$0x16F40];
	v44 =	vbroadcast v0, $0xD;
	v3 =	vadd.f32 v33, v3;
	v4 =	vadd.f32 v8, v4  }
0x14e: {  	v32 =	vld [tilespmem:$0x16FA0];
	v26 =	vmul.f32 v40, v62;
	v8 =	vmul.f32 v42, v62;
	v1 =	vadd.f32 v35, v1  }
0x14f: {  	v63 =	vld [tilespmem:$0x16F60];
	v33 =	vmul.f32 v50, v29;
	v2 =	vadd.f32 v36, v2;
	v3 =	vadd.f32 v38, v3  }
0x150: {  	v25 =	vld [tilespmem:$0x16F70];
	v4 =	vadd.f32 v41, v4;
	v35 =	vmul.f32 v53, v29;
	v36 =	vbroadcast v0, $0xC  }
0x151: {  	v27 =	vld [tilespmem:$0x16F80];
	v38 =	vmul.f32 v56, v29;
	v53 =	vmul.f32 v34, v44;
	v1 =	vadd.f32 v43, v1  }
0x152: {  	v30 =	vld [tilespmem:$0x16F90];
	v7 =	vmul.f32 v58, v29;
	v2 =	vadd.f32 v45, v2;
	v3 =	vadd.f32 v48, v3  }
0x153: {  	v50 =	vmul.f32 v32, v44;
	v4 =	vadd.f32 v49, v4;
	v1 =	vadd.f32 v51, v1  }
0x154: {  	v37 =	vld [tilespmem:$0x16FC0];
	v40 =	vmul.f32 v60, v36;
	v41 =	vmul.f32 v63, v36;
	v2 =	vadd.f32 v52, v2  }
0x155: {  	v43 =	vmul.f32 v25, v36;
	v3 =	vadd.f32 v54, v3;
	v1 =	vadd.f32 v59, v1  }
0x156: {  	v39 =	vld [tilespmem:$0x16FD0];
	v46 =	vmul.f32 v27, v36;
	v4 =	vadd.f32 v57, v4;
	v2 =	vadd.f32 v61, v2  }
0x157: {  	v42 =	vld [tilespmem:$0x16FE0];
	v48 =	vmul.f32 v30, v44;
	v3 =	vadd.f32 v24, v3;
	v1 =	vadd.f32 v26, v1  }
0x158: {  	v47 =	vld [tilespmem:$0x17000];
	v51 =	vbroadcast v0, $0xE;
	v4 =	vadd.f32 v10, v4;
	v2 =	vadd.f32 v8, v2  }
0x159: {  	v45 =	vld [tilespmem:$0x16FF0];
	v54 =	vmul.f32 v37, v44;
	v3 =	vadd.f32 v28, v3;
	v1 =	vadd.f32 v33, v1  }
0x15a: {  	v49 =	vld [tilespmem:$0x17010];
	v0 =	vbroadcast v0, $0xF;
	v4 =	vadd.f32 v31, v4;
	v2 =	vadd.f32 v35, v2  }
0x15b: {  	v52 =	vld [tilespmem:$0x17020];
	v56 =	vmul.f32 v39, v51;
	v3 =	vadd.f32 v38, v3;
	v1 =	vadd.f32 v40, v1  }
0x15c: {  	v55 =	vld [tilespmem:$0x17030];
	v58 =	vmul.f32 v42, v51;
	v4 =	vadd.f32 v7, v4;
	v2 =	vadd.f32 v41, v2  }
0x15d: {  	v57 =	vld [tilespmem:$0x17040];
	v61 =	vmul.f32 v47, v51;
	v3 =	vadd.f32 v43, v3;
	v1 =	vadd.f32 v48, v1  }
0x15e: {  	v59 =	vmul.f32 v45, v51;
	v4 =	vadd.f32 v46, v4;
	v2 =	vadd.f32 v50, v2  }
0x15f: {  	v60 =	vmul.f32 v49, v0;
	v3 =	vadd.f32 v53, v3;
	v1 =	vadd.f32 v56, v1  }
0x160: {  	v62 =	vmul.f32 v52, v0;
	v4 =	vadd.f32 v54, v4;
	v2 =	vadd.f32 v58, v2  }
0x161: {  	v63 =	vmul.f32 v55, v0;
	v3 =	vadd.f32 v59, v3;
	v1 =	vadd.f32 v60, v1  }
.Ltmp7:
0x162: {  	s21 =	sshra.s32 s20, $0x2;
	v0 =	vmul.f32 v57, v0;
	v4 =	vadd.f32 v61, v4;
	v2 =	vadd.f32 v62, v2;
	(pc) =	sbr.rel .LBB2_7-.Ltmp7, $4  }
0x163: {  	v3 =	vadd.f32 v63, v3;
	[tilespmem:s21+$0xE410] =	vst v1  }
0x164: {  	v0 =	vadd.f32 v0, v4;
	[tilespmem:s21+$0xE420] =	vst v2  }
0x165: {  	[tilespmem:s21+$0xE430] =	vst v3  }
0x166: {  	[tilespmem:s21+$0xE440] =	vst v0  }
.LBB2_9:
0x167: {  	_ =	sfence.sel $0x180000  }
0x168: {  	[bflag:$0x0] =	sbarrier.arrive $0xFFFF  }
0x169: {  	_ =	strace $0x90000047  }
0x16a: {  	s0 =	stileid.u32;
	[bflag:$0x2] =	sbarrier.arrive $0xFFFF  }
0x16b: {  	p0 =	sne.s32 s0, $0x0;
	s0 =	rddreg [dreg:$0x5]  }
0x16c: {  	s0 =	sadd.s32 @!p0 $0x100000, s0  }
0x16d: {  	[sflag:s0] =	ssyncadd.tile.s32 @!p0 $0x1;
	_ =	shalt  }
.Lfunc_end2:
_tile_overlayer_lowered:
.L_overlay_start_2:
0x16e: {  	(tag) =	ssettag $0x2  }
0x16f: {  	s0 =	rddreg [dreg:$0x0];
	s2 =	stileid.u32  }
0x170: {  	s1 =	rddreg [dreg:$0x1];
	p0 =	sne.s32 s2, $0x0  }
0x171: {  	s3 =	rddreg [dreg:$0x2];
	[bflag:$0x3] =	sbarrier.arrive $0xFFFF;
	s2 =	simm.s32 @!p0 $0x1C02  }
0x172: {  	[timem:s3], [sflag:s2] =	dma.local @!p0 [hbm:s0], s1  }
0x173: {  	s0 =	simm.s32 @!p0 $0x2  }
0x174: {  	_ =	swait.ge @!p0 [sflag:s0], s1  }
0x175: {  	s1 =	ssub.s32 @!p0 $0x0, s1;
	[sflag:s0] =	ssyncset.done @!p0 $0x0  }
0x176: {  	[sflag:s0] =	ssyncadd.s32 @!p0 s1  }
0x177: {  	[bflag:$0x3] =	sbarrier.arrive $0xFFFF  }
0x178: {  	_ =	shalt  }

</sc_bundles>
